<compile_context>
chip_gen: v7x
topology: tpu7x:2x2x1
jax: 0.10.2.dev20260603
libtpu: 0.0.44.dev20260713+nightly
codegen_flags: <defaults>
</compile_context>

<pallas_src>
import jax
import jax.numpy as jnp
from jax import lax
from jax.experimental import pallas as pl
from jax.experimental.pallas import tpu as pltpu
from jax.experimental.pallas import tpu_sc as plsc

B, N, D, D1, HID = 64, 32768, 128, 32, 64
K_TOP = 16
CHUNK = 128
NCH = N // CHUNK
ROWS_BLK = 16384
NBLK = N // ROWS_BLK
CPB = ROWS_BLK // CHUNK
NC, NS, L = 2, 16, 16
NW = NC * NS
QPW = B // NW
_HI = lax.Precision.HIGHEST
_DN_NT = (((1,), (1,)), ((), ()))



def _scores_body(q_ref, wq_ref, wk_ref, keys_ref, out_ref, cmax_ref):
    q1 = lax.dot_general(q_ref[...], wq_ref[...], _DN_NT,
                         preferred_element_type=jnp.float32)
    kc = lax.dot_general(keys_ref[...], wk_ref[...], _DN_NT,
                         preferred_element_type=jnp.float32)
    s = lax.dot_general(q1, kc, _DN_NT, preferred_element_type=jnp.float32)
    s3 = s.reshape(B, CPB, CHUNK)
    out_ref[...] = s3
    cmax_ref[...] = jnp.max(s3, axis=2).reshape(1, B, CPB)


def _scores(query, Wq, Wk, keys):
    return pl.pallas_call(
        _scores_body,
        grid=(NBLK,),
        in_specs=[
            pl.BlockSpec((B, D), lambda i: (0, 0)),
            pl.BlockSpec((D, D), lambda i: (0, 0)),
            pl.BlockSpec((D, D), lambda i: (0, 0)),
            pl.BlockSpec((ROWS_BLK, D), lambda i: (i, 0)),
        ],
        out_specs=(pl.BlockSpec((B, CPB, CHUNK), lambda i: (0, i, 0)),
                   pl.BlockSpec((1, B, CPB), lambda i: (i, 0, 0))),
        out_shape=(jax.ShapeDtypeStruct((B, NCH, CHUNK), jnp.float32),
                   jax.ShapeDtypeStruct((NBLK, B, CPB), jnp.float32)),
    )(query, Wq, Wk, keys)



def _merge16(cv, ci, v, idx):
    sv, si = plsc.sort_key_val(v, idx, descending=False)
    svr = lax.rev(sv, (0,))
    sir = lax.rev(si, (0,))
    nv = jnp.maximum(svr, cv)
    ni = jnp.where(svr >= cv, sir, ci)
    return plsc.sort_key_val(nv, ni, descending=False)


def _sc_body(cmax_hbm, scores_hbm, values_hbm, idx_out, val_out, rows_out,
             cmbuf0, cmbuf1, chid0, chid1, gidx0, gidx1, cbuf0, cbuf1,
             idx_v0, idx_v1, val_v0, val_v1, rows_v0, rows_v1,
             semcm, semc0, semc1, semv0, semv1, semo):
    wid = lax.axis_index("s") * NC + lax.axis_index("c")
    iota = lax.iota(jnp.int32, L)
    ninf = jnp.full((L,), -jnp.inf, jnp.float32)
    zero_i = jnp.zeros((L,), jnp.int32)
    q0 = wid * QPW
    cmbufs = (cmbuf0, cmbuf1)
    chids = (chid0, chid1)
    gidxs = (gidx0, gidx1)
    cbufs = (cbuf0, cbuf1)
    idx_vs = (idx_v0, idx_v1)
    val_vs = (val_v0, val_v1)
    rows_vs = (rows_v0, rows_v1)
    semcs = (semc0, semc1)
    semvs = (semv0, semv1)
    scores2d = scores_hbm

    cm_copies = []
    for j in range(QPW):
        for blk in range(NBLK):
            cp = pltpu.make_async_copy(
                cmax_hbm.at[blk, q0 + j],
                cmbufs[j].at[pl.ds(blk * CPB, CPB)], semcm)
            cp.start()
            cm_copies.append(cp)
    for cp in cm_copies:
        cp.wait()

    taus = []
    for j in range(QPW):
        q = q0 + j
        cv, ci = ninf, zero_i
        for k in range(NCH // L):
            cv, ci = _merge16(cv, ci, cmbufs[j][pl.ds(k * L, L)],
                              k * L + iota)
        taus.append(-plsc.cummax(lax.rev(plsc.cummax(-cv), (0,))))
        chids[j][...] = ci
        gidxs[j][...] = ci + q * NCH
        pltpu.async_copy(scores2d.at[gidxs[j]], cbufs[j], semcs[j]).start()

    out_copies = []
    for j in range(QPW):
        q = q0 + j
        tau_vec = taus[j]
        chid = chids[j]
        cbuf = cbufs[j]
        pltpu.make_async_copy(scores2d.at[gidxs[j]], cbuf, semcs[j]).wait()

        def scan_step(t, carry):
            g = t // (CHUNK // L)
            r = t % (CHUNK // L)
            v = plsc.load_gather(
                cbuf, [jnp.full((L,), g, jnp.int32), r * L + iota])
            hit = jnp.any(v >= tau_vec)

            def merge(c):
                cid = plsc.load_gather(chid, [jnp.full((L,), g, jnp.int32)])
                nv, ni = _merge16(c[0], c[1], v, cid * CHUNK + r * L + iota)
                return (nv, ni)

            return lax.cond(hit, merge, lambda c: c, carry)

        cur_v, cur_i = lax.fori_loop(
            0, K_TOP * (CHUNK // L), scan_step, (ninf, zero_i), unroll=4)

        idx_vs[j][...] = cur_i
        val_vs[j][...] = cur_v
        pltpu.async_copy(values_hbm.at[idx_vs[j]], rows_vs[j],
                         semvs[j]).start()
        for src, dst in ((idx_vs[j], idx_out.at[q]),
                         (val_vs[j], val_out.at[q])):
            cp = pltpu.make_async_copy(src, dst, semo)
            cp.start()
            out_copies.append(cp)

    for j in range(QPW):
        q = q0 + j
        pltpu.make_async_copy(values_hbm.at[idx_vs[j]], rows_vs[j],
                              semvs[j]).wait()
        cp = pltpu.make_async_copy(rows_vs[j], rows_out.at[q], semo)
        cp.start()
        out_copies.append(cp)
    for cp in out_copies:
        cp.wait()


def _sc_topk_gather(cmax, scores, values):
    mesh = plsc.VectorSubcoreMesh(core_axis_name="c", subcore_axis_name="s",
                                  num_cores=NC, num_subcores=NS)
    fn = pl.kernel(
        _sc_body,
        out_type=(jax.ShapeDtypeStruct((B, K_TOP), jnp.int32),
                  jax.ShapeDtypeStruct((B, K_TOP), jnp.float32),
                  jax.ShapeDtypeStruct((B, K_TOP, D), jnp.float32)),
        mesh=mesh,
        compiler_params=pltpu.CompilerParams(needs_layout_passes=False,
                                             use_tc_tiling_on_sc=False),
        scratch_types=(
            [pltpu.VMEM((NCH,), jnp.float32)] * 2
            + [pltpu.VMEM((K_TOP,), jnp.int32)] * 4
            + [pltpu.VMEM((K_TOP, CHUNK), jnp.float32)] * 2
            + [pltpu.VMEM((K_TOP,), jnp.int32)] * 2
            + [pltpu.VMEM((K_TOP,), jnp.float32)] * 2
            + [pltpu.VMEM((K_TOP, D), jnp.float32)] * 2
            + [pltpu.SemaphoreType.DMA] * 6
        ),
    )
    return fn(cmax, scores, values)



def _final_body(rows_ref, sc_ref, pf_ref, wv_ref, w1_ref, b1_ref, w2_ref,
                b2_ref, gamma_ref, beta_ref, out_ref):
    vt = rows_ref[...].reshape(B * K_TOP, D)
    vtop = lax.dot_general(vt, wv_ref[...], _DN_NT,
                           preferred_element_type=jnp.float32, precision=_HI)
    w1 = w1_ref[...]
    h1 = lax.dot_general(vtop, w1[:, :D], _DN_NT,
                         preferred_element_type=jnp.float32, precision=_HI)
    pfh = lax.dot_general(pf_ref[...], w1[:, D:], _DN_NT,
                          preferred_element_type=jnp.float32, precision=_HI)
    pfh = jnp.broadcast_to(pfh[:, None, :], (B, K_TOP, HID)).reshape(
        B * K_TOP, HID)
    h = jnp.maximum(h1 + pfh + b1_ref[...], 0.0)
    h2 = lax.dot_general(h, w2_ref[...], _DN_NT,
                         preferred_element_type=jnp.float32,
                         precision=_HI) + b2_ref[...]
    mu = jnp.mean(h2, axis=1, keepdims=True)
    var = jnp.mean((h2 - mu) * (h2 - mu), axis=1, keepdims=True)
    hn = (h2 - mu) * lax.rsqrt(var + 1e-5) * gamma_ref[...] + beta_ref[...]
    adapted = (vtop + hn).reshape(B, K_TOP, D)

    s = sc_ref[...] * (1.0 / (D ** 0.5))
    e = jnp.exp(s - jnp.max(s, axis=1, keepdims=True))
    w = e / jnp.sum(e, axis=1, keepdims=True)
    out_ref[...] = jnp.sum(adapted * w[:, :, None], axis=1)


def _final(rows, scs, pf, Wv, w1, b1, w2, b2, gamma, beta):
    return pl.pallas_call(
        _final_body,
        out_shape=jax.ShapeDtypeStruct((B, D), jnp.float32),
    )(rows, scs, pf, Wv, w1, b1.reshape(1, HID), w2, b2.reshape(1, D),
      gamma.reshape(1, D), beta.reshape(1, D))



def kernel(query, keys, values, top_k, chunk_size, param_feats,
           Wq, Wk, Wv, w1, b1, w2, b2, gamma, beta):
    if query.ndim == 1:
        query = query[None, :]
    scores, cmax = _scores(query, Wq, Wk, keys)
    _, vals, rows = _sc_topk_gather(cmax, scores.reshape(B * NCH, CHUNK),
                                    values)
    return _final(rows, vals, param_feats, Wv, w1, b1, w2, b2, gamma, beta)

# --- scband reference (transcript-rebuilt; emitter-appended) ---
"""Pipeline reference for scband-single-head-cross-attention-20624432955539 (READ-ONLY COPY).

The authoritative reference and input builder live on the scoring server;
editing this copy changes nothing except your own understanding.
"""

import jax, jax.numpy as jnp
import numpy as np

B, N, D, D1, HID = 64, 32768, 128, 32, 64

def setup_inputs(seed: int = 0) -> dict:
    key = jax.random.key(seed)
    ks = jax.random.split(key, 12)
    query = jax.random.normal(ks[0], (B, D), jnp.float32)
    keys = jax.random.normal(ks[1], (N, D), jnp.float32)
    values = jax.random.normal(ks[2], (N, D), jnp.float32)
    param_feats = jax.random.normal(ks[3], (B, D1), jnp.float32)
    Wq = jax.random.normal(ks[4], (D, D), jnp.float32) / np.sqrt(D)
    Wk = jax.random.normal(ks[5], (D, D), jnp.float32) / np.sqrt(D)
    Wv = jax.random.normal(ks[6], (D, D), jnp.float32) / np.sqrt(D)
    w1 = jax.random.normal(ks[7], (HID, D + D1), jnp.float32) * np.sqrt(2.0 / (D + D1 + HID))
    b1 = jax.random.normal(ks[8], (HID,), jnp.float32) * 0.001
    w2 = jax.random.normal(ks[9], (D, HID), jnp.float32) * np.sqrt(2.0 / (HID + D))
    b2 = jax.random.normal(ks[10], (D,), jnp.float32) * 0.001
    gamma = jnp.ones((D,), jnp.float32)
    beta = jnp.zeros((D,), jnp.float32)
    return {"query": query, "keys": keys, "values": values, "top_k": 16,
            "chunk_size": 128, "param_feats": param_feats, "Wq": Wq, "Wk": Wk,
            "Wv": Wv, "w1": w1, "b1": b1, "w2": w2, "b2": b2,
            "gamma": gamma, "beta": beta}

def reference(query, keys, values, top_k, chunk_size, param_feats,
              Wq, Wk, Wv, w1, b1, w2, b2, gamma, beta):
    d = query.shape[-1]
    if query.ndim == 1:
        query = query[None, :]
    top_k_static = 16
    chunk_size_static = 128
    dep = (jnp.asarray(top_k) * 0 + jnp.asarray(chunk_size) * 0).astype(query.dtype)
    Q = (query @ Wq.T)[:, None, :] + dep                # [B,1,d]
    K = keys @ Wk.T                                     # [N,d]
    V = values @ Wv.T                                   # [N,d]
    scale = d ** 0.5
    n = K.shape[0]
    scores_list, idx_list = [], []
    for start in range(0, n, chunk_size_static):
        end = min(start + chunk_size_static, n)
        Kc = K[start:end]                               # [c,d]
        ps = jnp.einsum('bqd,cd->bqc', Q, Kc)           # [B,1,c]
        ts, ti = jax.lax.top_k(ps, top_k_static)
        scores_list.append(ts)
        idx_list.append(ti + start)
    attn_scores = jnp.concatenate(scores_list, axis=-1)  # [B,1,nchunks*k]
    top_idx = jnp.concatenate(idx_list, axis=-1)
    fs, fi = jax.lax.top_k(attn_scores, top_k_static)
    final_idx = jnp.take_along_axis(top_idx, fi, axis=2)  # [B,1,k]
    idx = final_idx[:, 0, :]                              # [B,k]
    K_top = K[idx]                                        # [B,k,d]
    V_top = V[idx]                                        # [B,k,d]
    pf = jnp.broadcast_to(param_feats[:, None, :],
                          (V_top.shape[0], top_k_static, param_feats.shape[-1]))
    ain = jnp.concatenate([V_top, pf], axis=-1)           # [B,k,d+d1]
    h = jax.nn.relu(ain @ w1.T + b1)
    h = h @ w2.T + b2
    mu = h.mean(axis=-1, keepdims=True)
    var = h.var(axis=-1, keepdims=True)
    h = (h - mu) / jnp.sqrt(var + 1e-5) * gamma + beta
    adapted = V_top + h
    s = jnp.einsum('bqd,bkd->bqk', Q, K_top) / scale      # [B,1,k]
    w = jax.nn.softmax(s, axis=-1)
    out = jnp.einsum('bqk,bkd->bqd', w, adapted)          # [B,1,d]
    return out[:, 0, :]

if __name__ == "__main__":
    import jax
    _d = setup_inputs()
    print(jax.jit(kernel)(*tuple(_d.values())))

</pallas_src>

<mosaic_0001>
#map = affine_map<(d0, d1) -> (0, 0, 0)>
#map1 = affine_map<(d0, d1) -> (0, 0)>
module attributes {stable_mosaic.version = 14 : i64} {
  func.func @_sc_body(%arg0: i32, %arg1: i32, %arg2: memref<2x64x128xf32, #tpu.memory_space<hbm>>, %arg3: memref<16384x128xf32, #tpu.memory_space<hbm>>, %arg4: memref<32768x128xf32, #tpu.memory_space<hbm>>, %arg5: memref<64x16xi32, #tpu.memory_space<hbm>>, %arg6: memref<64x16xf32, #tpu.memory_space<hbm>>, %arg7: memref<64x16x128xf32, #tpu.memory_space<hbm>>, %arg8: memref<256xf32, #tpu.memory_space<vmem>>, %arg9: memref<256xf32, #tpu.memory_space<vmem>>, %arg10: memref<16xi32, #tpu.memory_space<vmem>>, %arg11: memref<16xi32, #tpu.memory_space<vmem>>, %arg12: memref<16xi32, #tpu.memory_space<vmem>>, %arg13: memref<16xi32, #tpu.memory_space<vmem>>, %arg14: memref<16x128xf32, #tpu.memory_space<vmem>>, %arg15: memref<16x128xf32, #tpu.memory_space<vmem>>, %arg16: memref<16xi32, #tpu.memory_space<vmem>>, %arg17: memref<16xi32, #tpu.memory_space<vmem>>, %arg18: memref<16xf32, #tpu.memory_space<vmem>>, %arg19: memref<16xf32, #tpu.memory_space<vmem>>, %arg20: memref<16x128xf32, #tpu.memory_space<vmem>>, %arg21: memref<16x128xf32, #tpu.memory_space<vmem>>, %arg22: memref<!tpu.dma_semaphore, #tpu.memory_space<semaphore_mem>>, %arg23: memref<!tpu.dma_semaphore, #tpu.memory_space<semaphore_mem>>, %arg24: memref<!tpu.dma_semaphore, #tpu.memory_space<semaphore_mem>>, %arg25: memref<!tpu.dma_semaphore, #tpu.memory_space<semaphore_mem>>, %arg26: memref<!tpu.dma_semaphore, #tpu.memory_space<semaphore_mem>>, %arg27: memref<!tpu.dma_semaphore, #tpu.memory_space<semaphore_mem>>) attributes {dimension_semantics = [#tpu.dimension_semantics<core_parallel>, #tpu.dimension_semantics<subcore_parallel>], iteration_bounds = array<i64: 2, 16>, scalar_prefetch = 0 : i64, scratch_operands = 20 : i64, tpu.core_type = #tpu.core_type<sc_vector_subcore>, window_params = [{transform_indices = #map}, {transform_indices = #map1}, {transform_indices = #map1}, {transform_indices = #map1}, {transform_indices = #map1}, {transform_indices = #map}]} {
    %mul3A = arith.constant 2 : i32
    %mul3A_0 = arith.muli %arg1, %mul3A : i32
    %add3A = arith.addi %mul3A_0, %arg0 : i32
    %iota3A = tpu.iota {dimensions = array<i32: 0>} : vector<16xi32>
    %broadcast_in_dim3A = arith.constant 0xFF800000 : f32
    %broadcast_in_dim3A_1 = vector.broadcast %broadcast_in_dim3A : f32 to vector<16xf32>
    %broadcast_in_dim3A_2 = arith.constant 0 : i32
    %broadcast_in_dim3A_3 = vector.broadcast %broadcast_in_dim3A_2 : i32 to vector<16xi32>
    %mul3A_4 = arith.constant 2 : i32
    %mul3A_5 = arith.muli %add3A, %mul3A_4 : i32
    %add3A_6 = arith.constant 0 : i32
    %add3A_7 = arith.addi %mul3A_5, %add3A_6 : i32
    %dma_start3A = arith.constant 0 : i32
    %dma_start3A_8 = arith.constant 0 : i32
    %dma_start3A_9 = tpu.memref_slice %arg8[%dma_start3A_8] : memref<256xf32, #tpu.memory_space<vmem>> -> memref<128xf32, #tpu.memory_space<vmem>>
    %dma_start3A_10 = arith.constant 0 : i32
    %dma_start3A_11 = tpu.memref_slice %arg2[%dma_start3A, %add3A_7, %dma_start3A_10] : memref<2x64x128xf32, #tpu.memory_space<hbm>> -> memref<1x1x128xf32, #tpu.memory_space<hbm>>
    %dma_start3A_12 = tpu.memref_squeeze %dma_start3A_11 : memref<1x1x128xf32, #tpu.memory_space<hbm>> -> memref<128xf32, #tpu.memory_space<hbm>>
    %dma_start3A_13 = arith.constant 0 : i32
    %dma_start3A_14 = tpu.memref_slice %arg8[%dma_start3A_13] : memref<256xf32, #tpu.memory_space<vmem>> -> memref<128xf32, #tpu.memory_space<vmem>>
    %dma_start3A_15 = arith.constant 0 : i32
    %dma_start3A_16 = tpu.memref_slice %arg2[%dma_start3A, %add3A_7, %dma_start3A_15] : memref<2x64x128xf32, #tpu.memory_space<hbm>> -> memref<1x1x128xf32, #tpu.memory_space<hbm>>
    %dma_start3A_17 = tpu.memref_squeeze %dma_start3A_16 : memref<1x1x128xf32, #tpu.memory_space<hbm>> -> memref<128xf32, #tpu.memory_space<hbm>>
    tpu.enqueue_dma source(%dma_start3A_17 : memref<128xf32, #tpu.memory_space<hbm>>) target(%dma_start3A_14 : memref<128xf32, #tpu.memory_space<vmem>>) target_semaphore(%arg22 : memref<!tpu.dma_semaphore, #tpu.memory_space<semaphore_mem>>)
    %add3A_18 = arith.constant 0 : i32
    %add3A_19 = arith.addi %mul3A_5, %add3A_18 : i32
    %dma_start3A_20 = arith.constant 1 : i32
    %dma_start3A_21 = arith.constant 128 : i32
    %dma_start3A_22 = tpu.memref_slice %arg8[%dma_start3A_21] : memref<256xf32, #tpu.memory_space<vmem>> -> memref<128xf32, #tpu.memory_space<vmem>>
    %dma_start3A_23 = arith.constant 0 : i32
    %dma_start3A_24 = tpu.memref_slice %arg2[%dma_start3A_20, %add3A_19, %dma_start3A_23] : memref<2x64x128xf32, #tpu.memory_space<hbm>> -> memref<1x1x128xf32, #tpu.memory_space<hbm>>
    %dma_start3A_25 = tpu.memref_squeeze %dma_start3A_24 : memref<1x1x128xf32, #tpu.memory_space<hbm>> -> memref<128xf32, #tpu.memory_space<hbm>>
    %dma_start3A_26 = arith.constant 128 : i32
    %dma_start3A_27 = tpu.memref_slice %arg8[%dma_start3A_26] : memref<256xf32, #tpu.memory_space<vmem>> -> memref<128xf32, #tpu.memory_space<vmem>>
    %dma_start3A_28 = arith.constant 0 : i32
    %dma_start3A_29 = tpu.memref_slice %arg2[%dma_start3A_20, %add3A_19, %dma_start3A_28] : memref<2x64x128xf32, #tpu.memory_space<hbm>> -> memref<1x1x128xf32, #tpu.memory_space<hbm>>
    %dma_start3A_30 = tpu.memref_squeeze %dma_start3A_29 : memref<1x1x128xf32, #tpu.memory_space<hbm>> -> memref<128xf32, #tpu.memory_space<hbm>>
    tpu.enqueue_dma source(%dma_start3A_30 : memref<128xf32, #tpu.memory_space<hbm>>) target(%dma_start3A_27 : memref<128xf32, #tpu.memory_space<vmem>>) target_semaphore(%arg22 : memref<!tpu.dma_semaphore, #tpu.memory_space<semaphore_mem>>)
    %add3A_31 = arith.constant 1 : i32
    %add3A_32 = arith.addi %mul3A_5, %add3A_31 : i32
    %dma_start3A_33 = arith.constant 0 : i32
    %dma_start3A_34 = arith.constant 0 : i32
    %dma_start3A_35 = tpu.memref_slice %arg9[%dma_start3A_34] : memref<256xf32, #tpu.memory_space<vmem>> -> memref<128xf32, #tpu.memory_space<vmem>>
    %dma_start3A_36 = arith.constant 0 : i32
    %dma_start3A_37 = tpu.memref_slice %arg2[%dma_start3A_33, %add3A_32, %dma_start3A_36] : memref<2x64x128xf32, #tpu.memory_space<hbm>> -> memref<1x1x128xf32, #tpu.memory_space<hbm>>
    %dma_start3A_38 = tpu.memref_squeeze %dma_start3A_37 : memref<1x1x128xf32, #tpu.memory_space<hbm>> -> memref<128xf32, #tpu.memory_space<hbm>>
    %dma_start3A_39 = arith.constant 0 : i32
    %dma_start3A_40 = tpu.memref_slice %arg9[%dma_start3A_39] : memref<256xf32, #tpu.memory_space<vmem>> -> memref<128xf32, #tpu.memory_space<vmem>>
    %dma_start3A_41 = arith.constant 0 : i32
    %dma_start3A_42 = tpu.memref_slice %arg2[%dma_start3A_33, %add3A_32, %dma_start3A_41] : memref<2x64x128xf32, #tpu.memory_space<hbm>> -> memref<1x1x128xf32, #tpu.memory_space<hbm>>
    %dma_start3A_43 = tpu.memref_squeeze %dma_start3A_42 : memref<1x1x128xf32, #tpu.memory_space<hbm>> -> memref<128xf32, #tpu.memory_space<hbm>>
    tpu.enqueue_dma source(%dma_start3A_43 : memref<128xf32, #tpu.memory_space<hbm>>) target(%dma_start3A_40 : memref<128xf32, #tpu.memory_space<vmem>>) target_semaphore(%arg22 : memref<!tpu.dma_semaphore, #tpu.memory_space<semaphore_mem>>)
    %add3A_44 = arith.constant 1 : i32
    %add3A_45 = arith.addi %mul3A_5, %add3A_44 : i32
    %dma_start3A_46 = arith.constant 1 : i32
    %dma_start3A_47 = arith.constant 128 : i32
    %dma_start3A_48 = tpu.memref_slice %arg9[%dma_start3A_47] : memref<256xf32, #tpu.memory_space<vmem>> -> memref<128xf32, #tpu.memory_space<vmem>>
    %dma_start3A_49 = arith.constant 0 : i32
    %dma_start3A_50 = tpu.memref_slice %arg2[%dma_start3A_46, %add3A_45, %dma_start3A_49] : memref<2x64x128xf32, #tpu.memory_space<hbm>> -> memref<1x1x128xf32, #tpu.memory_space<hbm>>
    %dma_start3A_51 = tpu.memref_squeeze %dma_start3A_50 : memref<1x1x128xf32, #tpu.memory_space<hbm>> -> memref<128xf32, #tpu.memory_space<hbm>>
    %dma_start3A_52 = arith.constant 128 : i32
    %dma_start3A_53 = tpu.memref_slice %arg9[%dma_start3A_52] : memref<256xf32, #tpu.memory_space<vmem>> -> memref<128xf32, #tpu.memory_space<vmem>>
    %dma_start3A_54 = arith.constant 0 : i32
    %dma_start3A_55 = tpu.memref_slice %arg2[%dma_start3A_46, %add3A_45, %dma_start3A_54] : memref<2x64x128xf32, #tpu.memory_space<hbm>> -> memref<1x1x128xf32, #tpu.memory_space<hbm>>
    %dma_start3A_56 = tpu.memref_squeeze %dma_start3A_55 : memref<1x1x128xf32, #tpu.memory_space<hbm>> -> memref<128xf32, #tpu.memory_space<hbm>>
    tpu.enqueue_dma source(%dma_start3A_56 : memref<128xf32, #tpu.memory_space<hbm>>) target(%dma_start3A_53 : memref<128xf32, #tpu.memory_space<vmem>>) target_semaphore(%arg22 : memref<!tpu.dma_semaphore, #tpu.memory_space<semaphore_mem>>)
    %dma_wait3A = arith.constant 0 : i32
    %dma_wait3A_57 = arith.constant 0 : i32
    %dma_wait3A_58 = tpu.memref_slice %arg8[%dma_wait3A_57] : memref<256xf32, #tpu.memory_space<vmem>> -> memref<128xf32, #tpu.memory_space<vmem>>
    %dma_wait3A_59 = arith.constant 0 : i32
    %dma_wait3A_60 = tpu.memref_slice %arg2[%dma_wait3A, %add3A_7, %dma_wait3A_59] : memref<2x64x128xf32, #tpu.memory_space<hbm>> -> memref<1x1x128xf32, #tpu.memory_space<hbm>>
    %dma_wait3A_61 = tpu.memref_squeeze %dma_wait3A_60 : memref<1x1x128xf32, #tpu.memory_space<hbm>> -> memref<128xf32, #tpu.memory_space<hbm>>
    %dma_wait3A_62 = arith.constant 0 : i32
    %dma_wait3A_63 = tpu.memref_slice %arg8[%dma_wait3A_62] : memref<256xf32, #tpu.memory_space<vmem>> -> memref<128xf32, #tpu.memory_space<vmem>>
    %dma_wait3A_64 = arith.constant 0 : i32
    %dma_wait3A_65 = tpu.memref_slice %arg2[%dma_wait3A, %add3A_7, %dma_wait3A_64] : memref<2x64x128xf32, #tpu.memory_space<hbm>> -> memref<1x1x128xf32, #tpu.memory_space<hbm>>
    %dma_wait3A_66 = tpu.memref_squeeze %dma_wait3A_65 : memref<1x1x128xf32, #tpu.memory_space<hbm>> -> memref<128xf32, #tpu.memory_space<hbm>>
    tpu.wait_dma2 semaphore(%arg22 : memref<!tpu.dma_semaphore, #tpu.memory_space<semaphore_mem>>) src(%dma_wait3A_66 : memref<128xf32, #tpu.memory_space<hbm>>) dst(%dma_wait3A_63 : memref<128xf32, #tpu.memory_space<vmem>>)
    %dma_wait3A_67 = arith.constant 1 : i32
    %dma_wait3A_68 = arith.constant 128 : i32
    %dma_wait3A_69 = tpu.memref_slice %arg8[%dma_wait3A_68] : memref<256xf32, #tpu.memory_space<vmem>> -> memref<128xf32, #tpu.memory_space<vmem>>
    %dma_wait3A_70 = arith.constant 0 : i32
    %dma_wait3A_71 = tpu.memref_slice %arg2[%dma_wait3A_67, %add3A_19, %dma_wait3A_70] : memref<2x64x128xf32, #tpu.memory_space<hbm>> -> memref<1x1x128xf32, #tpu.memory_space<hbm>>
    %dma_wait3A_72 = tpu.memref_squeeze %dma_wait3A_71 : memref<1x1x128xf32, #tpu.memory_space<hbm>> -> memref<128xf32, #tpu.memory_space<hbm>>
    %dma_wait3A_73 = arith.constant 128 : i32
    %dma_wait3A_74 = tpu.memref_slice %arg8[%dma_wait3A_73] : memref<256xf32, #tpu.memory_space<vmem>> -> memref<128xf32, #tpu.memory_space<vmem>>
    %dma_wait3A_75 = arith.constant 0 : i32
    %dma_wait3A_76 = tpu.memref_slice %arg2[%dma_wait3A_67, %add3A_19, %dma_wait3A_75] : memref<2x64x128xf32, #tpu.memory_space<hbm>> -> memref<1x1x128xf32, #tpu.memory_space<hbm>>
    %dma_wait3A_77 = tpu.memref_squeeze %dma_wait3A_76 : memref<1x1x128xf32, #tpu.memory_space<hbm>> -> memref<128xf32, #tpu.memory_space<hbm>>
    tpu.wait_dma2 semaphore(%arg22 : memref<!tpu.dma_semaphore, #tpu.memory_space<semaphore_mem>>) src(%dma_wait3A_77 : memref<128xf32, #tpu.memory_space<hbm>>) dst(%dma_wait3A_74 : memref<128xf32, #tpu.memory_space<vmem>>)
    %dma_wait3A_78 = arith.constant 0 : i32
    %dma_wait3A_79 = arith.constant 0 : i32
    %dma_wait3A_80 = tpu.memref_slice %arg9[%dma_wait3A_79] : memref<256xf32, #tpu.memory_space<vmem>> -> memref<128xf32, #tpu.memory_space<vmem>>
    %dma_wait3A_81 = arith.constant 0 : i32
    %dma_wait3A_82 = tpu.memref_slice %arg2[%dma_wait3A_78, %add3A_32, %dma_wait3A_81] : memref<2x64x128xf32, #tpu.memory_space<hbm>> -> memref<1x1x128xf32, #tpu.memory_space<hbm>>
    %dma_wait3A_83 = tpu.memref_squeeze %dma_wait3A_82 : memref<1x1x128xf32, #tpu.memory_space<hbm>> -> memref<128xf32, #tpu.memory_space<hbm>>
    %dma_wait3A_84 = arith.constant 0 : i32
    %dma_wait3A_85 = tpu.memref_slice %arg9[%dma_wait3A_84] : memref<256xf32, #tpu.memory_space<vmem>> -> memref<128xf32, #tpu.memory_space<vmem>>
    %dma_wait3A_86 = arith.constant 0 : i32
    %dma_wait3A_87 = tpu.memref_slice %arg2[%dma_wait3A_78, %add3A_32, %dma_wait3A_86] : memref<2x64x128xf32, #tpu.memory_space<hbm>> -> memref<1x1x128xf32, #tpu.memory_space<hbm>>
    %dma_wait3A_88 = tpu.memref_squeeze %dma_wait3A_87 : memref<1x1x128xf32, #tpu.memory_space<hbm>> -> memref<128xf32, #tpu.memory_space<hbm>>
    tpu.wait_dma2 semaphore(%arg22 : memref<!tpu.dma_semaphore, #tpu.memory_space<semaphore_mem>>) src(%dma_wait3A_88 : memref<128xf32, #tpu.memory_space<hbm>>) dst(%dma_wait3A_85 : memref<128xf32, #tpu.memory_space<vmem>>)
    %dma_wait3A_89 = arith.constant 1 : i32
    %dma_wait3A_90 = arith.constant 128 : i32
    %dma_wait3A_91 = tpu.memref_slice %arg9[%dma_wait3A_90] : memref<256xf32, #tpu.memory_space<vmem>> -> memref<128xf32, #tpu.memory_space<vmem>>
    %dma_wait3A_92 = arith.constant 0 : i32
    %dma_wait3A_93 = tpu.memref_slice %arg2[%dma_wait3A_89, %add3A_45, %dma_wait3A_92] : memref<2x64x128xf32, #tpu.memory_space<hbm>> -> memref<1x1x128xf32, #tpu.memory_space<hbm>>
    %dma_wait3A_94 = tpu.memref_squeeze %dma_wait3A_93 : memref<1x1x128xf32, #tpu.memory_space<hbm>> -> memref<128xf32, #tpu.memory_space<hbm>>
    %dma_wait3A_95 = arith.constant 128 : i32
    %dma_wait3A_96 = tpu.memref_slice %arg9[%dma_wait3A_95] : memref<256xf32, #tpu.memory_space<vmem>> -> memref<128xf32, #tpu.memory_space<vmem>>
    %dma_wait3A_97 = arith.constant 0 : i32
    %dma_wait3A_98 = tpu.memref_slice %arg2[%dma_wait3A_89, %add3A_45, %dma_wait3A_97] : memref<2x64x128xf32, #tpu.memory_space<hbm>> -> memref<1x1x128xf32, #tpu.memory_space<hbm>>
    %dma_wait3A_99 = tpu.memref_squeeze %dma_wait3A_98 : memref<1x1x128xf32, #tpu.memory_space<hbm>> -> memref<128xf32, #tpu.memory_space<hbm>>
    tpu.wait_dma2 semaphore(%arg22 : memref<!tpu.dma_semaphore, #tpu.memory_space<semaphore_mem>>) src(%dma_wait3A_99 : memref<128xf32, #tpu.memory_space<hbm>>) dst(%dma_wait3A_96 : memref<128xf32, #tpu.memory_space<vmem>>)
    %add3A_100 = arith.constant 0 : i32
    %add3A_101 = arith.addi %mul3A_5, %add3A_100 : i32
    %get3A = arith.constant 0 : index
    %get3A_102 = tpu.vector_load %arg8[%get3A] {strides = array<i32>} : memref<256xf32, #tpu.memory_space<vmem>>, vector<16xf32>,
    %add3A_103 = arith.constant 0 : i32
    %add3A_104 = vector.broadcast %add3A_103 : i32 to vector<16xi32>
    %add3A_105 = arith.addi %add3A_104, %iota3A : vector<16xi32>
    %masked_sort3A = arith.constant dense<true> : vector<16xi1>
    %masked_sort3A_106, %masked_sort3A_107, %masked_sort3A_108 = tpu.sort %get3A_102, %add3A_105 masked %masked_sort3A : (vector<16xf32>, vector<16xi32>, vector<16xi1>) -> (vector<16xi1>, vector<16xf32>, vector<16xi32>)
    %rev3A = arith.constant 15 : i32
    %rev3A_109 = vector.broadcast %rev3A : i32 to vector<16xi32>
    %rev3A_110 = tpu.iota {dimensions = array<i32: 0>} : vector<16xi32>
    %rev3A_111 = arith.subi %rev3A_109, %rev3A_110 : vector<16xi32>
    %rev3A_112 = tpu.dynamic_gather %masked_sort3A_107[%rev3A_111] in [0] : vector<16xf32>, vector<16xi32> -> vector<16xf32>
    %rev3A_113 = arith.constant 15 : i32
    %rev3A_114 = vector.broadcast %rev3A_113 : i32 to vector<16xi32>
    %rev3A_115 = tpu.iota {dimensions = array<i32: 0>} : vector<16xi32>
    %rev3A_116 = arith.subi %rev3A_114, %rev3A_115 : vector<16xi32>
    %rev3A_117 = tpu.dynamic_gather %masked_sort3A_108[%rev3A_116] in [0] : vector<16xi32>, vector<16xi32> -> vector<16xi32>
    %max3A = arith.maximumf %rev3A_112, %broadcast_in_dim3A_1 : vector<16xf32>
    %ge3A = arith.cmpf oge, %rev3A_112, %broadcast_in_dim3A_1 : vector<16xf32>
    %select_n3A = arith.select %ge3A, %rev3A_117, %broadcast_in_dim3A_3 : vector<16xi1>, vector<16xi32>
    %masked_sort3A_118 = arith.constant dense<true> : vector<16xi1>
    %masked_sort3A_119, %masked_sort3A_120, %masked_sort3A_121 = tpu.sort %max3A, %select_n3A masked %masked_sort3A_118 : (vector<16xf32>, vector<16xi32>, vector<16xi1>) -> (vector<16xi1>, vector<16xf32>, vector<16xi32>)
    %get3A_122 = arith.constant 16 : index
    %get3A_123 = tpu.vector_load %arg8[%get3A_122] {strides = array<i32>} : memref<256xf32, #tpu.memory_space<vmem>>, vector<16xf32>,
    %add3A_124 = arith.constant 16 : i32
    %add3A_125 = vector.broadcast %add3A_124 : i32 to vector<16xi32>
    %add3A_126 = arith.addi %add3A_125, %iota3A : vector<16xi32>
    %masked_sort3A_127 = arith.constant dense<true> : vector<16xi1>
    %masked_sort3A_128, %masked_sort3A_129, %masked_sort3A_130 = tpu.sort %get3A_123, %add3A_126 masked %masked_sort3A_127 : (vector<16xf32>, vector<16xi32>, vector<16xi1>) -> (vector<16xi1>, vector<16xf32>, vector<16xi32>)
    %rev3A_131 = arith.constant 15 : i32
    %rev3A_132 = vector.broadcast %rev3A_131 : i32 to vector<16xi32>
    %rev3A_133 = tpu.iota {dimensions = array<i32: 0>} : vector<16xi32>
    %rev3A_134 = arith.subi %rev3A_132, %rev3A_133 : vector<16xi32>
    %rev3A_135 = tpu.dynamic_gather %masked_sort3A_129[%rev3A_134] in [0] : vector<16xf32>, vector<16xi32> -> vector<16xf32>
    %rev3A_136 = arith.constant 15 : i32
    %rev3A_137 = vector.broadcast %rev3A_136 : i32 to vector<16xi32>
    %rev3A_138 = tpu.iota {dimensions = array<i32: 0>} : vector<16xi32>
    %rev3A_139 = arith.subi %rev3A_137, %rev3A_138 : vector<16xi32>
    %rev3A_140 = tpu.dynamic_gather %masked_sort3A_130[%rev3A_139] in [0] : vector<16xi32>, vector<16xi32> -> vector<16xi32>
    %max3A_141 = arith.maximumf %rev3A_135, %masked_sort3A_120 : vector<16xf32>
    %ge3A_142 = arith.cmpf oge, %rev3A_135, %masked_sort3A_120 : vector<16xf32>
    %select_n3A_143 = arith.select %ge3A_142, %rev3A_140, %masked_sort3A_121 : vector<16xi1>, vector<16xi32>
    %masked_sort3A_144 = arith.constant dense<true> : vector<16xi1>
    %masked_sort3A_145, %masked_sort3A_146, %masked_sort3A_147 = tpu.sort %max3A_141, %select_n3A_143 masked %masked_sort3A_144 : (vector<16xf32>, vector<16xi32>, vector<16xi1>) -> (vector<16xi1>, vector<16xf32>, vector<16xi32>)
    %get3A_148 = arith.constant 32 : index
    %get3A_149 = tpu.vector_load %arg8[%get3A_148] {strides = array<i32>} : memref<256xf32, #tpu.memory_space<vmem>>, vector<16xf32>,
    %add3A_150 = arith.constant 32 : i32
    %add3A_151 = vector.broadcast %add3A_150 : i32 to vector<16xi32>
    %add3A_152 = arith.addi %add3A_151, %iota3A : vector<16xi32>
    %masked_sort3A_153 = arith.constant dense<true> : vector<16xi1>
    %masked_sort3A_154, %masked_sort3A_155, %masked_sort3A_156 = tpu.sort %get3A_149, %add3A_152 masked %masked_sort3A_153 : (vector<16xf32>, vector<16xi32>, vector<16xi1>) -> (vector<16xi1>, vector<16xf32>, vector<16xi32>)
    %rev3A_157 = arith.constant 15 : i32
    %rev3A_158 = vector.broadcast %rev3A_157 : i32 to vector<16xi32>
    %rev3A_159 = tpu.iota {dimensions = array<i32: 0>} : vector<16xi32>
    %rev3A_160 = arith.subi %rev3A_158, %rev3A_159 : vector<16xi32>
    %rev3A_161 = tpu.dynamic_gather %masked_sort3A_155[%rev3A_160] in [0] : vector<16xf32>, vector<16xi32> -> vector<16xf32>
    %rev3A_162 = arith.constant 15 : i32
    %rev3A_163 = vector.broadcast %rev3A_162 : i32 to vector<16xi32>
    %rev3A_164 = tpu.iota {dimensions = array<i32: 0>} : vector<16xi32>
    %rev3A_165 = arith.subi %rev3A_163, %rev3A_164 : vector<16xi32>
    %rev3A_166 = tpu.dynamic_gather %masked_sort3A_156[%rev3A_165] in [0] : vector<16xi32>, vector<16xi32> -> vector<16xi32>
    %max3A_167 = arith.maximumf %rev3A_161, %masked_sort3A_146 : vector<16xf32>
    %ge3A_168 = arith.cmpf oge, %rev3A_161, %masked_sort3A_146 : vector<16xf32>
    %select_n3A_169 = arith.select %ge3A_168, %rev3A_166, %masked_sort3A_147 : vector<16xi1>, vector<16xi32>
    %masked_sort3A_170 = arith.constant dense<true> : vector<16xi1>
    %masked_sort3A_171, %masked_sort3A_172, %masked_sort3A_173 = tpu.sort %max3A_167, %select_n3A_169 masked %masked_sort3A_170 : (vector<16xf32>, vector<16xi32>, vector<16xi1>) -> (vector<16xi1>, vector<16xf32>, vector<16xi32>)
    %get3A_174 = arith.constant 48 : index
    %get3A_175 = tpu.vector_load %arg8[%get3A_174] {strides = array<i32>} : memref<256xf32, #tpu.memory_space<vmem>>, vector<16xf32>,
    %add3A_176 = arith.constant 48 : i32
    %add3A_177 = vector.broadcast %add3A_176 : i32 to vector<16xi32>
    %add3A_178 = arith.addi %add3A_177, %iota3A : vector<16xi32>
    %masked_sort3A_179 = arith.constant dense<true> : vector<16xi1>
    %masked_sort3A_180, %masked_sort3A_181, %masked_sort3A_182 = tpu.sort %get3A_175, %add3A_178 masked %masked_sort3A_179 : (vector<16xf32>, vector<16xi32>, vector<16xi1>) -> (vector<16xi1>, vector<16xf32>, vector<16xi32>)
    %rev3A_183 = arith.constant 15 : i32
    %rev3A_184 = vector.broadcast %rev3A_183 : i32 to vector<16xi32>
    %rev3A_185 = tpu.iota {dimensions = array<i32: 0>} : vector<16xi32>
    %rev3A_186 = arith.subi %rev3A_184, %rev3A_185 : vector<16xi32>
    %rev3A_187 = tpu.dynamic_gather %masked_sort3A_181[%rev3A_186] in [0] : vector<16xf32>, vector<16xi32> -> vector<16xf32>
    %rev3A_188 = arith.constant 15 : i32
    %rev3A_189 = vector.broadcast %rev3A_188 : i32 to vector<16xi32>
    %rev3A_190 = tpu.iota {dimensions = array<i32: 0>} : vector<16xi32>
    %rev3A_191 = arith.subi %rev3A_189, %rev3A_190 : vector<16xi32>
    %rev3A_192 = tpu.dynamic_gather %masked_sort3A_182[%rev3A_191] in [0] : vector<16xi32>, vector<16xi32> -> vector<16xi32>
    %max3A_193 = arith.maximumf %rev3A_187, %masked_sort3A_172 : vector<16xf32>
    %ge3A_194 = arith.cmpf oge, %rev3A_187, %masked_sort3A_172 : vector<16xf32>
    %select_n3A_195 = arith.select %ge3A_194, %rev3A_192, %masked_sort3A_173 : vector<16xi1>, vector<16xi32>
    %masked_sort3A_196 = arith.constant dense<true> : vector<16xi1>
    %masked_sort3A_197, %masked_sort3A_198, %masked_sort3A_199 = tpu.sort %max3A_193, %select_n3A_195 masked %masked_sort3A_196 : (vector<16xf32>, vector<16xi32>, vector<16xi1>) -> (vector<16xi1>, vector<16xf32>, vector<16xi32>)
    %get3A_200 = arith.constant 64 : index
    %get3A_201 = tpu.vector_load %arg8[%get3A_200] {strides = array<i32>} : memref<256xf32, #tpu.memory_space<vmem>>, vector<16xf32>,
    %add3A_202 = arith.constant 64 : i32
    %add3A_203 = vector.broadcast %add3A_202 : i32 to vector<16xi32>
    %add3A_204 = arith.addi %add3A_203, %iota3A : vector<16xi32>
    %masked_sort3A_205 = arith.constant dense<true> : vector<16xi1>
    %masked_sort3A_206, %masked_sort3A_207, %masked_sort3A_208 = tpu.sort %get3A_201, %add3A_204 masked %masked_sort3A_205 : (vector<16xf32>, vector<16xi32>, vector<16xi1>) -> (vector<16xi1>, vector<16xf32>, vector<16xi32>)
    %rev3A_209 = arith.constant 15 : i32
    %rev3A_210 = vector.broadcast %rev3A_209 : i32 to vector<16xi32>
    %rev3A_211 = tpu.iota {dimensions = array<i32: 0>} : vector<16xi32>
    %rev3A_212 = arith.subi %rev3A_210, %rev3A_211 : vector<16xi32>
    %rev3A_213 = tpu.dynamic_gather %masked_sort3A_207[%rev3A_212] in [0] : vector<16xf32>, vector<16xi32> -> vector<16xf32>
    %rev3A_214 = arith.constant 15 : i32
    %rev3A_215 = vector.broadcast %rev3A_214 : i32 to vector<16xi32>
    %rev3A_216 = tpu.iota {dimensions = array<i32: 0>} : vector<16xi32>
    %rev3A_217 = arith.subi %rev3A_215, %rev3A_216 : vector<16xi32>
    %rev3A_218 = tpu.dynamic_gather %masked_sort3A_208[%rev3A_217] in [0] : vector<16xi32>, vector<16xi32> -> vector<16xi32>
    %max3A_219 = arith.maximumf %rev3A_213, %masked_sort3A_198 : vector<16xf32>
    %ge3A_220 = arith.cmpf oge, %rev3A_213, %masked_sort3A_198 : vector<16xf32>
    %select_n3A_221 = arith.select %ge3A_220, %rev3A_218, %masked_sort3A_199 : vector<16xi1>, vector<16xi32>
    %masked_sort3A_222 = arith.constant dense<true> : vector<16xi1>
    %masked_sort3A_223, %masked_sort3A_224, %masked_sort3A_225 = tpu.sort %max3A_219, %select_n3A_221 masked %masked_sort3A_222 : (vector<16xf32>, vector<16xi32>, vector<16xi1>) -> (vector<16xi1>, vector<16xf32>, vector<16xi32>)
    %get3A_226 = arith.constant 80 : index
    %get3A_227 = tpu.vector_load %arg8[%get3A_226] {strides = array<i32>} : memref<256xf32, #tpu.memory_space<vmem>>, vector<16xf32>,
    %add3A_228 = arith.constant 80 : i32
    %add3A_229 = vector.broadcast %add3A_228 : i32 to vector<16xi32>
    %add3A_230 = arith.addi %add3A_229, %iota3A : vector<16xi32>
    %masked_sort3A_231 = arith.constant dense<true> : vector<16xi1>
    %masked_sort3A_232, %masked_sort3A_233, %masked_sort3A_234 = tpu.sort %get3A_227, %add3A_230 masked %masked_sort3A_231 : (vector<16xf32>, vector<16xi32>, vector<16xi1>) -> (vector<16xi1>, vector<16xf32>, vector<16xi32>)
    %rev3A_235 = arith.constant 15 : i32
    %rev3A_236 = vector.broadcast %rev3A_235 : i32 to vector<16xi32>
    %rev3A_237 = tpu.iota {dimensions = array<i32: 0>} : vector<16xi32>
    %rev3A_238 = arith.subi %rev3A_236, %rev3A_237 : vector<16xi32>
    %rev3A_239 = tpu.dynamic_gather %masked_sort3A_233[%rev3A_238] in [0] : vector<16xf32>, vector<16xi32> -> vector<16xf32>
    %rev3A_240 = arith.constant 15 : i32
    %rev3A_241 = vector.broadcast %rev3A_240 : i32 to vector<16xi32>
    %rev3A_242 = tpu.iota {dimensions = array<i32: 0>} : vector<16xi32>
    %rev3A_243 = arith.subi %rev3A_241, %rev3A_242 : vector<16xi32>
    %rev3A_244 = tpu.dynamic_gather %masked_sort3A_234[%rev3A_243] in [0] : vector<16xi32>, vector<16xi32> -> vector<16xi32>
    %max3A_245 = arith.maximumf %rev3A_239, %masked_sort3A_224 : vector<16xf32>
    %ge3A_246 = arith.cmpf oge, %rev3A_239, %masked_sort3A_224 : vector<16xf32>
    %select_n3A_247 = arith.select %ge3A_246, %rev3A_244, %masked_sort3A_225 : vector<16xi1>, vector<16xi32>
    %masked_sort3A_248 = arith.constant dense<true> : vector<16xi1>
    %masked_sort3A_249, %masked_sort3A_250, %masked_sort3A_251 = tpu.sort %max3A_245, %select_n3A_247 masked %masked_sort3A_248 : (vector<16xf32>, vector<16xi32>, vector<16xi1>) -> (vector<16xi1>, vector<16xf32>, vector<16xi32>)
    %get3A_252 = arith.constant 96 : index
    %get3A_253 = tpu.vector_load %arg8[%get3A_252] {strides = array<i32>} : memref<256xf32, #tpu.memory_space<vmem>>, vector<16xf32>,
    %add3A_254 = arith.constant 96 : i32
    %add3A_255 = vector.broadcast %add3A_254 : i32 to vector<16xi32>
    %add3A_256 = arith.addi %add3A_255, %iota3A : vector<16xi32>
    %masked_sort3A_257 = arith.constant dense<true> : vector<16xi1>
    %masked_sort3A_258, %masked_sort3A_259, %masked_sort3A_260 = tpu.sort %get3A_253, %add3A_256 masked %masked_sort3A_257 : (vector<16xf32>, vector<16xi32>, vector<16xi1>) -> (vector<16xi1>, vector<16xf32>, vector<16xi32>)
    %rev3A_261 = arith.constant 15 : i32
    %rev3A_262 = vector.broadcast %rev3A_261 : i32 to vector<16xi32>
    %rev3A_263 = tpu.iota {dimensions = array<i32: 0>} : vector<16xi32>
    %rev3A_264 = arith.subi %rev3A_262, %rev3A_263 : vector<16xi32>
    %rev3A_265 = tpu.dynamic_gather %masked_sort3A_259[%rev3A_264] in [0] : vector<16xf32>, vector<16xi32> -> vector<16xf32>
    %rev3A_266 = arith.constant 15 : i32
    %rev3A_267 = vector.broadcast %rev3A_266 : i32 to vector<16xi32>
    %rev3A_268 = tpu.iota {dimensions = array<i32: 0>} : vector<16xi32>
    %rev3A_269 = arith.subi %rev3A_267, %rev3A_268 : vector<16xi32>
    %rev3A_270 = tpu.dynamic_gather %masked_sort3A_260[%rev3A_269] in [0] : vector<16xi32>, vector<16xi32> -> vector<16xi32>
    %max3A_271 = arith.maximumf %rev3A_265, %masked_sort3A_250 : vector<16xf32>
    %ge3A_272 = arith.cmpf oge, %rev3A_265, %masked_sort3A_250 : vector<16xf32>
    %select_n3A_273 = arith.select %ge3A_272, %rev3A_270, %masked_sort3A_251 : vector<16xi1>, vector<16xi32>
    %masked_sort3A_274 = arith.constant dense<true> : vector<16xi1>
    %masked_sort3A_275, %masked_sort3A_276, %masked_sort3A_277 = tpu.sort %max3A_271, %select_n3A_273 masked %masked_sort3A_274 : (vector<16xf32>, vector<16xi32>, vector<16xi1>) -> (vector<16xi1>, vector<16xf32>, vector<16xi32>)
    %get3A_278 = arith.constant 112 : index
    %get3A_279 = tpu.vector_load %arg8[%get3A_278] {strides = array<i32>} : memref<256xf32, #tpu.memory_space<vmem>>, vector<16xf32>,
    %add3A_280 = arith.constant 112 : i32
    %add3A_281 = vector.broadcast %add3A_280 : i32 to vector<16xi32>
    %add3A_282 = arith.addi %add3A_281, %iota3A : vector<16xi32>
    %masked_sort3A_283 = arith.constant dense<true> : vector<16xi1>
    %masked_sort3A_284, %masked_sort3A_285, %masked_sort3A_286 = tpu.sort %get3A_279, %add3A_282 masked %masked_sort3A_283 : (vector<16xf32>, vector<16xi32>, vector<16xi1>) -> (vector<16xi1>, vector<16xf32>, vector<16xi32>)
    %rev3A_287 = arith.constant 15 : i32
    %rev3A_288 = vector.broadcast %rev3A_287 : i32 to vector<16xi32>
    %rev3A_289 = tpu.iota {dimensions = array<i32: 0>} : vector<16xi32>
    %rev3A_290 = arith.subi %rev3A_288, %rev3A_289 : vector<16xi32>
    %rev3A_291 = tpu.dynamic_gather %masked_sort3A_285[%rev3A_290] in [0] : vector<16xf32>, vector<16xi32> -> vector<16xf32>
    %rev3A_292 = arith.constant 15 : i32
    %rev3A_293 = vector.broadcast %rev3A_292 : i32 to vector<16xi32>
    %rev3A_294 = tpu.iota {dimensions = array<i32: 0>} : vector<16xi32>
    %rev3A_295 = arith.subi %rev3A_293, %rev3A_294 : vector<16xi32>
    %rev3A_296 = tpu.dynamic_gather %masked_sort3A_286[%rev3A_295] in [0] : vector<16xi32>, vector<16xi32> -> vector<16xi32>
    %max3A_297 = arith.maximumf %rev3A_291, %masked_sort3A_276 : vector<16xf32>
    %ge3A_298 = arith.cmpf oge, %rev3A_291, %masked_sort3A_276 : vector<16xf32>
    %select_n3A_299 = arith.select %ge3A_298, %rev3A_296, %masked_sort3A_277 : vector<16xi1>, vector<16xi32>
    %masked_sort3A_300 = arith.constant dense<true> : vector<16xi1>
    %masked_sort3A_301, %masked_sort3A_302, %masked_sort3A_303 = tpu.sort %max3A_297, %select_n3A_299 masked %masked_sort3A_300 : (vector<16xf32>, vector<16xi32>, vector<16xi1>) -> (vector<16xi1>, vector<16xf32>, vector<16xi32>)
    %get3A_304 = arith.constant 128 : index
    %get3A_305 = tpu.vector_load %arg8[%get3A_304] {strides = array<i32>} : memref<256xf32, #tpu.memory_space<vmem>>, vector<16xf32>,
    %add3A_306 = arith.constant 128 : i32
    %add3A_307 = vector.broadcast %add3A_306 : i32 to vector<16xi32>
    %add3A_308 = arith.addi %add3A_307, %iota3A : vector<16xi32>
    %masked_sort3A_309 = arith.constant dense<true> : vector<16xi1>
    %masked_sort3A_310, %masked_sort3A_311, %masked_sort3A_312 = tpu.sort %get3A_305, %add3A_308 masked %masked_sort3A_309 : (vector<16xf32>, vector<16xi32>, vector<16xi1>) -> (vector<16xi1>, vector<16xf32>, vector<16xi32>)
    %rev3A_313 = arith.constant 15 : i32
    %rev3A_314 = vector.broadcast %rev3A_313 : i32 to vector<16xi32>
    %rev3A_315 = tpu.iota {dimensions = array<i32: 0>} : vector<16xi32>
    %rev3A_316 = arith.subi %rev3A_314, %rev3A_315 : vector<16xi32>
    %rev3A_317 = tpu.dynamic_gather %masked_sort3A_311[%rev3A_316] in [0] : vector<16xf32>, vector<16xi32> -> vector<16xf32>
    %rev3A_318 = arith.constant 15 : i32
    %rev3A_319 = vector.broadcast %rev3A_318 : i32 to vector<16xi32>
    %rev3A_320 = tpu.iota {dimensions = array<i32: 0>} : vector<16xi32>
    %rev3A_321 = arith.subi %rev3A_319, %rev3A_320 : vector<16xi32>
    %rev3A_322 = tpu.dynamic_gather %masked_sort3A_312[%rev3A_321] in [0] : vector<16xi32>, vector<16xi32> -> vector<16xi32>
    %max3A_323 = arith.maximumf %rev3A_317, %masked_sort3A_302 : vector<16xf32>
    %ge3A_324 = arith.cmpf oge, %rev3A_317, %masked_sort3A_302 : vector<16xf32>
    %select_n3A_325 = arith.select %ge3A_324, %rev3A_322, %masked_sort3A_303 : vector<16xi1>, vector<16xi32>
    %masked_sort3A_326 = arith.constant dense<true> : vector<16xi1>
    %masked_sort3A_327, %masked_sort3A_328, %masked_sort3A_329 = tpu.sort %max3A_323, %select_n3A_325 masked %masked_sort3A_326 : (vector<16xf32>, vector<16xi32>, vector<16xi1>) -> (vector<16xi1>, vector<16xf32>, vector<16xi32>)
    %get3A_330 = arith.constant 144 : index
    %get3A_331 = tpu.vector_load %arg8[%get3A_330] {strides = array<i32>} : memref<256xf32, #tpu.memory_space<vmem>>, vector<16xf32>,
    %add3A_332 = arith.constant 144 : i32
    %add3A_333 = vector.broadcast %add3A_332 : i32 to vector<16xi32>
    %add3A_334 = arith.addi %add3A_333, %iota3A : vector<16xi32>
    %masked_sort3A_335 = arith.constant dense<true> : vector<16xi1>
    %masked_sort3A_336, %masked_sort3A_337, %masked_sort3A_338 = tpu.sort %get3A_331, %add3A_334 masked %masked_sort3A_335 : (vector<16xf32>, vector<16xi32>, vector<16xi1>) -> (vector<16xi1>, vector<16xf32>, vector<16xi32>)
    %rev3A_339 = arith.constant 15 : i32
    %rev3A_340 = vector.broadcast %rev3A_339 : i32 to vector<16xi32>
    %rev3A_341 = tpu.iota {dimensions = array<i32: 0>} : vector<16xi32>
    %rev3A_342 = arith.subi %rev3A_340, %rev3A_341 : vector<16xi32>
    %rev3A_343 = tpu.dynamic_gather %masked_sort3A_337[%rev3A_342] in [0] : vector<16xf32>, vector<16xi32> -> vector<16xf32>
    %rev3A_344 = arith.constant 15 : i32
    %rev3A_345 = vector.broadcast %rev3A_344 : i32 to vector<16xi32>
    %rev3A_346 = tpu.iota {dimensions = array<i32: 0>} : vector<16xi32>
    %rev3A_347 = arith.subi %rev3A_345, %rev3A_346 : vector<16xi32>
    %rev3A_348 = tpu.dynamic_gather %masked_sort3A_338[%rev3A_347] in [0] : vector<16xi32>, vector<16xi32> -> vector<16xi32>
    %max3A_349 = arith.maximumf %rev3A_343, %masked_sort3A_328 : vector<16xf32>
    %ge3A_350 = arith.cmpf oge, %rev3A_343, %masked_sort3A_328 : vector<16xf32>
    %select_n3A_351 = arith.select %ge3A_350, %rev3A_348, %masked_sort3A_329 : vector<16xi1>, vector<16xi32>
    %masked_sort3A_352 = arith.constant dense<true> : vector<16xi1>
    %masked_sort3A_353, %masked_sort3A_354, %masked_sort3A_355 = tpu.sort %max3A_349, %select_n3A_351 masked %masked_sort3A_352 : (vector<16xf32>, vector<16xi32>, vector<16xi1>) -> (vector<16xi1>, vector<16xf32>, vector<16xi32>)
    %get3A_356 = arith.constant 160 : index
    %get3A_357 = tpu.vector_load %arg8[%get3A_356] {strides = array<i32>} : memref<256xf32, #tpu.memory_space<vmem>>, vector<16xf32>,
    %add3A_358 = arith.constant 160 : i32
    %add3A_359 = vector.broadcast %add3A_358 : i32 to vector<16xi32>
    %add3A_360 = arith.addi %add3A_359, %iota3A : vector<16xi32>
    %masked_sort3A_361 = arith.constant dense<true> : vector<16xi1>
    %masked_sort3A_362, %masked_sort3A_363, %masked_sort3A_364 = tpu.sort %get3A_357, %add3A_360 masked %masked_sort3A_361 : (vector<16xf32>, vector<16xi32>, vector<16xi1>) -> (vector<16xi1>, vector<16xf32>, vector<16xi32>)
    %rev3A_365 = arith.constant 15 : i32
    %rev3A_366 = vector.broadcast %rev3A_365 : i32 to vector<16xi32>
    %rev3A_367 = tpu.iota {dimensions = array<i32: 0>} : vector<16xi32>
    %rev3A_368 = arith.subi %rev3A_366, %rev3A_367 : vector<16xi32>
    %rev3A_369 = tpu.dynamic_gather %masked_sort3A_363[%rev3A_368] in [0] : vector<16xf32>, vector<16xi32> -> vector<16xf32>
    %rev3A_370 = arith.constant 15 : i32
    %rev3A_371 = vector.broadcast %rev3A_370 : i32 to vector<16xi32>
    %rev3A_372 = tpu.iota {dimensions = array<i32: 0>} : vector<16xi32>
    %rev3A_373 = arith.subi %rev3A_371, %rev3A_372 : vector<16xi32>
    %rev3A_374 = tpu.dynamic_gather %masked_sort3A_364[%rev3A_373] in [0] : vector<16xi32>, vector<16xi32> -> vector<16xi32>
    %max3A_375 = arith.maximumf %rev3A_369, %masked_sort3A_354 : vector<16xf32>
    %ge3A_376 = arith.cmpf oge, %rev3A_369, %masked_sort3A_354 : vector<16xf32>
    %select_n3A_377 = arith.select %ge3A_376, %rev3A_374, %masked_sort3A_355 : vector<16xi1>, vector<16xi32>
    %masked_sort3A_378 = arith.constant dense<true> : vector<16xi1>
    %masked_sort3A_379, %masked_sort3A_380, %masked_sort3A_381 = tpu.sort %max3A_375, %select_n3A_377 masked %masked_sort3A_378 : (vector<16xf32>, vector<16xi32>, vector<16xi1>) -> (vector<16xi1>, vector<16xf32>, vector<16xi32>)
    %get3A_382 = arith.constant 176 : index
    %get3A_383 = tpu.vector_load %arg8[%get3A_382] {strides = array<i32>} : memref<256xf32, #tpu.memory_space<vmem>>, vector<16xf32>,
    %add3A_384 = arith.constant 176 : i32
    %add3A_385 = vector.broadcast %add3A_384 : i32 to vector<16xi32>
    %add3A_386 = arith.addi %add3A_385, %iota3A : vector<16xi32>
    %masked_sort3A_387 = arith.constant dense<true> : vector<16xi1>
    %masked_sort3A_388, %masked_sort3A_389, %masked_sort3A_390 = tpu.sort %get3A_383, %add3A_386 masked %masked_sort3A_387 : (vector<16xf32>, vector<16xi32>, vector<16xi1>) -> (vector<16xi1>, vector<16xf32>, vector<16xi32>)
    %rev3A_391 = arith.constant 15 : i32
    %rev3A_392 = vector.broadcast %rev3A_391 : i32 to vector<16xi32>
    %rev3A_393 = tpu.iota {dimensions = array<i32: 0>} : vector<16xi32>
    %rev3A_394 = arith.subi %rev3A_392, %rev3A_393 : vector<16xi32>
    %rev3A_395 = tpu.dynamic_gather %masked_sort3A_389[%rev3A_394] in [0] : vector<16xf32>, vector<16xi32> -> vector<16xf32>
    %rev3A_396 = arith.constant 15 : i32
    %rev3A_397 = vector.broadcast %rev3A_396 : i32 to vector<16xi32>
    %rev3A_398 = tpu.iota {dimensions = array<i32: 0>} : vector<16xi32>
    %rev3A_399 = arith.subi %rev3A_397, %rev3A_398 : vector<16xi32>
    %rev3A_400 = tpu.dynamic_gather %masked_sort3A_390[%rev3A_399] in [0] : vector<16xi32>, vector<16xi32> -> vector<16xi32>
    %max3A_401 = arith.maximumf %rev3A_395, %masked_sort3A_380 : vector<16xf32>
    %ge3A_402 = arith.cmpf oge, %rev3A_395, %masked_sort3A_380 : vector<16xf32>
    %select_n3A_403 = arith.select %ge3A_402, %rev3A_400, %masked_sort3A_381 : vector<16xi1>, vector<16xi32>
    %masked_sort3A_404 = arith.constant dense<true> : vector<16xi1>
    %masked_sort3A_405, %masked_sort3A_406, %masked_sort3A_407 = tpu.sort %max3A_401, %select_n3A_403 masked %masked_sort3A_404 : (vector<16xf32>, vector<16xi32>, vector<16xi1>) -> (vector<16xi1>, vector<16xf32>, vector<16xi32>)
    %get3A_408 = arith.constant 192 : index
    %get3A_409 = tpu.vector_load %arg8[%get3A_408] {strides = array<i32>} : memref<256xf32, #tpu.memory_space<vmem>>, vector<16xf32>,
    %add3A_410 = arith.constant 192 : i32
    %add3A_411 = vector.broadcast %add3A_410 : i32 to vector<16xi32>
    %add3A_412 = arith.addi %add3A_411, %iota3A : vector<16xi32>
    %masked_sort3A_413 = arith.constant dense<true> : vector<16xi1>
    %masked_sort3A_414, %masked_sort3A_415, %masked_sort3A_416 = tpu.sort %get3A_409, %add3A_412 masked %masked_sort3A_413 : (vector<16xf32>, vector<16xi32>, vector<16xi1>) -> (vector<16xi1>, vector<16xf32>, vector<16xi32>)
    %rev3A_417 = arith.constant 15 : i32
    %rev3A_418 = vector.broadcast %rev3A_417 : i32 to vector<16xi32>
    %rev3A_419 = tpu.iota {dimensions = array<i32: 0>} : vector<16xi32>
    %rev3A_420 = arith.subi %rev3A_418, %rev3A_419 : vector<16xi32>
    %rev3A_421 = tpu.dynamic_gather %masked_sort3A_415[%rev3A_420] in [0] : vector<16xf32>, vector<16xi32> -> vector<16xf32>
    %rev3A_422 = arith.constant 15 : i32
    %rev3A_423 = vector.broadcast %rev3A_422 : i32 to vector<16xi32>
    %rev3A_424 = tpu.iota {dimensions = array<i32: 0>} : vector<16xi32>
    %rev3A_425 = arith.subi %rev3A_423, %rev3A_424 : vector<16xi32>
    %rev3A_426 = tpu.dynamic_gather %masked_sort3A_416[%rev3A_425] in [0] : vector<16xi32>, vector<16xi32> -> vector<16xi32>
    %max3A_427 = arith.maximumf %rev3A_421, %masked_sort3A_406 : vector<16xf32>
    %ge3A_428 = arith.cmpf oge, %rev3A_421, %masked_sort3A_406 : vector<16xf32>
    %select_n3A_429 = arith.select %ge3A_428, %rev3A_426, %masked_sort3A_407 : vector<16xi1>, vector<16xi32>
    %masked_sort3A_430 = arith.constant dense<true> : vector<16xi1>
    %masked_sort3A_431, %masked_sort3A_432, %masked_sort3A_433 = tpu.sort %max3A_427, %select_n3A_429 masked %masked_sort3A_430 : (vector<16xf32>, vector<16xi32>, vector<16xi1>) -> (vector<16xi1>, vector<16xf32>, vector<16xi32>)
    %get3A_434 = arith.constant 208 : index
    %get3A_435 = tpu.vector_load %arg8[%get3A_434] {strides = array<i32>} : memref<256xf32, #tpu.memory_space<vmem>>, vector<16xf32>,
    %add3A_436 = arith.constant 208 : i32
    %add3A_437 = vector.broadcast %add3A_436 : i32 to vector<16xi32>
    %add3A_438 = arith.addi %add3A_437, %iota3A : vector<16xi32>
    %masked_sort3A_439 = arith.constant dense<true> : vector<16xi1>
    %masked_sort3A_440, %masked_sort3A_441, %masked_sort3A_442 = tpu.sort %get3A_435, %add3A_438 masked %masked_sort3A_439 : (vector<16xf32>, vector<16xi32>, vector<16xi1>) -> (vector<16xi1>, vector<16xf32>, vector<16xi32>)
    %rev3A_443 = arith.constant 15 : i32
    %rev3A_444 = vector.broadcast %rev3A_443 : i32 to vector<16xi32>
    %rev3A_445 = tpu.iota {dimensions = array<i32: 0>} : vector<16xi32>
    %rev3A_446 = arith.subi %rev3A_444, %rev3A_445 : vector<16xi32>
    %rev3A_447 = tpu.dynamic_gather %masked_sort3A_441[%rev3A_446] in [0] : vector<16xf32>, vector<16xi32> -> vector<16xf32>
    %rev3A_448 = arith.constant 15 : i32
    %rev3A_449 = vector.broadcast %rev3A_448 : i32 to vector<16xi32>
    %rev3A_450 = tpu.iota {dimensions = array<i32: 0>} : vector<16xi32>
    %rev3A_451 = arith.subi %rev3A_449, %rev3A_450 : vector<16xi32>
    %rev3A_452 = tpu.dynamic_gather %masked_sort3A_442[%rev3A_451] in [0] : vector<16xi32>, vector<16xi32> -> vector<16xi32>
    %max3A_453 = arith.maximumf %rev3A_447, %masked_sort3A_432 : vector<16xf32>
    %ge3A_454 = arith.cmpf oge, %rev3A_447, %masked_sort3A_432 : vector<16xf32>
    %select_n3A_455 = arith.select %ge3A_454, %rev3A_452, %masked_sort3A_433 : vector<16xi1>, vector<16xi32>
    %masked_sort3A_456 = arith.constant dense<true> : vector<16xi1>
    %masked_sort3A_457, %masked_sort3A_458, %masked_sort3A_459 = tpu.sort %max3A_453, %select_n3A_455 masked %masked_sort3A_456 : (vector<16xf32>, vector<16xi32>, vector<16xi1>) -> (vector<16xi1>, vector<16xf32>, vector<16xi32>)
    %get3A_460 = arith.constant 224 : index
    %get3A_461 = tpu.vector_load %arg8[%get3A_460] {strides = array<i32>} : memref<256xf32, #tpu.memory_space<vmem>>, vector<16xf32>,
    %add3A_462 = arith.constant 224 : i32
    %add3A_463 = vector.broadcast %add3A_462 : i32 to vector<16xi32>
    %add3A_464 = arith.addi %add3A_463, %iota3A : vector<16xi32>
    %masked_sort3A_465 = arith.constant dense<true> : vector<16xi1>
    %masked_sort3A_466, %masked_sort3A_467, %masked_sort3A_468 = tpu.sort %get3A_461, %add3A_464 masked %masked_sort3A_465 : (vector<16xf32>, vector<16xi32>, vector<16xi1>) -> (vector<16xi1>, vector<16xf32>, vector<16xi32>)
    %rev3A_469 = arith.constant 15 : i32
    %rev3A_470 = vector.broadcast %rev3A_469 : i32 to vector<16xi32>
    %rev3A_471 = tpu.iota {dimensions = array<i32: 0>} : vector<16xi32>
    %rev3A_472 = arith.subi %rev3A_470, %rev3A_471 : vector<16xi32>
    %rev3A_473 = tpu.dynamic_gather %masked_sort3A_467[%rev3A_472] in [0] : vector<16xf32>, vector<16xi32> -> vector<16xf32>
    %rev3A_474 = arith.constant 15 : i32
    %rev3A_475 = vector.broadcast %rev3A_474 : i32 to vector<16xi32>
    %rev3A_476 = tpu.iota {dimensions = array<i32: 0>} : vector<16xi32>
    %rev3A_477 = arith.subi %rev3A_475, %rev3A_476 : vector<16xi32>
    %rev3A_478 = tpu.dynamic_gather %masked_sort3A_468[%rev3A_477] in [0] : vector<16xi32>, vector<16xi32> -> vector<16xi32>
    %max3A_479 = arith.maximumf %rev3A_473, %masked_sort3A_458 : vector<16xf32>
    %ge3A_480 = arith.cmpf oge, %rev3A_473, %masked_sort3A_458 : vector<16xf32>
    %select_n3A_481 = arith.select %ge3A_480, %rev3A_478, %masked_sort3A_459 : vector<16xi1>, vector<16xi32>
    %masked_sort3A_482 = arith.constant dense<true> : vector<16xi1>
    %masked_sort3A_483, %masked_sort3A_484, %masked_sort3A_485 = tpu.sort %max3A_479, %select_n3A_481 masked %masked_sort3A_482 : (vector<16xf32>, vector<16xi32>, vector<16xi1>) -> (vector<16xi1>, vector<16xf32>, vector<16xi32>)
    %get3A_486 = arith.constant 240 : index
    %get3A_487 = tpu.vector_load %arg8[%get3A_486] {strides = array<i32>} : memref<256xf32, #tpu.memory_space<vmem>>, vector<16xf32>,
    %add3A_488 = arith.constant 240 : i32
    %add3A_489 = vector.broadcast %add3A_488 : i32 to vector<16xi32>
    %add3A_490 = arith.addi %add3A_489, %iota3A : vector<16xi32>
    %masked_sort3A_491 = arith.constant dense<true> : vector<16xi1>
    %masked_sort3A_492, %masked_sort3A_493, %masked_sort3A_494 = tpu.sort %get3A_487, %add3A_490 masked %masked_sort3A_491 : (vector<16xf32>, vector<16xi32>, vector<16xi1>) -> (vector<16xi1>, vector<16xf32>, vector<16xi32>)
    %rev3A_495 = arith.constant 15 : i32
    %rev3A_496 = vector.broadcast %rev3A_495 : i32 to vector<16xi32>
    %rev3A_497 = tpu.iota {dimensions = array<i32: 0>} : vector<16xi32>
    %rev3A_498 = arith.subi %rev3A_496, %rev3A_497 : vector<16xi32>
    %rev3A_499 = tpu.dynamic_gather %masked_sort3A_493[%rev3A_498] in [0] : vector<16xf32>, vector<16xi32> -> vector<16xf32>
    %rev3A_500 = arith.constant 15 : i32
    %rev3A_501 = vector.broadcast %rev3A_500 : i32 to vector<16xi32>
    %rev3A_502 = tpu.iota {dimensions = array<i32: 0>} : vector<16xi32>
    %rev3A_503 = arith.subi %rev3A_501, %rev3A_502 : vector<16xi32>
    %rev3A_504 = tpu.dynamic_gather %masked_sort3A_494[%rev3A_503] in [0] : vector<16xi32>, vector<16xi32> -> vector<16xi32>
    %max3A_505 = arith.maximumf %rev3A_499, %masked_sort3A_484 : vector<16xf32>
    %ge3A_506 = arith.cmpf oge, %rev3A_499, %masked_sort3A_484 : vector<16xf32>
    %select_n3A_507 = arith.select %ge3A_506, %rev3A_504, %masked_sort3A_485 : vector<16xi1>, vector<16xi32>
    %masked_sort3A_508 = arith.constant dense<true> : vector<16xi1>
    %masked_sort3A_509, %masked_sort3A_510, %masked_sort3A_511 = tpu.sort %max3A_505, %select_n3A_507 masked %masked_sort3A_508 : (vector<16xf32>, vector<16xi32>, vector<16xi1>) -> (vector<16xi1>, vector<16xf32>, vector<16xi32>)
    %neg3A = arith.constant 0.000000e+00 : f32
    %neg3A_512 = vector.broadcast %neg3A : f32 to vector<16xf32>
    %neg3A_513 = arith.subf %neg3A_512, %masked_sort3A_510 : vector<16xf32>
    %broadcast_in_dim3A_514 = arith.constant true
    %broadcast_in_dim3A_515 = vector.broadcast %broadcast_in_dim3A_514 : i1 to vector<16xi1>
    %masked_cummax3A = tpu.scan <max>, %neg3A_513 masked %broadcast_in_dim3A_515 : vector<16xf32>, vector<16xi1> -> vector<16xf32>
    %rev3A_516 = arith.constant 15 : i32
    %rev3A_517 = vector.broadcast %rev3A_516 : i32 to vector<16xi32>
    %rev3A_518 = tpu.iota {dimensions = array<i32: 0>} : vector<16xi32>
    %rev3A_519 = arith.subi %rev3A_517, %rev3A_518 : vector<16xi32>
    %rev3A_520 = tpu.dynamic_gather %masked_cummax3A[%rev3A_519] in [0] : vector<16xf32>, vector<16xi32> -> vector<16xf32>
    %broadcast_in_dim3A_521 = arith.constant true
    %broadcast_in_dim3A_522 = vector.broadcast %broadcast_in_dim3A_521 : i1 to vector<16xi1>
    %masked_cummax3A_523 = tpu.scan <max>, %rev3A_520 masked %broadcast_in_dim3A_522 : vector<16xf32>, vector<16xi1> -> vector<16xf32>
    %neg3A_524 = arith.constant 0.000000e+00 : f32
    %neg3A_525 = vector.broadcast %neg3A_524 : f32 to vector<16xf32>
    %neg3A_526 = arith.subf %neg3A_525, %masked_cummax3A_523 : vector<16xf32>
    %swap3A = arith.constant 0 : index
    %swap3A_527 = tpu.vector_load %arg10[%swap3A] {strides = array<i32>} : memref<16xi32, #tpu.memory_space<vmem>>, vector<16xi32>,
    tpu.vector_store %arg10[%swap3A], %masked_sort3A_511 {strides = array<i32>} : memref<16xi32, #tpu.memory_space<vmem>>, vector<16xi32>,
    %mul3A_528 = arith.constant 256 : i32
    %mul3A_529 = arith.muli %add3A_101, %mul3A_528 : i32
    %add3A_530 = vector.broadcast %mul3A_529 : i32 to vector<16xi32>
    %add3A_531 = arith.addi %masked_sort3A_511, %add3A_530 : vector<16xi32>
    %swap3A_532 = arith.constant 0 : index
    %swap3A_533 = tpu.vector_load %arg12[%swap3A_532] {strides = array<i32>} : memref<16xi32, #tpu.memory_space<vmem>>, vector<16xi32>,
    tpu.vector_store %arg12[%swap3A_532], %add3A_531 {strides = array<i32>} : memref<16xi32, #tpu.memory_space<vmem>>, vector<16xi32>,
    %dma_start3A_534 = arith.constant 0 : i32
    %dma_start3A_535 = arith.constant 0 : i32
    %dma_start3A_536 = tpu.memref_slice %arg3[%dma_start3A_534, %dma_start3A_535] : memref<16384x128xf32, #tpu.memory_space<hbm>> -> memref<16384x128xf32, #tpu.memory_space<hbm>>
    tpu.enqueue_indirect_dma source(%dma_start3A_536 : memref<16384x128xf32, #tpu.memory_space<hbm>>) target(%arg14 : memref<16x128xf32, #tpu.memory_space<vmem>>) offsets(%arg12 : memref<16xi32, #tpu.memory_space<vmem>>) semaphore(%arg23 : memref<!tpu.dma_semaphore, #tpu.memory_space<semaphore_mem>>)
    %dma_start3A_537 = arith.constant 0 : i32
    %dma_start3A_538 = arith.constant 0 : i32
    %dma_start3A_539 = tpu.memref_slice %arg3[%dma_start3A_537, %dma_start3A_538] : memref<16384x128xf32, #tpu.memory_space<hbm>> -> memref<16384x128xf32, #tpu.memory_space<hbm>>
    tpu.enqueue_indirect_dma source(%dma_start3A_539 : memref<16384x128xf32, #tpu.memory_space<hbm>>) target(%arg14 : memref<16x128xf32, #tpu.memory_space<vmem>>) offsets(%arg12 : memref<16xi32, #tpu.memory_space<vmem>>) semaphore(%arg23 : memref<!tpu.dma_semaphore, #tpu.memory_space<semaphore_mem>>)
    %add3A_540 = arith.constant 1 : i32
    %add3A_541 = arith.addi %mul3A_5, %add3A_540 : i32
    %get3A_542 = arith.constant 0 : index
    %get3A_543 = tpu.vector_load %arg9[%get3A_542] {strides = array<i32>} : memref<256xf32, #tpu.memory_space<vmem>>, vector<16xf32>,
    %add3A_544 = arith.constant 0 : i32
    %add3A_545 = vector.broadcast %add3A_544 : i32 to vector<16xi32>
    %add3A_546 = arith.addi %add3A_545, %iota3A : vector<16xi32>
    %masked_sort3A_547 = arith.constant dense<true> : vector<16xi1>
    %masked_sort3A_548, %masked_sort3A_549, %masked_sort3A_550 = tpu.sort %get3A_543, %add3A_546 masked %masked_sort3A_547 : (vector<16xf32>, vector<16xi32>, vector<16xi1>) -> (vector<16xi1>, vector<16xf32>, vector<16xi32>)
    %rev3A_551 = arith.constant 15 : i32
    %rev3A_552 = vector.broadcast %rev3A_551 : i32 to vector<16xi32>
    %rev3A_553 = tpu.iota {dimensions = array<i32: 0>} : vector<16xi32>
    %rev3A_554 = arith.subi %rev3A_552, %rev3A_553 : vector<16xi32>
    %rev3A_555 = tpu.dynamic_gather %masked_sort3A_549[%rev3A_554] in [0] : vector<16xf32>, vector<16xi32> -> vector<16xf32>
    %rev3A_556 = arith.constant 15 : i32
    %rev3A_557 = vector.broadcast %rev3A_556 : i32 to vector<16xi32>
    %rev3A_558 = tpu.iota {dimensions = array<i32: 0>} : vector<16xi32>
    %rev3A_559 = arith.subi %rev3A_557, %rev3A_558 : vector<16xi32>
    %rev3A_560 = tpu.dynamic_gather %masked_sort3A_550[%rev3A_559] in [0] : vector<16xi32>, vector<16xi32> -> vector<16xi32>
    %max3A_561 = arith.maximumf %rev3A_555, %broadcast_in_dim3A_1 : vector<16xf32>
    %ge3A_562 = arith.cmpf oge, %rev3A_555, %broadcast_in_dim3A_1 : vector<16xf32>
    %select_n3A_563 = arith.select %ge3A_562, %rev3A_560, %broadcast_in_dim3A_3 : vector<16xi1>, vector<16xi32>
    %masked_sort3A_564 = arith.constant dense<true> : vector<16xi1>
    %masked_sort3A_565, %masked_sort3A_566, %masked_sort3A_567 = tpu.sort %max3A_561, %select_n3A_563 masked %masked_sort3A_564 : (vector<16xf32>, vector<16xi32>, vector<16xi1>) -> (vector<16xi1>, vector<16xf32>, vector<16xi32>)
    %get3A_568 = arith.constant 16 : index
    %get3A_569 = tpu.vector_load %arg9[%get3A_568] {strides = array<i32>} : memref<256xf32, #tpu.memory_space<vmem>>, vector<16xf32>,
    %add3A_570 = arith.constant 16 : i32
    %add3A_571 = vector.broadcast %add3A_570 : i32 to vector<16xi32>
    %add3A_572 = arith.addi %add3A_571, %iota3A : vector<16xi32>
    %masked_sort3A_573 = arith.constant dense<true> : vector<16xi1>
    %masked_sort3A_574, %masked_sort3A_575, %masked_sort3A_576 = tpu.sort %get3A_569, %add3A_572 masked %masked_sort3A_573 : (vector<16xf32>, vector<16xi32>, vector<16xi1>) -> (vector<16xi1>, vector<16xf32>, vector<16xi32>)
    %rev3A_577 = arith.constant 15 : i32
    %rev3A_578 = vector.broadcast %rev3A_577 : i32 to vector<16xi32>
    %rev3A_579 = tpu.iota {dimensions = array<i32: 0>} : vector<16xi32>
    %rev3A_580 = arith.subi %rev3A_578, %rev3A_579 : vector<16xi32>
    %rev3A_581 = tpu.dynamic_gather %masked_sort3A_575[%rev3A_580] in [0] : vector<16xf32>, vector<16xi32> -> vector<16xf32>
    %rev3A_582 = arith.constant 15 : i32
    %rev3A_583 = vector.broadcast %rev3A_582 : i32 to vector<16xi32>
    %rev3A_584 = tpu.iota {dimensions = array<i32: 0>} : vector<16xi32>
    %rev3A_585 = arith.subi %rev3A_583, %rev3A_584 : vector<16xi32>
    %rev3A_586 = tpu.dynamic_gather %masked_sort3A_576[%rev3A_585] in [0] : vector<16xi32>, vector<16xi32> -> vector<16xi32>
    %max3A_587 = arith.maximumf %rev3A_581, %masked_sort3A_566 : vector<16xf32>
    %ge3A_588 = arith.cmpf oge, %rev3A_581, %masked_sort3A_566 : vector<16xf32>
    %select_n3A_589 = arith.select %ge3A_588, %rev3A_586, %masked_sort3A_567 : vector<16xi1>, vector<16xi32>
    %masked_sort3A_590 = arith.constant dense<true> : vector<16xi1>
    %masked_sort3A_591, %masked_sort3A_592, %masked_sort3A_593 = tpu.sort %max3A_587, %select_n3A_589 masked %masked_sort3A_590 : (vector<16xf32>, vector<16xi32>, vector<16xi1>) -> (vector<16xi1>, vector<16xf32>, vector<16xi32>)
    %get3A_594 = arith.constant 32 : index
    %get3A_595 = tpu.vector_load %arg9[%get3A_594] {strides = array<i32>} : memref<256xf32, #tpu.memory_space<vmem>>, vector<16xf32>,
    %add3A_596 = arith.constant 32 : i32
    %add3A_597 = vector.broadcast %add3A_596 : i32 to vector<16xi32>
    %add3A_598 = arith.addi %add3A_597, %iota3A : vector<16xi32>
    %masked_sort3A_599 = arith.constant dense<true> : vector<16xi1>
    %masked_sort3A_600, %masked_sort3A_601, %masked_sort3A_602 = tpu.sort %get3A_595, %add3A_598 masked %masked_sort3A_599 : (vector<16xf32>, vector<16xi32>, vector<16xi1>) -> (vector<16xi1>, vector<16xf32>, vector<16xi32>)
    %rev3A_603 = arith.constant 15 : i32
    %rev3A_604 = vector.broadcast %rev3A_603 : i32 to vector<16xi32>
    %rev3A_605 = tpu.iota {dimensions = array<i32: 0>} : vector<16xi32>
    %rev3A_606 = arith.subi %rev3A_604, %rev3A_605 : vector<16xi32>
    %rev3A_607 = tpu.dynamic_gather %masked_sort3A_601[%rev3A_606] in [0] : vector<16xf32>, vector<16xi32> -> vector<16xf32>
    %rev3A_608 = arith.constant 15 : i32
    %rev3A_609 = vector.broadcast %rev3A_608 : i32 to vector<16xi32>
    %rev3A_610 = tpu.iota {dimensions = array<i32: 0>} : vector<16xi32>
    %rev3A_611 = arith.subi %rev3A_609, %rev3A_610 : vector<16xi32>
    %rev3A_612 = tpu.dynamic_gather %masked_sort3A_602[%rev3A_611] in [0] : vector<16xi32>, vector<16xi32> -> vector<16xi32>
    %max3A_613 = arith.maximumf %rev3A_607, %masked_sort3A_592 : vector<16xf32>
    %ge3A_614 = arith.cmpf oge, %rev3A_607, %masked_sort3A_592 : vector<16xf32>
    %select_n3A_615 = arith.select %ge3A_614, %rev3A_612, %masked_sort3A_593 : vector<16xi1>, vector<16xi32>
    %masked_sort3A_616 = arith.constant dense<true> : vector<16xi1>
    %masked_sort3A_617, %masked_sort3A_618, %masked_sort3A_619 = tpu.sort %max3A_613, %select_n3A_615 masked %masked_sort3A_616 : (vector<16xf32>, vector<16xi32>, vector<16xi1>) -> (vector<16xi1>, vector<16xf32>, vector<16xi32>)
    %get3A_620 = arith.constant 48 : index
    %get3A_621 = tpu.vector_load %arg9[%get3A_620] {strides = array<i32>} : memref<256xf32, #tpu.memory_space<vmem>>, vector<16xf32>,
    %add3A_622 = arith.constant 48 : i32
    %add3A_623 = vector.broadcast %add3A_622 : i32 to vector<16xi32>
    %add3A_624 = arith.addi %add3A_623, %iota3A : vector<16xi32>
    %masked_sort3A_625 = arith.constant dense<true> : vector<16xi1>
    %masked_sort3A_626, %masked_sort3A_627, %masked_sort3A_628 = tpu.sort %get3A_621, %add3A_624 masked %masked_sort3A_625 : (vector<16xf32>, vector<16xi32>, vector<16xi1>) -> (vector<16xi1>, vector<16xf32>, vector<16xi32>)
    %rev3A_629 = arith.constant 15 : i32
    %rev3A_630 = vector.broadcast %rev3A_629 : i32 to vector<16xi32>
    %rev3A_631 = tpu.iota {dimensions = array<i32: 0>} : vector<16xi32>
    %rev3A_632 = arith.subi %rev3A_630, %rev3A_631 : vector<16xi32>
    %rev3A_633 = tpu.dynamic_gather %masked_sort3A_627[%rev3A_632] in [0] : vector<16xf32>, vector<16xi32> -> vector<16xf32>
    %rev3A_634 = arith.constant 15 : i32
    %rev3A_635 = vector.broadcast %rev3A_634 : i32 to vector<16xi32>
    %rev3A_636 = tpu.iota {dimensions = array<i32: 0>} : vector<16xi32>
    %rev3A_637 = arith.subi %rev3A_635, %rev3A_636 : vector<16xi32>
    %rev3A_638 = tpu.dynamic_gather %masked_sort3A_628[%rev3A_637] in [0] : vector<16xi32>, vector<16xi32> -> vector<16xi32>
    %max3A_639 = arith.maximumf %rev3A_633, %masked_sort3A_618 : vector<16xf32>
    %ge3A_640 = arith.cmpf oge, %rev3A_633, %masked_sort3A_618 : vector<16xf32>
    %select_n3A_641 = arith.select %ge3A_640, %rev3A_638, %masked_sort3A_619 : vector<16xi1>, vector<16xi32>
    %masked_sort3A_642 = arith.constant dense<true> : vector<16xi1>
    %masked_sort3A_643, %masked_sort3A_644, %masked_sort3A_645 = tpu.sort %max3A_639, %select_n3A_641 masked %masked_sort3A_642 : (vector<16xf32>, vector<16xi32>, vector<16xi1>) -> (vector<16xi1>, vector<16xf32>, vector<16xi32>)
    %get3A_646 = arith.constant 64 : index
    %get3A_647 = tpu.vector_load %arg9[%get3A_646] {strides = array<i32>} : memref<256xf32, #tpu.memory_space<vmem>>, vector<16xf32>,
    %add3A_648 = arith.constant 64 : i32
    %add3A_649 = vector.broadcast %add3A_648 : i32 to vector<16xi32>
    %add3A_650 = arith.addi %add3A_649, %iota3A : vector<16xi32>
    %masked_sort3A_651 = arith.constant dense<true> : vector<16xi1>
    %masked_sort3A_652, %masked_sort3A_653, %masked_sort3A_654 = tpu.sort %get3A_647, %add3A_650 masked %masked_sort3A_651 : (vector<16xf32>, vector<16xi32>, vector<16xi1>) -> (vector<16xi1>, vector<16xf32>, vector<16xi32>)
    %rev3A_655 = arith.constant 15 : i32
    %rev3A_656 = vector.broadcast %rev3A_655 : i32 to vector<16xi32>
    %rev3A_657 = tpu.iota {dimensions = array<i32: 0>} : vector<16xi32>
    %rev3A_658 = arith.subi %rev3A_656, %rev3A_657 : vector<16xi32>
    %rev3A_659 = tpu.dynamic_gather %masked_sort3A_653[%rev3A_658] in [0] : vector<16xf32>, vector<16xi32> -> vector<16xf32>
    %rev3A_660 = arith.constant 15 : i32
    %rev3A_661 = vector.broadcast %rev3A_660 : i32 to vector<16xi32>
    %rev3A_662 = tpu.iota {dimensions = array<i32: 0>} : vector<16xi32>
    %rev3A_663 = arith.subi %rev3A_661, %rev3A_662 : vector<16xi32>
    %rev3A_664 = tpu.dynamic_gather %masked_sort3A_654[%rev3A_663] in [0] : vector<16xi32>, vector<16xi32> -> vector<16xi32>
    %max3A_665 = arith.maximumf %rev3A_659, %masked_sort3A_644 : vector<16xf32>
    %ge3A_666 = arith.cmpf oge, %rev3A_659, %masked_sort3A_644 : vector<16xf32>
    %select_n3A_667 = arith.select %ge3A_666, %rev3A_664, %masked_sort3A_645 : vector<16xi1>, vector<16xi32>
    %masked_sort3A_668 = arith.constant dense<true> : vector<16xi1>
    %masked_sort3A_669, %masked_sort3A_670, %masked_sort3A_671 = tpu.sort %max3A_665, %select_n3A_667 masked %masked_sort3A_668 : (vector<16xf32>, vector<16xi32>, vector<16xi1>) -> (vector<16xi1>, vector<16xf32>, vector<16xi32>)
    %get3A_672 = arith.constant 80 : index
    %get3A_673 = tpu.vector_load %arg9[%get3A_672] {strides = array<i32>} : memref<256xf32, #tpu.memory_space<vmem>>, vector<16xf32>,
    %add3A_674 = arith.constant 80 : i32
    %add3A_675 = vector.broadcast %add3A_674 : i32 to vector<16xi32>
    %add3A_676 = arith.addi %add3A_675, %iota3A : vector<16xi32>
    %masked_sort3A_677 = arith.constant dense<true> : vector<16xi1>
    %masked_sort3A_678, %masked_sort3A_679, %masked_sort3A_680 = tpu.sort %get3A_673, %add3A_676 masked %masked_sort3A_677 : (vector<16xf32>, vector<16xi32>, vector<16xi1>) -> (vector<16xi1>, vector<16xf32>, vector<16xi32>)
    %rev3A_681 = arith.constant 15 : i32
    %rev3A_682 = vector.broadcast %rev3A_681 : i32 to vector<16xi32>
    %rev3A_683 = tpu.iota {dimensions = array<i32: 0>} : vector<16xi32>
    %rev3A_684 = arith.subi %rev3A_682, %rev3A_683 : vector<16xi32>
    %rev3A_685 = tpu.dynamic_gather %masked_sort3A_679[%rev3A_684] in [0] : vector<16xf32>, vector<16xi32> -> vector<16xf32>
    %rev3A_686 = arith.constant 15 : i32
    %rev3A_687 = vector.broadcast %rev3A_686 : i32 to vector<16xi32>
    %rev3A_688 = tpu.iota {dimensions = array<i32: 0>} : vector<16xi32>
    %rev3A_689 = arith.subi %rev3A_687, %rev3A_688 : vector<16xi32>
    %rev3A_690 = tpu.dynamic_gather %masked_sort3A_680[%rev3A_689] in [0] : vector<16xi32>, vector<16xi32> -> vector<16xi32>
    %max3A_691 = arith.maximumf %rev3A_685, %masked_sort3A_670 : vector<16xf32>
    %ge3A_692 = arith.cmpf oge, %rev3A_685, %masked_sort3A_670 : vector<16xf32>
    %select_n3A_693 = arith.select %ge3A_692, %rev3A_690, %masked_sort3A_671 : vector<16xi1>, vector<16xi32>
    %masked_sort3A_694 = arith.constant dense<true> : vector<16xi1>
    %masked_sort3A_695, %masked_sort3A_696, %masked_sort3A_697 = tpu.sort %max3A_691, %select_n3A_693 masked %masked_sort3A_694 : (vector<16xf32>, vector<16xi32>, vector<16xi1>) -> (vector<16xi1>, vector<16xf32>, vector<16xi32>)
    %get3A_698 = arith.constant 96 : index
    %get3A_699 = tpu.vector_load %arg9[%get3A_698] {strides = array<i32>} : memref<256xf32, #tpu.memory_space<vmem>>, vector<16xf32>,
    %add3A_700 = arith.constant 96 : i32
    %add3A_701 = vector.broadcast %add3A_700 : i32 to vector<16xi32>
    %add3A_702 = arith.addi %add3A_701, %iota3A : vector<16xi32>
    %masked_sort3A_703 = arith.constant dense<true> : vector<16xi1>
    %masked_sort3A_704, %masked_sort3A_705, %masked_sort3A_706 = tpu.sort %get3A_699, %add3A_702 masked %masked_sort3A_703 : (vector<16xf32>, vector<16xi32>, vector<16xi1>) -> (vector<16xi1>, vector<16xf32>, vector<16xi32>)
    %rev3A_707 = arith.constant 15 : i32
    %rev3A_708 = vector.broadcast %rev3A_707 : i32 to vector<16xi32>
    %rev3A_709 = tpu.iota {dimensions = array<i32: 0>} : vector<16xi32>
    %rev3A_710 = arith.subi %rev3A_708, %rev3A_709 : vector<16xi32>
    %rev3A_711 = tpu.dynamic_gather %masked_sort3A_705[%rev3A_710] in [0] : vector<16xf32>, vector<16xi32> -> vector<16xf32>
    %rev3A_712 = arith.constant 15 : i32
    %rev3A_713 = vector.broadcast %rev3A_712 : i32 to vector<16xi32>
    %rev3A_714 = tpu.iota {dimensions = array<i32: 0>} : vector<16xi32>
    %rev3A_715 = arith.subi %rev3A_713, %rev3A_714 : vector<16xi32>
    %rev3A_716 = tpu.dynamic_gather %masked_sort3A_706[%rev3A_715] in [0] : vector<16xi32>, vector<16xi32> -> vector<16xi32>
    %max3A_717 = arith.maximumf %rev3A_711, %masked_sort3A_696 : vector<16xf32>
    %ge3A_718 = arith.cmpf oge, %rev3A_711, %masked_sort3A_696 : vector<16xf32>
    %select_n3A_719 = arith.select %ge3A_718, %rev3A_716, %masked_sort3A_697 : vector<16xi1>, vector<16xi32>
    %masked_sort3A_720 = arith.constant dense<true> : vector<16xi1>
    %masked_sort3A_721, %masked_sort3A_722, %masked_sort3A_723 = tpu.sort %max3A_717, %select_n3A_719 masked %masked_sort3A_720 : (vector<16xf32>, vector<16xi32>, vector<16xi1>) -> (vector<16xi1>, vector<16xf32>, vector<16xi32>)
    %get3A_724 = arith.constant 112 : index
    %get3A_725 = tpu.vector_load %arg9[%get3A_724] {strides = array<i32>} : memref<256xf32, #tpu.memory_space<vmem>>, vector<16xf32>,
    %add3A_726 = arith.constant 112 : i32
    %add3A_727 = vector.broadcast %add3A_726 : i32 to vector<16xi32>
    %add3A_728 = arith.addi %add3A_727, %iota3A : vector<16xi32>
    %masked_sort3A_729 = arith.constant dense<true> : vector<16xi1>
    %masked_sort3A_730, %masked_sort3A_731, %masked_sort3A_732 = tpu.sort %get3A_725, %add3A_728 masked %masked_sort3A_729 : (vector<16xf32>, vector<16xi32>, vector<16xi1>) -> (vector<16xi1>, vector<16xf32>, vector<16xi32>)
    %rev3A_733 = arith.constant 15 : i32
    %rev3A_734 = vector.broadcast %rev3A_733 : i32 to vector<16xi32>
    %rev3A_735 = tpu.iota {dimensions = array<i32: 0>} : vector<16xi32>
    %rev3A_736 = arith.subi %rev3A_734, %rev3A_735 : vector<16xi32>
    %rev3A_737 = tpu.dynamic_gather %masked_sort3A_731[%rev3A_736] in [0] : vector<16xf32>, vector<16xi32> -> vector<16xf32>
    %rev3A_738 = arith.constant 15 : i32
    %rev3A_739 = vector.broadcast %rev3A_738 : i32 to vector<16xi32>
    %rev3A_740 = tpu.iota {dimensions = array<i32: 0>} : vector<16xi32>
    %rev3A_741 = arith.subi %rev3A_739, %rev3A_740 : vector<16xi32>
    %rev3A_742 = tpu.dynamic_gather %masked_sort3A_732[%rev3A_741] in [0] : vector<16xi32>, vector<16xi32> -> vector<16xi32>
    %max3A_743 = arith.maximumf %rev3A_737, %masked_sort3A_722 : vector<16xf32>
    %ge3A_744 = arith.cmpf oge, %rev3A_737, %masked_sort3A_722 : vector<16xf32>
    %select_n3A_745 = arith.select %ge3A_744, %rev3A_742, %masked_sort3A_723 : vector<16xi1>, vector<16xi32>
    %masked_sort3A_746 = arith.constant dense<true> : vector<16xi1>
    %masked_sort3A_747, %masked_sort3A_748, %masked_sort3A_749 = tpu.sort %max3A_743, %select_n3A_745 masked %masked_sort3A_746 : (vector<16xf32>, vector<16xi32>, vector<16xi1>) -> (vector<16xi1>, vector<16xf32>, vector<16xi32>)
    %get3A_750 = arith.constant 128 : index
    %get3A_751 = tpu.vector_load %arg9[%get3A_750] {strides = array<i32>} : memref<256xf32, #tpu.memory_space<vmem>>, vector<16xf32>,
    %add3A_752 = arith.constant 128 : i32
    %add3A_753 = vector.broadcast %add3A_752 : i32 to vector<16xi32>
    %add3A_754 = arith.addi %add3A_753, %iota3A : vector<16xi32>
    %masked_sort3A_755 = arith.constant dense<true> : vector<16xi1>
    %masked_sort3A_756, %masked_sort3A_757, %masked_sort3A_758 = tpu.sort %get3A_751, %add3A_754 masked %masked_sort3A_755 : (vector<16xf32>, vector<16xi32>, vector<16xi1>) -> (vector<16xi1>, vector<16xf32>, vector<16xi32>)
    %rev3A_759 = arith.constant 15 : i32
    %rev3A_760 = vector.broadcast %rev3A_759 : i32 to vector<16xi32>
    %rev3A_761 = tpu.iota {dimensions = array<i32: 0>} : vector<16xi32>
    %rev3A_762 = arith.subi %rev3A_760, %rev3A_761 : vector<16xi32>
    %rev3A_763 = tpu.dynamic_gather %masked_sort3A_757[%rev3A_762] in [0] : vector<16xf32>, vector<16xi32> -> vector<16xf32>
    %rev3A_764 = arith.constant 15 : i32
    %rev3A_765 = vector.broadcast %rev3A_764 : i32 to vector<16xi32>
    %rev3A_766 = tpu.iota {dimensions = array<i32: 0>} : vector<16xi32>
    %rev3A_767 = arith.subi %rev3A_765, %rev3A_766 : vector<16xi32>
    %rev3A_768 = tpu.dynamic_gather %masked_sort3A_758[%rev3A_767] in [0] : vector<16xi32>, vector<16xi32> -> vector<16xi32>
    %max3A_769 = arith.maximumf %rev3A_763, %masked_sort3A_748 : vector<16xf32>
    %ge3A_770 = arith.cmpf oge, %rev3A_763, %masked_sort3A_748 : vector<16xf32>
    %select_n3A_771 = arith.select %ge3A_770, %rev3A_768, %masked_sort3A_749 : vector<16xi1>, vector<16xi32>
    %masked_sort3A_772 = arith.constant dense<true> : vector<16xi1>
    %masked_sort3A_773, %masked_sort3A_774, %masked_sort3A_775 = tpu.sort %max3A_769, %select_n3A_771 masked %masked_sort3A_772 : (vector<16xf32>, vector<16xi32>, vector<16xi1>) -> (vector<16xi1>, vector<16xf32>, vector<16xi32>)
    %get3A_776 = arith.constant 144 : index
    %get3A_777 = tpu.vector_load %arg9[%get3A_776] {strides = array<i32>} : memref<256xf32, #tpu.memory_space<vmem>>, vector<16xf32>,
    %add3A_778 = arith.constant 144 : i32
    %add3A_779 = vector.broadcast %add3A_778 : i32 to vector<16xi32>
    %add3A_780 = arith.addi %add3A_779, %iota3A : vector<16xi32>
    %masked_sort3A_781 = arith.constant dense<true> : vector<16xi1>
    %masked_sort3A_782, %masked_sort3A_783, %masked_sort3A_784 = tpu.sort %get3A_777, %add3A_780 masked %masked_sort3A_781 : (vector<16xf32>, vector<16xi32>, vector<16xi1>) -> (vector<16xi1>, vector<16xf32>, vector<16xi32>)
    %rev3A_785 = arith.constant 15 : i32
    %rev3A_786 = vector.broadcast %rev3A_785 : i32 to vector<16xi32>
    %rev3A_787 = tpu.iota {dimensions = array<i32: 0>} : vector<16xi32>
    %rev3A_788 = arith.subi %rev3A_786, %rev3A_787 : vector<16xi32>
    %rev3A_789 = tpu.dynamic_gather %masked_sort3A_783[%rev3A_788] in [0] : vector<16xf32>, vector<16xi32> -> vector<16xf32>
    %rev3A_790 = arith.constant 15 : i32
    %rev3A_791 = vector.broadcast %rev3A_790 : i32 to vector<16xi32>
    %rev3A_792 = tpu.iota {dimensions = array<i32: 0>} : vector<16xi32>
    %rev3A_793 = arith.subi %rev3A_791, %rev3A_792 : vector<16xi32>
    %rev3A_794 = tpu.dynamic_gather %masked_sort3A_784[%rev3A_793] in [0] : vector<16xi32>, vector<16xi32> -> vector<16xi32>
    %max3A_795 = arith.maximumf %rev3A_789, %masked_sort3A_774 : vector<16xf32>
    %ge3A_796 = arith.cmpf oge, %rev3A_789, %masked_sort3A_774 : vector<16xf32>
    %select_n3A_797 = arith.select %ge3A_796, %rev3A_794, %masked_sort3A_775 : vector<16xi1>, vector<16xi32>
    %masked_sort3A_798 = arith.constant dense<true> : vector<16xi1>
    %masked_sort3A_799, %masked_sort3A_800, %masked_sort3A_801 = tpu.sort %max3A_795, %select_n3A_797 masked %masked_sort3A_798 : (vector<16xf32>, vector<16xi32>, vector<16xi1>) -> (vector<16xi1>, vector<16xf32>, vector<16xi32>)
    %get3A_802 = arith.constant 160 : index
    %get3A_803 = tpu.vector_load %arg9[%get3A_802] {strides = array<i32>} : memref<256xf32, #tpu.memory_space<vmem>>, vector<16xf32>,
    %add3A_804 = arith.constant 160 : i32
    %add3A_805 = vector.broadcast %add3A_804 : i32 to vector<16xi32>
    %add3A_806 = arith.addi %add3A_805, %iota3A : vector<16xi32>
    %masked_sort3A_807 = arith.constant dense<true> : vector<16xi1>
    %masked_sort3A_808, %masked_sort3A_809, %masked_sort3A_810 = tpu.sort %get3A_803, %add3A_806 masked %masked_sort3A_807 : (vector<16xf32>, vector<16xi32>, vector<16xi1>) -> (vector<16xi1>, vector<16xf32>, vector<16xi32>)
    %rev3A_811 = arith.constant 15 : i32
    %rev3A_812 = vector.broadcast %rev3A_811 : i32 to vector<16xi32>
    %rev3A_813 = tpu.iota {dimensions = array<i32: 0>} : vector<16xi32>
    %rev3A_814 = arith.subi %rev3A_812, %rev3A_813 : vector<16xi32>
    %rev3A_815 = tpu.dynamic_gather %masked_sort3A_809[%rev3A_814] in [0] : vector<16xf32>, vector<16xi32> -> vector<16xf32>
    %rev3A_816 = arith.constant 15 : i32
    %rev3A_817 = vector.broadcast %rev3A_816 : i32 to vector<16xi32>
    %rev3A_818 = tpu.iota {dimensions = array<i32: 0>} : vector<16xi32>
    %rev3A_819 = arith.subi %rev3A_817, %rev3A_818 : vector<16xi32>
    %rev3A_820 = tpu.dynamic_gather %masked_sort3A_810[%rev3A_819] in [0] : vector<16xi32>, vector<16xi32> -> vector<16xi32>
    %max3A_821 = arith.maximumf %rev3A_815, %masked_sort3A_800 : vector<16xf32>
    %ge3A_822 = arith.cmpf oge, %rev3A_815, %masked_sort3A_800 : vector<16xf32>
    %select_n3A_823 = arith.select %ge3A_822, %rev3A_820, %masked_sort3A_801 : vector<16xi1>, vector<16xi32>
    %masked_sort3A_824 = arith.constant dense<true> : vector<16xi1>
    %masked_sort3A_825, %masked_sort3A_826, %masked_sort3A_827 = tpu.sort %max3A_821, %select_n3A_823 masked %masked_sort3A_824 : (vector<16xf32>, vector<16xi32>, vector<16xi1>) -> (vector<16xi1>, vector<16xf32>, vector<16xi32>)
    %get3A_828 = arith.constant 176 : index
    %get3A_829 = tpu.vector_load %arg9[%get3A_828] {strides = array<i32>} : memref<256xf32, #tpu.memory_space<vmem>>, vector<16xf32>,
    %add3A_830 = arith.constant 176 : i32
    %add3A_831 = vector.broadcast %add3A_830 : i32 to vector<16xi32>
    %add3A_832 = arith.addi %add3A_831, %iota3A : vector<16xi32>
    %masked_sort3A_833 = arith.constant dense<true> : vector<16xi1>
    %masked_sort3A_834, %masked_sort3A_835, %masked_sort3A_836 = tpu.sort %get3A_829, %add3A_832 masked %masked_sort3A_833 : (vector<16xf32>, vector<16xi32>, vector<16xi1>) -> (vector<16xi1>, vector<16xf32>, vector<16xi32>)
    %rev3A_837 = arith.constant 15 : i32
    %rev3A_838 = vector.broadcast %rev3A_837 : i32 to vector<16xi32>
    %rev3A_839 = tpu.iota {dimensions = array<i32: 0>} : vector<16xi32>
    %rev3A_840 = arith.subi %rev3A_838, %rev3A_839 : vector<16xi32>
    %rev3A_841 = tpu.dynamic_gather %masked_sort3A_835[%rev3A_840] in [0] : vector<16xf32>, vector<16xi32> -> vector<16xf32>
    %rev3A_842 = arith.constant 15 : i32
    %rev3A_843 = vector.broadcast %rev3A_842 : i32 to vector<16xi32>
    %rev3A_844 = tpu.iota {dimensions = array<i32: 0>} : vector<16xi32>
    %rev3A_845 = arith.subi %rev3A_843, %rev3A_844 : vector<16xi32>
    %rev3A_846 = tpu.dynamic_gather %masked_sort3A_836[%rev3A_845] in [0] : vector<16xi32>, vector<16xi32> -> vector<16xi32>
    %max3A_847 = arith.maximumf %rev3A_841, %masked_sort3A_826 : vector<16xf32>
    %ge3A_848 = arith.cmpf oge, %rev3A_841, %masked_sort3A_826 : vector<16xf32>
    %select_n3A_849 = arith.select %ge3A_848, %rev3A_846, %masked_sort3A_827 : vector<16xi1>, vector<16xi32>
    %masked_sort3A_850 = arith.constant dense<true> : vector<16xi1>
    %masked_sort3A_851, %masked_sort3A_852, %masked_sort3A_853 = tpu.sort %max3A_847, %select_n3A_849 masked %masked_sort3A_850 : (vector<16xf32>, vector<16xi32>, vector<16xi1>) -> (vector<16xi1>, vector<16xf32>, vector<16xi32>)
    %get3A_854 = arith.constant 192 : index
    %get3A_855 = tpu.vector_load %arg9[%get3A_854] {strides = array<i32>} : memref<256xf32, #tpu.memory_space<vmem>>, vector<16xf32>,
    %add3A_856 = arith.constant 192 : i32
    %add3A_857 = vector.broadcast %add3A_856 : i32 to vector<16xi32>
    %add3A_858 = arith.addi %add3A_857, %iota3A : vector<16xi32>
    %masked_sort3A_859 = arith.constant dense<true> : vector<16xi1>
    %masked_sort3A_860, %masked_sort3A_861, %masked_sort3A_862 = tpu.sort %get3A_855, %add3A_858 masked %masked_sort3A_859 : (vector<16xf32>, vector<16xi32>, vector<16xi1>) -> (vector<16xi1>, vector<16xf32>, vector<16xi32>)
    %rev3A_863 = arith.constant 15 : i32
    %rev3A_864 = vector.broadcast %rev3A_863 : i32 to vector<16xi32>
    %rev3A_865 = tpu.iota {dimensions = array<i32: 0>} : vector<16xi32>
    %rev3A_866 = arith.subi %rev3A_864, %rev3A_865 : vector<16xi32>
    %rev3A_867 = tpu.dynamic_gather %masked_sort3A_861[%rev3A_866] in [0] : vector<16xf32>, vector<16xi32> -> vector<16xf32>
    %rev3A_868 = arith.constant 15 : i32
    %rev3A_869 = vector.broadcast %rev3A_868 : i32 to vector<16xi32>
    %rev3A_870 = tpu.iota {dimensions = array<i32: 0>} : vector<16xi32>
    %rev3A_871 = arith.subi %rev3A_869, %rev3A_870 : vector<16xi32>
    %rev3A_872 = tpu.dynamic_gather %masked_sort3A_862[%rev3A_871] in [0] : vector<16xi32>, vector<16xi32> -> vector<16xi32>
    %max3A_873 = arith.maximumf %rev3A_867, %masked_sort3A_852 : vector<16xf32>
    %ge3A_874 = arith.cmpf oge, %rev3A_867, %masked_sort3A_852 : vector<16xf32>
    %select_n3A_875 = arith.select %ge3A_874, %rev3A_872, %masked_sort3A_853 : vector<16xi1>, vector<16xi32>
    %masked_sort3A_876 = arith.constant dense<true> : vector<16xi1>
    %masked_sort3A_877, %masked_sort3A_878, %masked_sort3A_879 = tpu.sort %max3A_873, %select_n3A_875 masked %masked_sort3A_876 : (vector<16xf32>, vector<16xi32>, vector<16xi1>) -> (vector<16xi1>, vector<16xf32>, vector<16xi32>)
    %get3A_880 = arith.constant 208 : index
    %get3A_881 = tpu.vector_load %arg9[%get3A_880] {strides = array<i32>} : memref<256xf32, #tpu.memory_space<vmem>>, vector<16xf32>,
    %add3A_882 = arith.constant 208 : i32
    %add3A_883 = vector.broadcast %add3A_882 : i32 to vector<16xi32>
    %add3A_884 = arith.addi %add3A_883, %iota3A : vector<16xi32>
    %masked_sort3A_885 = arith.constant dense<true> : vector<16xi1>
    %masked_sort3A_886, %masked_sort3A_887, %masked_sort3A_888 = tpu.sort %get3A_881, %add3A_884 masked %masked_sort3A_885 : (vector<16xf32>, vector<16xi32>, vector<16xi1>) -> (vector<16xi1>, vector<16xf32>, vector<16xi32>)
    %rev3A_889 = arith.constant 15 : i32
    %rev3A_890 = vector.broadcast %rev3A_889 : i32 to vector<16xi32>
    %rev3A_891 = tpu.iota {dimensions = array<i32: 0>} : vector<16xi32>
    %rev3A_892 = arith.subi %rev3A_890, %rev3A_891 : vector<16xi32>
    %rev3A_893 = tpu.dynamic_gather %masked_sort3A_887[%rev3A_892] in [0] : vector<16xf32>, vector<16xi32> -> vector<16xf32>
    %rev3A_894 = arith.constant 15 : i32
    %rev3A_895 = vector.broadcast %rev3A_894 : i32 to vector<16xi32>
    %rev3A_896 = tpu.iota {dimensions = array<i32: 0>} : vector<16xi32>
    %rev3A_897 = arith.subi %rev3A_895, %rev3A_896 : vector<16xi32>
    %rev3A_898 = tpu.dynamic_gather %masked_sort3A_888[%rev3A_897] in [0] : vector<16xi32>, vector<16xi32> -> vector<16xi32>
    %max3A_899 = arith.maximumf %rev3A_893, %masked_sort3A_878 : vector<16xf32>
    %ge3A_900 = arith.cmpf oge, %rev3A_893, %masked_sort3A_878 : vector<16xf32>
    %select_n3A_901 = arith.select %ge3A_900, %rev3A_898, %masked_sort3A_879 : vector<16xi1>, vector<16xi32>
    %masked_sort3A_902 = arith.constant dense<true> : vector<16xi1>
    %masked_sort3A_903, %masked_sort3A_904, %masked_sort3A_905 = tpu.sort %max3A_899, %select_n3A_901 masked %masked_sort3A_902 : (vector<16xf32>, vector<16xi32>, vector<16xi1>) -> (vector<16xi1>, vector<16xf32>, vector<16xi32>)
    %get3A_906 = arith.constant 224 : index
    %get3A_907 = tpu.vector_load %arg9[%get3A_906] {strides = array<i32>} : memref<256xf32, #tpu.memory_space<vmem>>, vector<16xf32>,
    %add3A_908 = arith.constant 224 : i32
    %add3A_909 = vector.broadcast %add3A_908 : i32 to vector<16xi32>
    %add3A_910 = arith.addi %add3A_909, %iota3A : vector<16xi32>
    %masked_sort3A_911 = arith.constant dense<true> : vector<16xi1>
    %masked_sort3A_912, %masked_sort3A_913, %masked_sort3A_914 = tpu.sort %get3A_907, %add3A_910 masked %masked_sort3A_911 : (vector<16xf32>, vector<16xi32>, vector<16xi1>) -> (vector<16xi1>, vector<16xf32>, vector<16xi32>)
    %rev3A_915 = arith.constant 15 : i32
    %rev3A_916 = vector.broadcast %rev3A_915 : i32 to vector<16xi32>
    %rev3A_917 = tpu.iota {dimensions = array<i32: 0>} : vector<16xi32>
    %rev3A_918 = arith.subi %rev3A_916, %rev3A_917 : vector<16xi32>
    %rev3A_919 = tpu.dynamic_gather %masked_sort3A_913[%rev3A_918] in [0] : vector<16xf32>, vector<16xi32> -> vector<16xf32>
    %rev3A_920 = arith.constant 15 : i32
    %rev3A_921 = vector.broadcast %rev3A_920 : i32 to vector<16xi32>
    %rev3A_922 = tpu.iota {dimensions = array<i32: 0>} : vector<16xi32>
    %rev3A_923 = arith.subi %rev3A_921, %rev3A_922 : vector<16xi32>
    %rev3A_924 = tpu.dynamic_gather %masked_sort3A_914[%rev3A_923] in [0] : vector<16xi32>, vector<16xi32> -> vector<16xi32>
    %max3A_925 = arith.maximumf %rev3A_919, %masked_sort3A_904 : vector<16xf32>
    %ge3A_926 = arith.cmpf oge, %rev3A_919, %masked_sort3A_904 : vector<16xf32>
    %select_n3A_927 = arith.select %ge3A_926, %rev3A_924, %masked_sort3A_905 : vector<16xi1>, vector<16xi32>
    %masked_sort3A_928 = arith.constant dense<true> : vector<16xi1>
    %masked_sort3A_929, %masked_sort3A_930, %masked_sort3A_931 = tpu.sort %max3A_925, %select_n3A_927 masked %masked_sort3A_928 : (vector<16xf32>, vector<16xi32>, vector<16xi1>) -> (vector<16xi1>, vector<16xf32>, vector<16xi32>)
    %get3A_932 = arith.constant 240 : index
    %get3A_933 = tpu.vector_load %arg9[%get3A_932] {strides = array<i32>} : memref<256xf32, #tpu.memory_space<vmem>>, vector<16xf32>,
    %add3A_934 = arith.constant 240 : i32
    %add3A_935 = vector.broadcast %add3A_934 : i32 to vector<16xi32>
    %add3A_936 = arith.addi %add3A_935, %iota3A : vector<16xi32>
    %masked_sort3A_937 = arith.constant dense<true> : vector<16xi1>
    %masked_sort3A_938, %masked_sort3A_939, %masked_sort3A_940 = tpu.sort %get3A_933, %add3A_936 masked %masked_sort3A_937 : (vector<16xf32>, vector<16xi32>, vector<16xi1>) -> (vector<16xi1>, vector<16xf32>, vector<16xi32>)
    %rev3A_941 = arith.constant 15 : i32
    %rev3A_942 = vector.broadcast %rev3A_941 : i32 to vector<16xi32>
    %rev3A_943 = tpu.iota {dimensions = array<i32: 0>} : vector<16xi32>
    %rev3A_944 = arith.subi %rev3A_942, %rev3A_943 : vector<16xi32>
    %rev3A_945 = tpu.dynamic_gather %masked_sort3A_939[%rev3A_944] in [0] : vector<16xf32>, vector<16xi32> -> vector<16xf32>
    %rev3A_946 = arith.constant 15 : i32
    %rev3A_947 = vector.broadcast %rev3A_946 : i32 to vector<16xi32>
    %rev3A_948 = tpu.iota {dimensions = array<i32: 0>} : vector<16xi32>
    %rev3A_949 = arith.subi %rev3A_947, %rev3A_948 : vector<16xi32>
    %rev3A_950 = tpu.dynamic_gather %masked_sort3A_940[%rev3A_949] in [0] : vector<16xi32>, vector<16xi32> -> vector<16xi32>
    %max3A_951 = arith.maximumf %rev3A_945, %masked_sort3A_930 : vector<16xf32>
    %ge3A_952 = arith.cmpf oge, %rev3A_945, %masked_sort3A_930 : vector<16xf32>
    %select_n3A_953 = arith.select %ge3A_952, %rev3A_950, %masked_sort3A_931 : vector<16xi1>, vector<16xi32>
    %masked_sort3A_954 = arith.constant dense<true> : vector<16xi1>
    %masked_sort3A_955, %masked_sort3A_956, %masked_sort3A_957 = tpu.sort %max3A_951, %select_n3A_953 masked %masked_sort3A_954 : (vector<16xf32>, vector<16xi32>, vector<16xi1>) -> (vector<16xi1>, vector<16xf32>, vector<16xi32>)
    %neg3A_958 = arith.constant 0.000000e+00 : f32
    %neg3A_959 = vector.broadcast %neg3A_958 : f32 to vector<16xf32>
    %neg3A_960 = arith.subf %neg3A_959, %masked_sort3A_956 : vector<16xf32>
    %broadcast_in_dim3A_961 = arith.constant true
    %broadcast_in_dim3A_962 = vector.broadcast %broadcast_in_dim3A_961 : i1 to vector<16xi1>
    %masked_cummax3A_963 = tpu.scan <max>, %neg3A_960 masked %broadcast_in_dim3A_962 : vector<16xf32>, vector<16xi1> -> vector<16xf32>
    %rev3A_964 = arith.constant 15 : i32
    %rev3A_965 = vector.broadcast %rev3A_964 : i32 to vector<16xi32>
    %rev3A_966 = tpu.iota {dimensions = array<i32: 0>} : vector<16xi32>
    %rev3A_967 = arith.subi %rev3A_965, %rev3A_966 : vector<16xi32>
    %rev3A_968 = tpu.dynamic_gather %masked_cummax3A_963[%rev3A_967] in [0] : vector<16xf32>, vector<16xi32> -> vector<16xf32>
    %broadcast_in_dim3A_969 = arith.constant true
    %broadcast_in_dim3A_970 = vector.broadcast %broadcast_in_dim3A_969 : i1 to vector<16xi1>
    %masked_cummax3A_971 = tpu.scan <max>, %rev3A_968 masked %broadcast_in_dim3A_970 : vector<16xf32>, vector<16xi1> -> vector<16xf32>
    %neg3A_972 = arith.constant 0.000000e+00 : f32
    %neg3A_973 = vector.broadcast %neg3A_972 : f32 to vector<16xf32>
    %neg3A_974 = arith.subf %neg3A_973, %masked_cummax3A_971 : vector<16xf32>
    %swap3A_975 = arith.constant 0 : index
    %swap3A_976 = tpu.vector_load %arg11[%swap3A_975] {strides = array<i32>} : memref<16xi32, #tpu.memory_space<vmem>>, vector<16xi32>,
    tpu.vector_store %arg11[%swap3A_975], %masked_sort3A_957 {strides = array<i32>} : memref<16xi32, #tpu.memory_space<vmem>>, vector<16xi32>,
    %mul3A_977 = arith.constant 256 : i32
    %mul3A_978 = arith.muli %add3A_541, %mul3A_977 : i32
    %add3A_979 = vector.broadcast %mul3A_978 : i32 to vector<16xi32>
    %add3A_980 = arith.addi %masked_sort3A_957, %add3A_979 : vector<16xi32>
    %swap3A_981 = arith.constant 0 : index
    %swap3A_982 = tpu.vector_load %arg13[%swap3A_981] {strides = array<i32>} : memref<16xi32, #tpu.memory_space<vmem>>, vector<16xi32>,
    tpu.vector_store %arg13[%swap3A_981], %add3A_980 {strides = array<i32>} : memref<16xi32, #tpu.memory_space<vmem>>, vector<16xi32>,
    %dma_start3A_983 = arith.constant 0 : i32
    %dma_start3A_984 = arith.constant 0 : i32
    %dma_start3A_985 = tpu.memref_slice %arg3[%dma_start3A_983, %dma_start3A_984] : memref<16384x128xf32, #tpu.memory_space<hbm>> -> memref<16384x128xf32, #tpu.memory_space<hbm>>
    tpu.enqueue_indirect_dma source(%dma_start3A_985 : memref<16384x128xf32, #tpu.memory_space<hbm>>) target(%arg15 : memref<16x128xf32, #tpu.memory_space<vmem>>) offsets(%arg13 : memref<16xi32, #tpu.memory_space<vmem>>) semaphore(%arg24 : memref<!tpu.dma_semaphore, #tpu.memory_space<semaphore_mem>>)
    %dma_start3A_986 = arith.constant 0 : i32
    %dma_start3A_987 = arith.constant 0 : i32
    %dma_start3A_988 = tpu.memref_slice %arg3[%dma_start3A_986, %dma_start3A_987] : memref<16384x128xf32, #tpu.memory_space<hbm>> -> memref<16384x128xf32, #tpu.memory_space<hbm>>
    tpu.enqueue_indirect_dma source(%dma_start3A_988 : memref<16384x128xf32, #tpu.memory_space<hbm>>) target(%arg15 : memref<16x128xf32, #tpu.memory_space<vmem>>) offsets(%arg13 : memref<16xi32, #tpu.memory_space<vmem>>) semaphore(%arg24 : memref<!tpu.dma_semaphore, #tpu.memory_space<semaphore_mem>>)
    %add3A_989 = arith.constant 0 : i32
    %add3A_990 = arith.addi %mul3A_5, %add3A_989 : i32
    %dma_wait3A_991 = arith.constant 0 : i32
    %dma_wait3A_992 = arith.constant 0 : i32
    %dma_wait3A_993 = tpu.memref_slice %arg3[%dma_wait3A_991, %dma_wait3A_992] : memref<16384x128xf32, #tpu.memory_space<hbm>> -> memref<16384x128xf32, #tpu.memory_space<hbm>>
    tpu.wait_indirect_dma semaphore(%arg23 : memref<!tpu.dma_semaphore, #tpu.memory_space<semaphore_mem>>) src(%dma_wait3A_993 : memref<16384x128xf32, #tpu.memory_space<hbm>>) dst(%arg14 : memref<16x128xf32, #tpu.memory_space<vmem>>)
    %scan3A = arith.constant 0 : i32
    %scan3A_994 = arith.constant 128 : i32
    %scan3A_995 = arith.addi %scan3A, %scan3A_994 : i32
    %scan3A_996 = arith.constant 4 : i32
    %scan3A_997:2 = scf.for %scan3A_1120 = %scan3A to %scan3A_995 step %scan3A_996 iter_args(%scan3A_1121 = %broadcast_in_dim3A_1, %scan3A_1122 = %broadcast_in_dim3A_3) -> (vector<16xf32>, vector<16xi32>)  : i32 {
      %jit3A = arith.constant 8 : i32
      %div3A = arith.divsi %scan3A_1120, %jit3A : i32
      %sign3A = arith.constant 0 : i32
      %sign3A_1123 = arith.cmpi sgt, %scan3A_1120, %sign3A : i32
      %sign3A_1124 = arith.extui %sign3A_1123 : i1 to i32
      %sign3A_1125 = arith.constant 0 : i32
      %sign3A_1126 = arith.cmpi slt, %scan3A_1120, %sign3A_1125 : i32
      %sign3A_1127 = arith.extui %sign3A_1126 : i1 to i32
      %sign3A_1128 = arith.subi %sign3A_1124, %sign3A_1127 : i32
      %sign3A_1129 = arith.constant 0 : i32
      %sign3A_1130 = arith.cmpi sgt, %jit3A, %sign3A_1129 : i32
      %sign3A_1131 = arith.extui %sign3A_1130 : i1 to i32
      %sign3A_1132 = arith.constant 0 : i32
      %sign3A_1133 = arith.cmpi slt, %jit3A, %sign3A_1132 : i32
      %sign3A_1134 = arith.extui %sign3A_1133 : i1 to i32
      %sign3A_1135 = arith.subi %sign3A_1131, %sign3A_1134 : i32
      %ne3A = arith.cmpi ne, %sign3A_1128, %sign3A_1135 : i32
      %rem3A = arith.remsi %scan3A_1120, %jit3A : i32
      %ne3A_1136 = arith.constant 0 : i32
      %ne3A_1137 = arith.cmpi ne, %rem3A, %ne3A_1136 : i32
      %and3A = arith.andi %ne3A, %ne3A_1137 : i1
      %sub3A = arith.constant 1 : i32
      %sub3A_1138 = arith.subi %div3A, %sub3A : i32
      %select_n3A_1139 = arith.select %and3A, %sub3A_1138, %div3A : i32
      %jit3A_1140 = arith.constant 8 : i32
      %eq3A = arith.constant 0 : i32
      %eq3A_1141 = arith.cmpi eq, %jit3A_1140, %eq3A : i32
      %jit3A_1142 = arith.constant 1 : i32
      %select_n3A_1143 = arith.select %eq3A_1141, %jit3A_1142, %jit3A_1140 : i32
      %rem3A_1144 = arith.remsi %scan3A_1120, %select_n3A_1143 : i32
      %ne3A_1145 = arith.constant 0 : i32
      %ne3A_1146 = arith.cmpi ne, %rem3A_1144, %ne3A_1145 : i32
      %lt3A = arith.constant 0 : i32
      %lt3A_1147 = arith.cmpi slt, %rem3A_1144, %lt3A : i32
      %lt3A_1148 = arith.constant 0 : i32
      %lt3A_1149 = arith.cmpi slt, %select_n3A_1143, %lt3A_1148 : i32
      %ne3A_1150 = arith.xori %lt3A_1147, %lt3A_1149 : i1
      %and3A_1151 = arith.andi %ne3A_1150, %ne3A_1146 : i1
      %add3A_1152 = arith.addi %rem3A_1144, %select_n3A_1143 : i32
      %select_n3A_1153 = arith.select %and3A_1151, %add3A_1152, %rem3A_1144 : i32
      %broadcast_in_dim3A_1154 = vector.broadcast %select_n3A_1139 : i32 to vector<16xi32>
      %mul3A_1155 = arith.constant 16 : i32
      %mul3A_1156 = arith.muli %select_n3A_1153, %mul3A_1155 : i32
      %add3A_1157 = vector.broadcast %mul3A_1156 : i32 to vector<16xi32>
      %add3A_1158 = arith.addi %add3A_1157, %iota3A : vector<16xi32>
      %gather3A = tpu.vector_load_idx %arg14[%broadcast_in_dim3A_1154, %add3A_1158] : memref<16x128xf32, #tpu.memory_space<vmem>>[vector<16xi32>, vector<16xi32>], vector<16xf32>,
      %ge3A_1159 = arith.cmpf oge, %gather3A, %neg3A_526 : vector<16xf32>
      %reduce_or3A = arith.constant 1.000000e+00 : f32
      %reduce_or3A_1160 = arith.constant 0.000000e+00 : f32
      %reduce_or3A_1161 = vector.broadcast %reduce_or3A : f32 to vector<16xf32>
      %reduce_or3A_1162 = vector.broadcast %reduce_or3A_1160 : f32 to vector<16xf32>
      %reduce_or3A_1163 = arith.select %ge3A_1159, %reduce_or3A_1161, %reduce_or3A_1162 : vector<16xi1>, vector<16xf32>
      %reduce_or3A_1164 = arith.constant true
      %reduce_or3A_1165 = vector.broadcast %reduce_or3A_1164 : i1 to vector<16xi1>
      %reduce_or3A_1166 = tpu.scan <max>, %reduce_or3A_1163 masked %reduce_or3A_1165 : vector<16xf32>, vector<16xi1> -> vector<16xf32>
      %reduce_or3A_1167 = vector.extract %reduce_or3A_1166[15] : f32 from vector<16xf32>
      %reduce_or3A_1168 = arith.constant 0.000000e+00 : f32
      %reduce_or3A_1169 = arith.cmpf ogt, %reduce_or3A_1167, %reduce_or3A_1168 : f32
      %convert_element_type3A = arith.extui %reduce_or3A_1169 : i1 to i32
      %cond3A = arith.constant 0 : i32
      %cond3A_1170 = arith.cmpi ne, %convert_element_type3A, %cond3A : i32
      %cond3A_1171:2 = scf.if %cond3A_1170 -> (vector<16xf32>, vector<16xi32>) {
        %broadcast_in_dim3A_1364 = vector.broadcast %select_n3A_1139 : i32 to vector<16xi32>
        %gather3A_1365 = tpu.vector_load_idx %arg10[%broadcast_in_dim3A_1364] : memref<16xi32, #tpu.memory_space<vmem>>[vector<16xi32>], vector<16xi32>,
        %mul3A_1366 = arith.constant 128 : i32
        %mul3A_1367 = vector.broadcast %mul3A_1366 : i32 to vector<16xi32>
        %mul3A_1368 = arith.muli %gather3A_1365, %mul3A_1367 : vector<16xi32>
        %mul3A_1369 = arith.constant 16 : i32
        %mul3A_1370 = arith.muli %select_n3A_1153, %mul3A_1369 : i32
        %add3A_1371 = vector.broadcast %mul3A_1370 : i32 to vector<16xi32>
        %add3A_1372 = arith.addi %mul3A_1368, %add3A_1371 : vector<16xi32>
        %add3A_1373 = arith.addi %add3A_1372, %iota3A : vector<16xi32>
        %masked_sort3A_1374 = arith.constant dense<true> : vector<16xi1>
        %masked_sort3A_1375, %masked_sort3A_1376, %masked_sort3A_1377 = tpu.sort %gather3A, %add3A_1373 masked %masked_sort3A_1374 : (vector<16xf32>, vector<16xi32>, vector<16xi1>) -> (vector<16xi1>, vector<16xf32>, vector<16xi32>)
        %rev3A_1378 = arith.constant 15 : i32
        %rev3A_1379 = vector.broadcast %rev3A_1378 : i32 to vector<16xi32>
        %rev3A_1380 = tpu.iota {dimensions = array<i32: 0>} : vector<16xi32>
        %rev3A_1381 = arith.subi %rev3A_1379, %rev3A_1380 : vector<16xi32>
        %rev3A_1382 = tpu.dynamic_gather %masked_sort3A_1376[%rev3A_1381] in [0] : vector<16xf32>, vector<16xi32> -> vector<16xf32>
        %rev3A_1383 = arith.constant 15 : i32
        %rev3A_1384 = vector.broadcast %rev3A_1383 : i32 to vector<16xi32>
        %rev3A_1385 = tpu.iota {dimensions = array<i32: 0>} : vector<16xi32>
        %rev3A_1386 = arith.subi %rev3A_1384, %rev3A_1385 : vector<16xi32>
        %rev3A_1387 = tpu.dynamic_gather %masked_sort3A_1377[%rev3A_1386] in [0] : vector<16xi32>, vector<16xi32> -> vector<16xi32>
        %max3A_1388 = arith.maximumf %rev3A_1382, %scan3A_1121 : vector<16xf32>
        %ge3A_1389 = arith.cmpf oge, %rev3A_1382, %scan3A_1121 : vector<16xf32>
        %select_n3A_1390 = arith.select %ge3A_1389, %rev3A_1387, %scan3A_1122 : vector<16xi1>, vector<16xi32>
        %masked_sort3A_1391 = arith.constant dense<true> : vector<16xi1>
        %masked_sort3A_1392, %masked_sort3A_1393, %masked_sort3A_1394 = tpu.sort %max3A_1388, %select_n3A_1390 masked %masked_sort3A_1391 : (vector<16xf32>, vector<16xi32>, vector<16xi1>) -> (vector<16xi1>, vector<16xf32>, vector<16xi32>)
        scf.yield %masked_sort3A_1393, %masked_sort3A_1394 : vector<16xf32>, vector<16xi32>
      } else {
        scf.yield %scan3A_1121, %scan3A_1122 : vector<16xf32>, vector<16xi32>
      }
      %scan3A_1172 = arith.constant 1 : i32
      %scan3A_1173 = arith.addi %scan3A_1120, %scan3A_1172 : i32
      %jit3A_1174 = arith.constant 8 : i32
      %div3A_1175 = arith.divsi %scan3A_1173, %jit3A_1174 : i32
      %sign3A_1176 = arith.constant 0 : i32
      %sign3A_1177 = arith.cmpi sgt, %scan3A_1173, %sign3A_1176 : i32
      %sign3A_1178 = arith.extui %sign3A_1177 : i1 to i32
      %sign3A_1179 = arith.constant 0 : i32
      %sign3A_1180 = arith.cmpi slt, %scan3A_1173, %sign3A_1179 : i32
      %sign3A_1181 = arith.extui %sign3A_1180 : i1 to i32
      %sign3A_1182 = arith.subi %sign3A_1178, %sign3A_1181 : i32
      %sign3A_1183 = arith.constant 0 : i32
      %sign3A_1184 = arith.cmpi sgt, %jit3A_1174, %sign3A_1183 : i32
      %sign3A_1185 = arith.extui %sign3A_1184 : i1 to i32
      %sign3A_1186 = arith.constant 0 : i32
      %sign3A_1187 = arith.cmpi slt, %jit3A_1174, %sign3A_1186 : i32
      %sign3A_1188 = arith.extui %sign3A_1187 : i1 to i32
      %sign3A_1189 = arith.subi %sign3A_1185, %sign3A_1188 : i32
      %ne3A_1190 = arith.cmpi ne, %sign3A_1182, %sign3A_1189 : i32
      %rem3A_1191 = arith.remsi %scan3A_1173, %jit3A_1174 : i32
      %ne3A_1192 = arith.constant 0 : i32
      %ne3A_1193 = arith.cmpi ne, %rem3A_1191, %ne3A_1192 : i32
      %and3A_1194 = arith.andi %ne3A_1190, %ne3A_1193 : i1
      %sub3A_1195 = arith.constant 1 : i32
      %sub3A_1196 = arith.subi %div3A_1175, %sub3A_1195 : i32
      %select_n3A_1197 = arith.select %and3A_1194, %sub3A_1196, %div3A_1175 : i32
      %jit3A_1198 = arith.constant 8 : i32
      %eq3A_1199 = arith.constant 0 : i32
      %eq3A_1200 = arith.cmpi eq, %jit3A_1198, %eq3A_1199 : i32
      %jit3A_1201 = arith.constant 1 : i32
      %select_n3A_1202 = arith.select %eq3A_1200, %jit3A_1201, %jit3A_1198 : i32
      %rem3A_1203 = arith.remsi %scan3A_1173, %select_n3A_1202 : i32
      %ne3A_1204 = arith.constant 0 : i32
      %ne3A_1205 = arith.cmpi ne, %rem3A_1203, %ne3A_1204 : i32
      %lt3A_1206 = arith.constant 0 : i32
      %lt3A_1207 = arith.cmpi slt, %rem3A_1203, %lt3A_1206 : i32
      %lt3A_1208 = arith.constant 0 : i32
      %lt3A_1209 = arith.cmpi slt, %select_n3A_1202, %lt3A_1208 : i32
      %ne3A_1210 = arith.xori %lt3A_1207, %lt3A_1209 : i1
      %and3A_1211 = arith.andi %ne3A_1210, %ne3A_1205 : i1
      %add3A_1212 = arith.addi %rem3A_1203, %select_n3A_1202 : i32
      %select_n3A_1213 = arith.select %and3A_1211, %add3A_1212, %rem3A_1203 : i32
      %broadcast_in_dim3A_1214 = vector.broadcast %select_n3A_1197 : i32 to vector<16xi32>
      %mul3A_1215 = arith.constant 16 : i32
      %mul3A_1216 = arith.muli %select_n3A_1213, %mul3A_1215 : i32
      %add3A_1217 = vector.broadcast %mul3A_1216 : i32 to vector<16xi32>
      %add3A_1218 = arith.addi %add3A_1217, %iota3A : vector<16xi32>
      %gather3A_1219 = tpu.vector_load_idx %arg14[%broadcast_in_dim3A_1214, %add3A_1218] : memref<16x128xf32, #tpu.memory_space<vmem>>[vector<16xi32>, vector<16xi32>], vector<16xf32>,
      %ge3A_1220 = arith.cmpf oge, %gather3A_1219, %neg3A_526 : vector<16xf32>
      %reduce_or3A_1221 = arith.constant 1.000000e+00 : f32
      %reduce_or3A_1222 = arith.constant 0.000000e+00 : f32
      %reduce_or3A_1223 = vector.broadcast %reduce_or3A_1221 : f32 to vector<16xf32>
      %reduce_or3A_1224 = vector.broadcast %reduce_or3A_1222 : f32 to vector<16xf32>
      %reduce_or3A_1225 = arith.select %ge3A_1220, %reduce_or3A_1223, %reduce_or3A_1224 : vector<16xi1>, vector<16xf32>
      %reduce_or3A_1226 = arith.constant true
      %reduce_or3A_1227 = vector.broadcast %reduce_or3A_1226 : i1 to vector<16xi1>
      %reduce_or3A_1228 = tpu.scan <max>, %reduce_or3A_1225 masked %reduce_or3A_1227 : vector<16xf32>, vector<16xi1> -> vector<16xf32>
      %reduce_or3A_1229 = vector.extract %reduce_or3A_1228[15] : f32 from vector<16xf32>
      %reduce_or3A_1230 = arith.constant 0.000000e+00 : f32
      %reduce_or3A_1231 = arith.cmpf ogt, %reduce_or3A_1229, %reduce_or3A_1230 : f32
      %convert_element_type3A_1232 = arith.extui %reduce_or3A_1231 : i1 to i32
      %cond3A_1233 = arith.constant 0 : i32
      %cond3A_1234 = arith.cmpi ne, %convert_element_type3A_1232, %cond3A_1233 : i32
      %cond3A_1235:2 = scf.if %cond3A_1234 -> (vector<16xf32>, vector<16xi32>) {
        %broadcast_in_dim3A_1364 = vector.broadcast %select_n3A_1197 : i32 to vector<16xi32>
        %gather3A_1365 = tpu.vector_load_idx %arg10[%broadcast_in_dim3A_1364] : memref<16xi32, #tpu.memory_space<vmem>>[vector<16xi32>], vector<16xi32>,
        %mul3A_1366 = arith.constant 128 : i32
        %mul3A_1367 = vector.broadcast %mul3A_1366 : i32 to vector<16xi32>
        %mul3A_1368 = arith.muli %gather3A_1365, %mul3A_1367 : vector<16xi32>
        %mul3A_1369 = arith.constant 16 : i32
        %mul3A_1370 = arith.muli %select_n3A_1213, %mul3A_1369 : i32
        %add3A_1371 = vector.broadcast %mul3A_1370 : i32 to vector<16xi32>
        %add3A_1372 = arith.addi %mul3A_1368, %add3A_1371 : vector<16xi32>
        %add3A_1373 = arith.addi %add3A_1372, %iota3A : vector<16xi32>
        %masked_sort3A_1374 = arith.constant dense<true> : vector<16xi1>
        %masked_sort3A_1375, %masked_sort3A_1376, %masked_sort3A_1377 = tpu.sort %gather3A_1219, %add3A_1373 masked %masked_sort3A_1374 : (vector<16xf32>, vector<16xi32>, vector<16xi1>) -> (vector<16xi1>, vector<16xf32>, vector<16xi32>)
        %rev3A_1378 = arith.constant 15 : i32
        %rev3A_1379 = vector.broadcast %rev3A_1378 : i32 to vector<16xi32>
        %rev3A_1380 = tpu.iota {dimensions = array<i32: 0>} : vector<16xi32>
        %rev3A_1381 = arith.subi %rev3A_1379, %rev3A_1380 : vector<16xi32>
        %rev3A_1382 = tpu.dynamic_gather %masked_sort3A_1376[%rev3A_1381] in [0] : vector<16xf32>, vector<16xi32> -> vector<16xf32>
        %rev3A_1383 = arith.constant 15 : i32
        %rev3A_1384 = vector.broadcast %rev3A_1383 : i32 to vector<16xi32>
        %rev3A_1385 = tpu.iota {dimensions = array<i32: 0>} : vector<16xi32>
        %rev3A_1386 = arith.subi %rev3A_1384, %rev3A_1385 : vector<16xi32>
        %rev3A_1387 = tpu.dynamic_gather %masked_sort3A_1377[%rev3A_1386] in [0] : vector<16xi32>, vector<16xi32> -> vector<16xi32>
        %max3A_1388 = arith.maximumf %rev3A_1382, %cond3A_1171#0 : vector<16xf32>
        %ge3A_1389 = arith.cmpf oge, %rev3A_1382, %cond3A_1171#0 : vector<16xf32>
        %select_n3A_1390 = arith.select %ge3A_1389, %rev3A_1387, %cond3A_1171#1 : vector<16xi1>, vector<16xi32>
        %masked_sort3A_1391 = arith.constant dense<true> : vector<16xi1>
        %masked_sort3A_1392, %masked_sort3A_1393, %masked_sort3A_1394 = tpu.sort %max3A_1388, %select_n3A_1390 masked %masked_sort3A_1391 : (vector<16xf32>, vector<16xi32>, vector<16xi1>) -> (vector<16xi1>, vector<16xf32>, vector<16xi32>)
        scf.yield %masked_sort3A_1393, %masked_sort3A_1394 : vector<16xf32>, vector<16xi32>
      } else {
        scf.yield %cond3A_1171#0, %cond3A_1171#1 : vector<16xf32>, vector<16xi32>
      }
      %scan3A_1236 = arith.constant 2 : i32
      %scan3A_1237 = arith.addi %scan3A_1120, %scan3A_1236 : i32
      %jit3A_1238 = arith.constant 8 : i32
      %div3A_1239 = arith.divsi %scan3A_1237, %jit3A_1238 : i32
      %sign3A_1240 = arith.constant 0 : i32
      %sign3A_1241 = arith.cmpi sgt, %scan3A_1237, %sign3A_1240 : i32
      %sign3A_1242 = arith.extui %sign3A_1241 : i1 to i32
      %sign3A_1243 = arith.constant 0 : i32
      %sign3A_1244 = arith.cmpi slt, %scan3A_1237, %sign3A_1243 : i32
      %sign3A_1245 = arith.extui %sign3A_1244 : i1 to i32
      %sign3A_1246 = arith.subi %sign3A_1242, %sign3A_1245 : i32
      %sign3A_1247 = arith.constant 0 : i32
      %sign3A_1248 = arith.cmpi sgt, %jit3A_1238, %sign3A_1247 : i32
      %sign3A_1249 = arith.extui %sign3A_1248 : i1 to i32
      %sign3A_1250 = arith.constant 0 : i32
      %sign3A_1251 = arith.cmpi slt, %jit3A_1238, %sign3A_1250 : i32
      %sign3A_1252 = arith.extui %sign3A_1251 : i1 to i32
      %sign3A_1253 = arith.subi %sign3A_1249, %sign3A_1252 : i32
      %ne3A_1254 = arith.cmpi ne, %sign3A_1246, %sign3A_1253 : i32
      %rem3A_1255 = arith.remsi %scan3A_1237, %jit3A_1238 : i32
      %ne3A_1256 = arith.constant 0 : i32
      %ne3A_1257 = arith.cmpi ne, %rem3A_1255, %ne3A_1256 : i32
      %and3A_1258 = arith.andi %ne3A_1254, %ne3A_1257 : i1
      %sub3A_1259 = arith.constant 1 : i32
      %sub3A_1260 = arith.subi %div3A_1239, %sub3A_1259 : i32
      %select_n3A_1261 = arith.select %and3A_1258, %sub3A_1260, %div3A_1239 : i32
      %jit3A_1262 = arith.constant 8 : i32
      %eq3A_1263 = arith.constant 0 : i32
      %eq3A_1264 = arith.cmpi eq, %jit3A_1262, %eq3A_1263 : i32
      %jit3A_1265 = arith.constant 1 : i32
      %select_n3A_1266 = arith.select %eq3A_1264, %jit3A_1265, %jit3A_1262 : i32
      %rem3A_1267 = arith.remsi %scan3A_1237, %select_n3A_1266 : i32
      %ne3A_1268 = arith.constant 0 : i32
      %ne3A_1269 = arith.cmpi ne, %rem3A_1267, %ne3A_1268 : i32
      %lt3A_1270 = arith.constant 0 : i32
      %lt3A_1271 = arith.cmpi slt, %rem3A_1267, %lt3A_1270 : i32
      %lt3A_1272 = arith.constant 0 : i32
      %lt3A_1273 = arith.cmpi slt, %select_n3A_1266, %lt3A_1272 : i32
      %ne3A_1274 = arith.xori %lt3A_1271, %lt3A_1273 : i1
      %and3A_1275 = arith.andi %ne3A_1274, %ne3A_1269 : i1
      %add3A_1276 = arith.addi %rem3A_1267, %select_n3A_1266 : i32
      %select_n3A_1277 = arith.select %and3A_1275, %add3A_1276, %rem3A_1267 : i32
      %broadcast_in_dim3A_1278 = vector.broadcast %select_n3A_1261 : i32 to vector<16xi32>
      %mul3A_1279 = arith.constant 16 : i32
      %mul3A_1280 = arith.muli %select_n3A_1277, %mul3A_1279 : i32
      %add3A_1281 = vector.broadcast %mul3A_1280 : i32 to vector<16xi32>
      %add3A_1282 = arith.addi %add3A_1281, %iota3A : vector<16xi32>
      %gather3A_1283 = tpu.vector_load_idx %arg14[%broadcast_in_dim3A_1278, %add3A_1282] : memref<16x128xf32, #tpu.memory_space<vmem>>[vector<16xi32>, vector<16xi32>], vector<16xf32>,
      %ge3A_1284 = arith.cmpf oge, %gather3A_1283, %neg3A_526 : vector<16xf32>
      %reduce_or3A_1285 = arith.constant 1.000000e+00 : f32
      %reduce_or3A_1286 = arith.constant 0.000000e+00 : f32
      %reduce_or3A_1287 = vector.broadcast %reduce_or3A_1285 : f32 to vector<16xf32>
      %reduce_or3A_1288 = vector.broadcast %reduce_or3A_1286 : f32 to vector<16xf32>
      %reduce_or3A_1289 = arith.select %ge3A_1284, %reduce_or3A_1287, %reduce_or3A_1288 : vector<16xi1>, vector<16xf32>
      %reduce_or3A_1290 = arith.constant true
      %reduce_or3A_1291 = vector.broadcast %reduce_or3A_1290 : i1 to vector<16xi1>
      %reduce_or3A_1292 = tpu.scan <max>, %reduce_or3A_1289 masked %reduce_or3A_1291 : vector<16xf32>, vector<16xi1> -> vector<16xf32>
      %reduce_or3A_1293 = vector.extract %reduce_or3A_1292[15] : f32 from vector<16xf32>
      %reduce_or3A_1294 = arith.constant 0.000000e+00 : f32
      %reduce_or3A_1295 = arith.cmpf ogt, %reduce_or3A_1293, %reduce_or3A_1294 : f32
      %convert_element_type3A_1296 = arith.extui %reduce_or3A_1295 : i1 to i32
      %cond3A_1297 = arith.constant 0 : i32
      %cond3A_1298 = arith.cmpi ne, %convert_element_type3A_1296, %cond3A_1297 : i32
      %cond3A_1299:2 = scf.if %cond3A_1298 -> (vector<16xf32>, vector<16xi32>) {
        %broadcast_in_dim3A_1364 = vector.broadcast %select_n3A_1261 : i32 to vector<16xi32>
        %gather3A_1365 = tpu.vector_load_idx %arg10[%broadcast_in_dim3A_1364] : memref<16xi32, #tpu.memory_space<vmem>>[vector<16xi32>], vector<16xi32>,
        %mul3A_1366 = arith.constant 128 : i32
        %mul3A_1367 = vector.broadcast %mul3A_1366 : i32 to vector<16xi32>
        %mul3A_1368 = arith.muli %gather3A_1365, %mul3A_1367 : vector<16xi32>
        %mul3A_1369 = arith.constant 16 : i32
        %mul3A_1370 = arith.muli %select_n3A_1277, %mul3A_1369 : i32
        %add3A_1371 = vector.broadcast %mul3A_1370 : i32 to vector<16xi32>
        %add3A_1372 = arith.addi %mul3A_1368, %add3A_1371 : vector<16xi32>
        %add3A_1373 = arith.addi %add3A_1372, %iota3A : vector<16xi32>
        %masked_sort3A_1374 = arith.constant dense<true> : vector<16xi1>
        %masked_sort3A_1375, %masked_sort3A_1376, %masked_sort3A_1377 = tpu.sort %gather3A_1283, %add3A_1373 masked %masked_sort3A_1374 : (vector<16xf32>, vector<16xi32>, vector<16xi1>) -> (vector<16xi1>, vector<16xf32>, vector<16xi32>)
        %rev3A_1378 = arith.constant 15 : i32
        %rev3A_1379 = vector.broadcast %rev3A_1378 : i32 to vector<16xi32>
        %rev3A_1380 = tpu.iota {dimensions = array<i32: 0>} : vector<16xi32>
        %rev3A_1381 = arith.subi %rev3A_1379, %rev3A_1380 : vector<16xi32>
        %rev3A_1382 = tpu.dynamic_gather %masked_sort3A_1376[%rev3A_1381] in [0] : vector<16xf32>, vector<16xi32> -> vector<16xf32>
        %rev3A_1383 = arith.constant 15 : i32
        %rev3A_1384 = vector.broadcast %rev3A_1383 : i32 to vector<16xi32>
        %rev3A_1385 = tpu.iota {dimensions = array<i32: 0>} : vector<16xi32>
        %rev3A_1386 = arith.subi %rev3A_1384, %rev3A_1385 : vector<16xi32>
        %rev3A_1387 = tpu.dynamic_gather %masked_sort3A_1377[%rev3A_1386] in [0] : vector<16xi32>, vector<16xi32> -> vector<16xi32>
        %max3A_1388 = arith.maximumf %rev3A_1382, %cond3A_1235#0 : vector<16xf32>
        %ge3A_1389 = arith.cmpf oge, %rev3A_1382, %cond3A_1235#0 : vector<16xf32>
        %select_n3A_1390 = arith.select %ge3A_1389, %rev3A_1387, %cond3A_1235#1 : vector<16xi1>, vector<16xi32>
        %masked_sort3A_1391 = arith.constant dense<true> : vector<16xi1>
        %masked_sort3A_1392, %masked_sort3A_1393, %masked_sort3A_1394 = tpu.sort %max3A_1388, %select_n3A_1390 masked %masked_sort3A_1391 : (vector<16xf32>, vector<16xi32>, vector<16xi1>) -> (vector<16xi1>, vector<16xf32>, vector<16xi32>)
        scf.yield %masked_sort3A_1393, %masked_sort3A_1394 : vector<16xf32>, vector<16xi32>
      } else {
        scf.yield %cond3A_1235#0, %cond3A_1235#1 : vector<16xf32>, vector<16xi32>
      }
      %scan3A_1300 = arith.constant 3 : i32
      %scan3A_1301 = arith.addi %scan3A_1120, %scan3A_1300 : i32
      %jit3A_1302 = arith.constant 8 : i32
      %div3A_1303 = arith.divsi %scan3A_1301, %jit3A_1302 : i32
      %sign3A_1304 = arith.constant 0 : i32
      %sign3A_1305 = arith.cmpi sgt, %scan3A_1301, %sign3A_1304 : i32
      %sign3A_1306 = arith.extui %sign3A_1305 : i1 to i32
      %sign3A_1307 = arith.constant 0 : i32
      %sign3A_1308 = arith.cmpi slt, %scan3A_1301, %sign3A_1307 : i32
      %sign3A_1309 = arith.extui %sign3A_1308 : i1 to i32
      %sign3A_1310 = arith.subi %sign3A_1306, %sign3A_1309 : i32
      %sign3A_1311 = arith.constant 0 : i32
      %sign3A_1312 = arith.cmpi sgt, %jit3A_1302, %sign3A_1311 : i32
      %sign3A_1313 = arith.extui %sign3A_1312 : i1 to i32
      %sign3A_1314 = arith.constant 0 : i32
      %sign3A_1315 = arith.cmpi slt, %jit3A_1302, %sign3A_1314 : i32
      %sign3A_1316 = arith.extui %sign3A_1315 : i1 to i32
      %sign3A_1317 = arith.subi %sign3A_1313, %sign3A_1316 : i32
      %ne3A_1318 = arith.cmpi ne, %sign3A_1310, %sign3A_1317 : i32
      %rem3A_1319 = arith.remsi %scan3A_1301, %jit3A_1302 : i32
      %ne3A_1320 = arith.constant 0 : i32
      %ne3A_1321 = arith.cmpi ne, %rem3A_1319, %ne3A_1320 : i32
      %and3A_1322 = arith.andi %ne3A_1318, %ne3A_1321 : i1
      %sub3A_1323 = arith.constant 1 : i32
      %sub3A_1324 = arith.subi %div3A_1303, %sub3A_1323 : i32
      %select_n3A_1325 = arith.select %and3A_1322, %sub3A_1324, %div3A_1303 : i32
      %jit3A_1326 = arith.constant 8 : i32
      %eq3A_1327 = arith.constant 0 : i32
      %eq3A_1328 = arith.cmpi eq, %jit3A_1326, %eq3A_1327 : i32
      %jit3A_1329 = arith.constant 1 : i32
      %select_n3A_1330 = arith.select %eq3A_1328, %jit3A_1329, %jit3A_1326 : i32
      %rem3A_1331 = arith.remsi %scan3A_1301, %select_n3A_1330 : i32
      %ne3A_1332 = arith.constant 0 : i32
      %ne3A_1333 = arith.cmpi ne, %rem3A_1331, %ne3A_1332 : i32
      %lt3A_1334 = arith.constant 0 : i32
      %lt3A_1335 = arith.cmpi slt, %rem3A_1331, %lt3A_1334 : i32
      %lt3A_1336 = arith.constant 0 : i32
      %lt3A_1337 = arith.cmpi slt, %select_n3A_1330, %lt3A_1336 : i32
      %ne3A_1338 = arith.xori %lt3A_1335, %lt3A_1337 : i1
      %and3A_1339 = arith.andi %ne3A_1338, %ne3A_1333 : i1
      %add3A_1340 = arith.addi %rem3A_1331, %select_n3A_1330 : i32
      %select_n3A_1341 = arith.select %and3A_1339, %add3A_1340, %rem3A_1331 : i32
      %broadcast_in_dim3A_1342 = vector.broadcast %select_n3A_1325 : i32 to vector<16xi32>
      %mul3A_1343 = arith.constant 16 : i32
      %mul3A_1344 = arith.muli %select_n3A_1341, %mul3A_1343 : i32
      %add3A_1345 = vector.broadcast %mul3A_1344 : i32 to vector<16xi32>
      %add3A_1346 = arith.addi %add3A_1345, %iota3A : vector<16xi32>
      %gather3A_1347 = tpu.vector_load_idx %arg14[%broadcast_in_dim3A_1342, %add3A_1346] : memref<16x128xf32, #tpu.memory_space<vmem>>[vector<16xi32>, vector<16xi32>], vector<16xf32>,
      %ge3A_1348 = arith.cmpf oge, %gather3A_1347, %neg3A_526 : vector<16xf32>
      %reduce_or3A_1349 = arith.constant 1.000000e+00 : f32
      %reduce_or3A_1350 = arith.constant 0.000000e+00 : f32
      %reduce_or3A_1351 = vector.broadcast %reduce_or3A_1349 : f32 to vector<16xf32>
      %reduce_or3A_1352 = vector.broadcast %reduce_or3A_1350 : f32 to vector<16xf32>
      %reduce_or3A_1353 = arith.select %ge3A_1348, %reduce_or3A_1351, %reduce_or3A_1352 : vector<16xi1>, vector<16xf32>
      %reduce_or3A_1354 = arith.constant true
      %reduce_or3A_1355 = vector.broadcast %reduce_or3A_1354 : i1 to vector<16xi1>
      %reduce_or3A_1356 = tpu.scan <max>, %reduce_or3A_1353 masked %reduce_or3A_1355 : vector<16xf32>, vector<16xi1> -> vector<16xf32>
      %reduce_or3A_1357 = vector.extract %reduce_or3A_1356[15] : f32 from vector<16xf32>
      %reduce_or3A_1358 = arith.constant 0.000000e+00 : f32
      %reduce_or3A_1359 = arith.cmpf ogt, %reduce_or3A_1357, %reduce_or3A_1358 : f32
      %convert_element_type3A_1360 = arith.extui %reduce_or3A_1359 : i1 to i32
      %cond3A_1361 = arith.constant 0 : i32
      %cond3A_1362 = arith.cmpi ne, %convert_element_type3A_1360, %cond3A_1361 : i32
      %cond3A_1363:2 = scf.if %cond3A_1362 -> (vector<16xf32>, vector<16xi32>) {
        %broadcast_in_dim3A_1364 = vector.broadcast %select_n3A_1325 : i32 to vector<16xi32>
        %gather3A_1365 = tpu.vector_load_idx %arg10[%broadcast_in_dim3A_1364] : memref<16xi32, #tpu.memory_space<vmem>>[vector<16xi32>], vector<16xi32>,
        %mul3A_1366 = arith.constant 128 : i32
        %mul3A_1367 = vector.broadcast %mul3A_1366 : i32 to vector<16xi32>
        %mul3A_1368 = arith.muli %gather3A_1365, %mul3A_1367 : vector<16xi32>
        %mul3A_1369 = arith.constant 16 : i32
        %mul3A_1370 = arith.muli %select_n3A_1341, %mul3A_1369 : i32
        %add3A_1371 = vector.broadcast %mul3A_1370 : i32 to vector<16xi32>
        %add3A_1372 = arith.addi %mul3A_1368, %add3A_1371 : vector<16xi32>
        %add3A_1373 = arith.addi %add3A_1372, %iota3A : vector<16xi32>
        %masked_sort3A_1374 = arith.constant dense<true> : vector<16xi1>
        %masked_sort3A_1375, %masked_sort3A_1376, %masked_sort3A_1377 = tpu.sort %gather3A_1347, %add3A_1373 masked %masked_sort3A_1374 : (vector<16xf32>, vector<16xi32>, vector<16xi1>) -> (vector<16xi1>, vector<16xf32>, vector<16xi32>)
        %rev3A_1378 = arith.constant 15 : i32
        %rev3A_1379 = vector.broadcast %rev3A_1378 : i32 to vector<16xi32>
        %rev3A_1380 = tpu.iota {dimensions = array<i32: 0>} : vector<16xi32>
        %rev3A_1381 = arith.subi %rev3A_1379, %rev3A_1380 : vector<16xi32>
        %rev3A_1382 = tpu.dynamic_gather %masked_sort3A_1376[%rev3A_1381] in [0] : vector<16xf32>, vector<16xi32> -> vector<16xf32>
        %rev3A_1383 = arith.constant 15 : i32
        %rev3A_1384 = vector.broadcast %rev3A_1383 : i32 to vector<16xi32>
        %rev3A_1385 = tpu.iota {dimensions = array<i32: 0>} : vector<16xi32>
        %rev3A_1386 = arith.subi %rev3A_1384, %rev3A_1385 : vector<16xi32>
        %rev3A_1387 = tpu.dynamic_gather %masked_sort3A_1377[%rev3A_1386] in [0] : vector<16xi32>, vector<16xi32> -> vector<16xi32>
        %max3A_1388 = arith.maximumf %rev3A_1382, %cond3A_1299#0 : vector<16xf32>
        %ge3A_1389 = arith.cmpf oge, %rev3A_1382, %cond3A_1299#0 : vector<16xf32>
        %select_n3A_1390 = arith.select %ge3A_1389, %rev3A_1387, %cond3A_1299#1 : vector<16xi1>, vector<16xi32>
        %masked_sort3A_1391 = arith.constant dense<true> : vector<16xi1>
        %masked_sort3A_1392, %masked_sort3A_1393, %masked_sort3A_1394 = tpu.sort %max3A_1388, %select_n3A_1390 masked %masked_sort3A_1391 : (vector<16xf32>, vector<16xi32>, vector<16xi1>) -> (vector<16xi1>, vector<16xf32>, vector<16xi32>)
        scf.yield %masked_sort3A_1393, %masked_sort3A_1394 : vector<16xf32>, vector<16xi32>
      } else {
        scf.yield %cond3A_1299#0, %cond3A_1299#1 : vector<16xf32>, vector<16xi32>
      }
      scf.yield %cond3A_1363#0, %cond3A_1363#1 : vector<16xf32>, vector<16xi32>
    }
    %scan3A_998 = arith.constant 128 : i32
    %swap3A_999 = arith.constant 0 : index
    %swap3A_1000 = tpu.vector_load %arg16[%swap3A_999] {strides = array<i32>} : memref<16xi32, #tpu.memory_space<vmem>>, vector<16xi32>,
    tpu.vector_store %arg16[%swap3A_999], %scan3A_997#1 {strides = array<i32>} : memref<16xi32, #tpu.memory_space<vmem>>, vector<16xi32>,
    %swap3A_1001 = arith.constant 0 : index
    %swap3A_1002 = tpu.vector_load %arg18[%swap3A_1001] {strides = array<i32>} : memref<16xf32, #tpu.memory_space<vmem>>, vector<16xf32>,
    tpu.vector_store %arg18[%swap3A_1001], %scan3A_997#0 {strides = array<i32>} : memref<16xf32, #tpu.memory_space<vmem>>, vector<16xf32>,
    %dma_start3A_1003 = arith.constant 0 : i32
    %dma_start3A_1004 = arith.constant 0 : i32
    %dma_start3A_1005 = tpu.memref_slice %arg4[%dma_start3A_1003, %dma_start3A_1004] : memref<32768x128xf32, #tpu.memory_space<hbm>> -> memref<32768x128xf32, #tpu.memory_space<hbm>>
    tpu.enqueue_indirect_dma source(%dma_start3A_1005 : memref<32768x128xf32, #tpu.memory_space<hbm>>) target(%arg20 : memref<16x128xf32, #tpu.memory_space<vmem>>) offsets(%arg16 : memref<16xi32, #tpu.memory_space<vmem>>) semaphore(%arg25 : memref<!tpu.dma_semaphore, #tpu.memory_space<semaphore_mem>>)
    %dma_start3A_1006 = arith.constant 0 : i32
    %dma_start3A_1007 = arith.constant 0 : i32
    %dma_start3A_1008 = tpu.memref_slice %arg4[%dma_start3A_1006, %dma_start3A_1007] : memref<32768x128xf32, #tpu.memory_space<hbm>> -> memref<32768x128xf32, #tpu.memory_space<hbm>>
    tpu.enqueue_indirect_dma source(%dma_start3A_1008 : memref<32768x128xf32, #tpu.memory_space<hbm>>) target(%arg20 : memref<16x128xf32, #tpu.memory_space<vmem>>) offsets(%arg16 : memref<16xi32, #tpu.memory_space<vmem>>) semaphore(%arg25 : memref<!tpu.dma_semaphore, #tpu.memory_space<semaphore_mem>>)
    %dma_start3A_1009 = arith.constant 0 : i32
    %dma_start3A_1010 = tpu.memref_slice %arg5[%add3A_990, %dma_start3A_1009] : memref<64x16xi32, #tpu.memory_space<hbm>> -> memref<1x16xi32, #tpu.memory_space<hbm>>
    %dma_start3A_1011 = tpu.memref_squeeze %dma_start3A_1010 : memref<1x16xi32, #tpu.memory_space<hbm>> -> memref<16xi32, #tpu.memory_space<hbm>>
    %dma_start3A_1012 = arith.constant 0 : i32
    %dma_start3A_1013 = tpu.memref_slice %arg5[%add3A_990, %dma_start3A_1012] : memref<64x16xi32, #tpu.memory_space<hbm>> -> memref<1x16xi32, #tpu.memory_space<hbm>>
    %dma_start3A_1014 = tpu.memref_squeeze %dma_start3A_1013 : memref<1x16xi32, #tpu.memory_space<hbm>> -> memref<16xi32, #tpu.memory_space<hbm>>
    tpu.enqueue_dma source(%arg16 : memref<16xi32, #tpu.memory_space<vmem>>) target(%dma_start3A_1014 : memref<16xi32, #tpu.memory_space<hbm>>) target_semaphore(%arg27 : memref<!tpu.dma_semaphore, #tpu.memory_space<semaphore_mem>>)
    %dma_start3A_1015 = arith.constant 0 : i32
    %dma_start3A_1016 = tpu.memref_slice %arg6[%add3A_990, %dma_start3A_1015] : memref<64x16xf32, #tpu.memory_space<hbm>> -> memref<1x16xf32, #tpu.memory_space<hbm>>
    %dma_start3A_1017 = tpu.memref_squeeze %dma_start3A_1016 : memref<1x16xf32, #tpu.memory_space<hbm>> -> memref<16xf32, #tpu.memory_space<hbm>>
    %dma_start3A_1018 = arith.constant 0 : i32
    %dma_start3A_1019 = tpu.memref_slice %arg6[%add3A_990, %dma_start3A_1018] : memref<64x16xf32, #tpu.memory_space<hbm>> -> memref<1x16xf32, #tpu.memory_space<hbm>>
    %dma_start3A_1020 = tpu.memref_squeeze %dma_start3A_1019 : memref<1x16xf32, #tpu.memory_space<hbm>> -> memref<16xf32, #tpu.memory_space<hbm>>
    tpu.enqueue_dma source(%arg18 : memref<16xf32, #tpu.memory_space<vmem>>) target(%dma_start3A_1020 : memref<16xf32, #tpu.memory_space<hbm>>) target_semaphore(%arg27 : memref<!tpu.dma_semaphore, #tpu.memory_space<semaphore_mem>>)
    %add3A_1021 = arith.constant 1 : i32
    %add3A_1022 = arith.addi %mul3A_5, %add3A_1021 : i32
    %dma_wait3A_1023 = arith.constant 0 : i32
    %dma_wait3A_1024 = arith.constant 0 : i32
    %dma_wait3A_1025 = tpu.memref_slice %arg3[%dma_wait3A_1023, %dma_wait3A_1024] : memref<16384x128xf32, #tpu.memory_space<hbm>> -> memref<16384x128xf32, #tpu.memory_space<hbm>>
    tpu.wait_indirect_dma semaphore(%arg24 : memref<!tpu.dma_semaphore, #tpu.memory_space<semaphore_mem>>) src(%dma_wait3A_1025 : memref<16384x128xf32, #tpu.memory_space<hbm>>) dst(%arg15 : memref<16x128xf32, #tpu.memory_space<vmem>>)
    %scan3A_1026 = arith.constant 0 : i32
    %scan3A_1027 = arith.constant 128 : i32
    %scan3A_1028 = arith.addi %scan3A_1026, %scan3A_1027 : i32
    %scan3A_1029 = arith.constant 4 : i32
    %scan3A_1030:2 = scf.for %scan3A_1120 = %scan3A_1026 to %scan3A_1028 step %scan3A_1029 iter_args(%scan3A_1121 = %broadcast_in_dim3A_1, %scan3A_1122 = %broadcast_in_dim3A_3) -> (vector<16xf32>, vector<16xi32>)  : i32 {
      %jit3A = arith.constant 8 : i32
      %div3A = arith.divsi %scan3A_1120, %jit3A : i32
      %sign3A = arith.constant 0 : i32
      %sign3A_1123 = arith.cmpi sgt, %scan3A_1120, %sign3A : i32
      %sign3A_1124 = arith.extui %sign3A_1123 : i1 to i32
      %sign3A_1125 = arith.constant 0 : i32
      %sign3A_1126 = arith.cmpi slt, %scan3A_1120, %sign3A_1125 : i32
      %sign3A_1127 = arith.extui %sign3A_1126 : i1 to i32
      %sign3A_1128 = arith.subi %sign3A_1124, %sign3A_1127 : i32
      %sign3A_1129 = arith.constant 0 : i32
      %sign3A_1130 = arith.cmpi sgt, %jit3A, %sign3A_1129 : i32
      %sign3A_1131 = arith.extui %sign3A_1130 : i1 to i32
      %sign3A_1132 = arith.constant 0 : i32
      %sign3A_1133 = arith.cmpi slt, %jit3A, %sign3A_1132 : i32
      %sign3A_1134 = arith.extui %sign3A_1133 : i1 to i32
      %sign3A_1135 = arith.subi %sign3A_1131, %sign3A_1134 : i32
      %ne3A = arith.cmpi ne, %sign3A_1128, %sign3A_1135 : i32
      %rem3A = arith.remsi %scan3A_1120, %jit3A : i32
      %ne3A_1136 = arith.constant 0 : i32
      %ne3A_1137 = arith.cmpi ne, %rem3A, %ne3A_1136 : i32
      %and3A = arith.andi %ne3A, %ne3A_1137 : i1
      %sub3A = arith.constant 1 : i32
      %sub3A_1138 = arith.subi %div3A, %sub3A : i32
      %select_n3A_1139 = arith.select %and3A, %sub3A_1138, %div3A : i32
      %jit3A_1140 = arith.constant 8 : i32
      %eq3A = arith.constant 0 : i32
      %eq3A_1141 = arith.cmpi eq, %jit3A_1140, %eq3A : i32
      %jit3A_1142 = arith.constant 1 : i32
      %select_n3A_1143 = arith.select %eq3A_1141, %jit3A_1142, %jit3A_1140 : i32
      %rem3A_1144 = arith.remsi %scan3A_1120, %select_n3A_1143 : i32
      %ne3A_1145 = arith.constant 0 : i32
      %ne3A_1146 = arith.cmpi ne, %rem3A_1144, %ne3A_1145 : i32
      %lt3A = arith.constant 0 : i32
      %lt3A_1147 = arith.cmpi slt, %rem3A_1144, %lt3A : i32
      %lt3A_1148 = arith.constant 0 : i32
      %lt3A_1149 = arith.cmpi slt, %select_n3A_1143, %lt3A_1148 : i32
      %ne3A_1150 = arith.xori %lt3A_1147, %lt3A_1149 : i1
      %and3A_1151 = arith.andi %ne3A_1150, %ne3A_1146 : i1
      %add3A_1152 = arith.addi %rem3A_1144, %select_n3A_1143 : i32
      %select_n3A_1153 = arith.select %and3A_1151, %add3A_1152, %rem3A_1144 : i32
      %broadcast_in_dim3A_1154 = vector.broadcast %select_n3A_1139 : i32 to vector<16xi32>
      %mul3A_1155 = arith.constant 16 : i32
      %mul3A_1156 = arith.muli %select_n3A_1153, %mul3A_1155 : i32
      %add3A_1157 = vector.broadcast %mul3A_1156 : i32 to vector<16xi32>
      %add3A_1158 = arith.addi %add3A_1157, %iota3A : vector<16xi32>
      %gather3A = tpu.vector_load_idx %arg15[%broadcast_in_dim3A_1154, %add3A_1158] : memref<16x128xf32, #tpu.memory_space<vmem>>[vector<16xi32>, vector<16xi32>], vector<16xf32>,
      %ge3A_1159 = arith.cmpf oge, %gather3A, %neg3A_974 : vector<16xf32>
      %reduce_or3A = arith.constant 1.000000e+00 : f32
      %reduce_or3A_1160 = arith.constant 0.000000e+00 : f32
      %reduce_or3A_1161 = vector.broadcast %reduce_or3A : f32 to vector<16xf32>
      %reduce_or3A_1162 = vector.broadcast %reduce_or3A_1160 : f32 to vector<16xf32>
      %reduce_or3A_1163 = arith.select %ge3A_1159, %reduce_or3A_1161, %reduce_or3A_1162 : vector<16xi1>, vector<16xf32>
      %reduce_or3A_1164 = arith.constant true
      %reduce_or3A_1165 = vector.broadcast %reduce_or3A_1164 : i1 to vector<16xi1>
      %reduce_or3A_1166 = tpu.scan <max>, %reduce_or3A_1163 masked %reduce_or3A_1165 : vector<16xf32>, vector<16xi1> -> vector<16xf32>
      %reduce_or3A_1167 = vector.extract %reduce_or3A_1166[15] : f32 from vector<16xf32>
      %reduce_or3A_1168 = arith.constant 0.000000e+00 : f32
      %reduce_or3A_1169 = arith.cmpf ogt, %reduce_or3A_1167, %reduce_or3A_1168 : f32
      %convert_element_type3A = arith.extui %reduce_or3A_1169 : i1 to i32
      %cond3A = arith.constant 0 : i32
      %cond3A_1170 = arith.cmpi ne, %convert_element_type3A, %cond3A : i32
      %cond3A_1171:2 = scf.if %cond3A_1170 -> (vector<16xf32>, vector<16xi32>) {
        %broadcast_in_dim3A_1364 = vector.broadcast %select_n3A_1139 : i32 to vector<16xi32>
        %gather3A_1365 = tpu.vector_load_idx %arg11[%broadcast_in_dim3A_1364] : memref<16xi32, #tpu.memory_space<vmem>>[vector<16xi32>], vector<16xi32>,
        %mul3A_1366 = arith.constant 128 : i32
        %mul3A_1367 = vector.broadcast %mul3A_1366 : i32 to vector<16xi32>
        %mul3A_1368 = arith.muli %gather3A_1365, %mul3A_1367 : vector<16xi32>
        %mul3A_1369 = arith.constant 16 : i32
        %mul3A_1370 = arith.muli %select_n3A_1153, %mul3A_1369 : i32
        %add3A_1371 = vector.broadcast %mul3A_1370 : i32 to vector<16xi32>
        %add3A_1372 = arith.addi %mul3A_1368, %add3A_1371 : vector<16xi32>
        %add3A_1373 = arith.addi %add3A_1372, %iota3A : vector<16xi32>
        %masked_sort3A_1374 = arith.constant dense<true> : vector<16xi1>
        %masked_sort3A_1375, %masked_sort3A_1376, %masked_sort3A_1377 = tpu.sort %gather3A, %add3A_1373 masked %masked_sort3A_1374 : (vector<16xf32>, vector<16xi32>, vector<16xi1>) -> (vector<16xi1>, vector<16xf32>, vector<16xi32>)
        %rev3A_1378 = arith.constant 15 : i32
        %rev3A_1379 = vector.broadcast %rev3A_1378 : i32 to vector<16xi32>
        %rev3A_1380 = tpu.iota {dimensions = array<i32: 0>} : vector<16xi32>
        %rev3A_1381 = arith.subi %rev3A_1379, %rev3A_1380 : vector<16xi32>
        %rev3A_1382 = tpu.dynamic_gather %masked_sort3A_1376[%rev3A_1381] in [0] : vector<16xf32>, vector<16xi32> -> vector<16xf32>
        %rev3A_1383 = arith.constant 15 : i32
        %rev3A_1384 = vector.broadcast %rev3A_1383 : i32 to vector<16xi32>
        %rev3A_1385 = tpu.iota {dimensions = array<i32: 0>} : vector<16xi32>
        %rev3A_1386 = arith.subi %rev3A_1384, %rev3A_1385 : vector<16xi32>
        %rev3A_1387 = tpu.dynamic_gather %masked_sort3A_1377[%rev3A_1386] in [0] : vector<16xi32>, vector<16xi32> -> vector<16xi32>
        %max3A_1388 = arith.maximumf %rev3A_1382, %scan3A_1121 : vector<16xf32>
        %ge3A_1389 = arith.cmpf oge, %rev3A_1382, %scan3A_1121 : vector<16xf32>
        %select_n3A_1390 = arith.select %ge3A_1389, %rev3A_1387, %scan3A_1122 : vector<16xi1>, vector<16xi32>
        %masked_sort3A_1391 = arith.constant dense<true> : vector<16xi1>
        %masked_sort3A_1392, %masked_sort3A_1393, %masked_sort3A_1394 = tpu.sort %max3A_1388, %select_n3A_1390 masked %masked_sort3A_1391 : (vector<16xf32>, vector<16xi32>, vector<16xi1>) -> (vector<16xi1>, vector<16xf32>, vector<16xi32>)
        scf.yield %masked_sort3A_1393, %masked_sort3A_1394 : vector<16xf32>, vector<16xi32>
      } else {
        scf.yield %scan3A_1121, %scan3A_1122 : vector<16xf32>, vector<16xi32>
      }
      %scan3A_1172 = arith.constant 1 : i32
      %scan3A_1173 = arith.addi %scan3A_1120, %scan3A_1172 : i32
      %jit3A_1174 = arith.constant 8 : i32
      %div3A_1175 = arith.divsi %scan3A_1173, %jit3A_1174 : i32
      %sign3A_1176 = arith.constant 0 : i32
      %sign3A_1177 = arith.cmpi sgt, %scan3A_1173, %sign3A_1176 : i32
      %sign3A_1178 = arith.extui %sign3A_1177 : i1 to i32
      %sign3A_1179 = arith.constant 0 : i32
      %sign3A_1180 = arith.cmpi slt, %scan3A_1173, %sign3A_1179 : i32
      %sign3A_1181 = arith.extui %sign3A_1180 : i1 to i32
      %sign3A_1182 = arith.subi %sign3A_1178, %sign3A_1181 : i32
      %sign3A_1183 = arith.constant 0 : i32
      %sign3A_1184 = arith.cmpi sgt, %jit3A_1174, %sign3A_1183 : i32
      %sign3A_1185 = arith.extui %sign3A_1184 : i1 to i32
      %sign3A_1186 = arith.constant 0 : i32
      %sign3A_1187 = arith.cmpi slt, %jit3A_1174, %sign3A_1186 : i32
      %sign3A_1188 = arith.extui %sign3A_1187 : i1 to i32
      %sign3A_1189 = arith.subi %sign3A_1185, %sign3A_1188 : i32
      %ne3A_1190 = arith.cmpi ne, %sign3A_1182, %sign3A_1189 : i32
      %rem3A_1191 = arith.remsi %scan3A_1173, %jit3A_1174 : i32
      %ne3A_1192 = arith.constant 0 : i32
      %ne3A_1193 = arith.cmpi ne, %rem3A_1191, %ne3A_1192 : i32
      %and3A_1194 = arith.andi %ne3A_1190, %ne3A_1193 : i1
      %sub3A_1195 = arith.constant 1 : i32
      %sub3A_1196 = arith.subi %div3A_1175, %sub3A_1195 : i32
      %select_n3A_1197 = arith.select %and3A_1194, %sub3A_1196, %div3A_1175 : i32
      %jit3A_1198 = arith.constant 8 : i32
      %eq3A_1199 = arith.constant 0 : i32
      %eq3A_1200 = arith.cmpi eq, %jit3A_1198, %eq3A_1199 : i32
      %jit3A_1201 = arith.constant 1 : i32
      %select_n3A_1202 = arith.select %eq3A_1200, %jit3A_1201, %jit3A_1198 : i32
      %rem3A_1203 = arith.remsi %scan3A_1173, %select_n3A_1202 : i32
      %ne3A_1204 = arith.constant 0 : i32
      %ne3A_1205 = arith.cmpi ne, %rem3A_1203, %ne3A_1204 : i32
      %lt3A_1206 = arith.constant 0 : i32
      %lt3A_1207 = arith.cmpi slt, %rem3A_1203, %lt3A_1206 : i32
      %lt3A_1208 = arith.constant 0 : i32
      %lt3A_1209 = arith.cmpi slt, %select_n3A_1202, %lt3A_1208 : i32
      %ne3A_1210 = arith.xori %lt3A_1207, %lt3A_1209 : i1
      %and3A_1211 = arith.andi %ne3A_1210, %ne3A_1205 : i1
      %add3A_1212 = arith.addi %rem3A_1203, %select_n3A_1202 : i32
      %select_n3A_1213 = arith.select %and3A_1211, %add3A_1212, %rem3A_1203 : i32
      %broadcast_in_dim3A_1214 = vector.broadcast %select_n3A_1197 : i32 to vector<16xi32>
      %mul3A_1215 = arith.constant 16 : i32
      %mul3A_1216 = arith.muli %select_n3A_1213, %mul3A_1215 : i32
      %add3A_1217 = vector.broadcast %mul3A_1216 : i32 to vector<16xi32>
      %add3A_1218 = arith.addi %add3A_1217, %iota3A : vector<16xi32>
      %gather3A_1219 = tpu.vector_load_idx %arg15[%broadcast_in_dim3A_1214, %add3A_1218] : memref<16x128xf32, #tpu.memory_space<vmem>>[vector<16xi32>, vector<16xi32>], vector<16xf32>,
      %ge3A_1220 = arith.cmpf oge, %gather3A_1219, %neg3A_974 : vector<16xf32>
      %reduce_or3A_1221 = arith.constant 1.000000e+00 : f32
      %reduce_or3A_1222 = arith.constant 0.000000e+00 : f32
      %reduce_or3A_1223 = vector.broadcast %reduce_or3A_1221 : f32 to vector<16xf32>
      %reduce_or3A_1224 = vector.broadcast %reduce_or3A_1222 : f32 to vector<16xf32>
      %reduce_or3A_1225 = arith.select %ge3A_1220, %reduce_or3A_1223, %reduce_or3A_1224 : vector<16xi1>, vector<16xf32>
      %reduce_or3A_1226 = arith.constant true
      %reduce_or3A_1227 = vector.broadcast %reduce_or3A_1226 : i1 to vector<16xi1>
      %reduce_or3A_1228 = tpu.scan <max>, %reduce_or3A_1225 masked %reduce_or3A_1227 : vector<16xf32>, vector<16xi1> -> vector<16xf32>
      %reduce_or3A_1229 = vector.extract %reduce_or3A_1228[15] : f32 from vector<16xf32>
      %reduce_or3A_1230 = arith.constant 0.000000e+00 : f32
      %reduce_or3A_1231 = arith.cmpf ogt, %reduce_or3A_1229, %reduce_or3A_1230 : f32
      %convert_element_type3A_1232 = arith.extui %reduce_or3A_1231 : i1 to i32
      %cond3A_1233 = arith.constant 0 : i32
      %cond3A_1234 = arith.cmpi ne, %convert_element_type3A_1232, %cond3A_1233 : i32
      %cond3A_1235:2 = scf.if %cond3A_1234 -> (vector<16xf32>, vector<16xi32>) {
        %broadcast_in_dim3A_1364 = vector.broadcast %select_n3A_1197 : i32 to vector<16xi32>
        %gather3A_1365 = tpu.vector_load_idx %arg11[%broadcast_in_dim3A_1364] : memref<16xi32, #tpu.memory_space<vmem>>[vector<16xi32>], vector<16xi32>,
        %mul3A_1366 = arith.constant 128 : i32
        %mul3A_1367 = vector.broadcast %mul3A_1366 : i32 to vector<16xi32>
        %mul3A_1368 = arith.muli %gather3A_1365, %mul3A_1367 : vector<16xi32>
        %mul3A_1369 = arith.constant 16 : i32
        %mul3A_1370 = arith.muli %select_n3A_1213, %mul3A_1369 : i32
        %add3A_1371 = vector.broadcast %mul3A_1370 : i32 to vector<16xi32>
        %add3A_1372 = arith.addi %mul3A_1368, %add3A_1371 : vector<16xi32>
        %add3A_1373 = arith.addi %add3A_1372, %iota3A : vector<16xi32>
        %masked_sort3A_1374 = arith.constant dense<true> : vector<16xi1>
        %masked_sort3A_1375, %masked_sort3A_1376, %masked_sort3A_1377 = tpu.sort %gather3A_1219, %add3A_1373 masked %masked_sort3A_1374 : (vector<16xf32>, vector<16xi32>, vector<16xi1>) -> (vector<16xi1>, vector<16xf32>, vector<16xi32>)
        %rev3A_1378 = arith.constant 15 : i32
        %rev3A_1379 = vector.broadcast %rev3A_1378 : i32 to vector<16xi32>
        %rev3A_1380 = tpu.iota {dimensions = array<i32: 0>} : vector<16xi32>
        %rev3A_1381 = arith.subi %rev3A_1379, %rev3A_1380 : vector<16xi32>
        %rev3A_1382 = tpu.dynamic_gather %masked_sort3A_1376[%rev3A_1381] in [0] : vector<16xf32>, vector<16xi32> -> vector<16xf32>
        %rev3A_1383 = arith.constant 15 : i32
        %rev3A_1384 = vector.broadcast %rev3A_1383 : i32 to vector<16xi32>
        %rev3A_1385 = tpu.iota {dimensions = array<i32: 0>} : vector<16xi32>
        %rev3A_1386 = arith.subi %rev3A_1384, %rev3A_1385 : vector<16xi32>
        %rev3A_1387 = tpu.dynamic_gather %masked_sort3A_1377[%rev3A_1386] in [0] : vector<16xi32>, vector<16xi32> -> vector<16xi32>
        %max3A_1388 = arith.maximumf %rev3A_1382, %cond3A_1171#0 : vector<16xf32>
        %ge3A_1389 = arith.cmpf oge, %rev3A_1382, %cond3A_1171#0 : vector<16xf32>
        %select_n3A_1390 = arith.select %ge3A_1389, %rev3A_1387, %cond3A_1171#1 : vector<16xi1>, vector<16xi32>
        %masked_sort3A_1391 = arith.constant dense<true> : vector<16xi1>
        %masked_sort3A_1392, %masked_sort3A_1393, %masked_sort3A_1394 = tpu.sort %max3A_1388, %select_n3A_1390 masked %masked_sort3A_1391 : (vector<16xf32>, vector<16xi32>, vector<16xi1>) -> (vector<16xi1>, vector<16xf32>, vector<16xi32>)
        scf.yield %masked_sort3A_1393, %masked_sort3A_1394 : vector<16xf32>, vector<16xi32>
      } else {
        scf.yield %cond3A_1171#0, %cond3A_1171#1 : vector<16xf32>, vector<16xi32>
      }
      %scan3A_1236 = arith.constant 2 : i32
      %scan3A_1237 = arith.addi %scan3A_1120, %scan3A_1236 : i32
      %jit3A_1238 = arith.constant 8 : i32
      %div3A_1239 = arith.divsi %scan3A_1237, %jit3A_1238 : i32
      %sign3A_1240 = arith.constant 0 : i32
      %sign3A_1241 = arith.cmpi sgt, %scan3A_1237, %sign3A_1240 : i32
      %sign3A_1242 = arith.extui %sign3A_1241 : i1 to i32
      %sign3A_1243 = arith.constant 0 : i32
      %sign3A_1244 = arith.cmpi slt, %scan3A_1237, %sign3A_1243 : i32
      %sign3A_1245 = arith.extui %sign3A_1244 : i1 to i32
      %sign3A_1246 = arith.subi %sign3A_1242, %sign3A_1245 : i32
      %sign3A_1247 = arith.constant 0 : i32
      %sign3A_1248 = arith.cmpi sgt, %jit3A_1238, %sign3A_1247 : i32
      %sign3A_1249 = arith.extui %sign3A_1248 : i1 to i32
      %sign3A_1250 = arith.constant 0 : i32
      %sign3A_1251 = arith.cmpi slt, %jit3A_1238, %sign3A_1250 : i32
      %sign3A_1252 = arith.extui %sign3A_1251 : i1 to i32
      %sign3A_1253 = arith.subi %sign3A_1249, %sign3A_1252 : i32
      %ne3A_1254 = arith.cmpi ne, %sign3A_1246, %sign3A_1253 : i32
      %rem3A_1255 = arith.remsi %scan3A_1237, %jit3A_1238 : i32
      %ne3A_1256 = arith.constant 0 : i32
      %ne3A_1257 = arith.cmpi ne, %rem3A_1255, %ne3A_1256 : i32
      %and3A_1258 = arith.andi %ne3A_1254, %ne3A_1257 : i1
      %sub3A_1259 = arith.constant 1 : i32
      %sub3A_1260 = arith.subi %div3A_1239, %sub3A_1259 : i32
      %select_n3A_1261 = arith.select %and3A_1258, %sub3A_1260, %div3A_1239 : i32
      %jit3A_1262 = arith.constant 8 : i32
      %eq3A_1263 = arith.constant 0 : i32
      %eq3A_1264 = arith.cmpi eq, %jit3A_1262, %eq3A_1263 : i32
      %jit3A_1265 = arith.constant 1 : i32
      %select_n3A_1266 = arith.select %eq3A_1264, %jit3A_1265, %jit3A_1262 : i32
      %rem3A_1267 = arith.remsi %scan3A_1237, %select_n3A_1266 : i32
      %ne3A_1268 = arith.constant 0 : i32
      %ne3A_1269 = arith.cmpi ne, %rem3A_1267, %ne3A_1268 : i32
      %lt3A_1270 = arith.constant 0 : i32
      %lt3A_1271 = arith.cmpi slt, %rem3A_1267, %lt3A_1270 : i32
      %lt3A_1272 = arith.constant 0 : i32
      %lt3A_1273 = arith.cmpi slt, %select_n3A_1266, %lt3A_1272 : i32
      %ne3A_1274 = arith.xori %lt3A_1271, %lt3A_1273 : i1
      %and3A_1275 = arith.andi %ne3A_1274, %ne3A_1269 : i1
      %add3A_1276 = arith.addi %rem3A_1267, %select_n3A_1266 : i32
      %select_n3A_1277 = arith.select %and3A_1275, %add3A_1276, %rem3A_1267 : i32
      %broadcast_in_dim3A_1278 = vector.broadcast %select_n3A_1261 : i32 to vector<16xi32>
      %mul3A_1279 = arith.constant 16 : i32
      %mul3A_1280 = arith.muli %select_n3A_1277, %mul3A_1279 : i32
      %add3A_1281 = vector.broadcast %mul3A_1280 : i32 to vector<16xi32>
      %add3A_1282 = arith.addi %add3A_1281, %iota3A : vector<16xi32>
      %gather3A_1283 = tpu.vector_load_idx %arg15[%broadcast_in_dim3A_1278, %add3A_1282] : memref<16x128xf32, #tpu.memory_space<vmem>>[vector<16xi32>, vector<16xi32>], vector<16xf32>,
      %ge3A_1284 = arith.cmpf oge, %gather3A_1283, %neg3A_974 : vector<16xf32>
      %reduce_or3A_1285 = arith.constant 1.000000e+00 : f32
      %reduce_or3A_1286 = arith.constant 0.000000e+00 : f32
      %reduce_or3A_1287 = vector.broadcast %reduce_or3A_1285 : f32 to vector<16xf32>
      %reduce_or3A_1288 = vector.broadcast %reduce_or3A_1286 : f32 to vector<16xf32>
      %reduce_or3A_1289 = arith.select %ge3A_1284, %reduce_or3A_1287, %reduce_or3A_1288 : vector<16xi1>, vector<16xf32>
      %reduce_or3A_1290 = arith.constant true
      %reduce_or3A_1291 = vector.broadcast %reduce_or3A_1290 : i1 to vector<16xi1>
      %reduce_or3A_1292 = tpu.scan <max>, %reduce_or3A_1289 masked %reduce_or3A_1291 : vector<16xf32>, vector<16xi1> -> vector<16xf32>
      %reduce_or3A_1293 = vector.extract %reduce_or3A_1292[15] : f32 from vector<16xf32>
      %reduce_or3A_1294 = arith.constant 0.000000e+00 : f32
      %reduce_or3A_1295 = arith.cmpf ogt, %reduce_or3A_1293, %reduce_or3A_1294 : f32
      %convert_element_type3A_1296 = arith.extui %reduce_or3A_1295 : i1 to i32
      %cond3A_1297 = arith.constant 0 : i32
      %cond3A_1298 = arith.cmpi ne, %convert_element_type3A_1296, %cond3A_1297 : i32
      %cond3A_1299:2 = scf.if %cond3A_1298 -> (vector<16xf32>, vector<16xi32>) {
        %broadcast_in_dim3A_1364 = vector.broadcast %select_n3A_1261 : i32 to vector<16xi32>
        %gather3A_1365 = tpu.vector_load_idx %arg11[%broadcast_in_dim3A_1364] : memref<16xi32, #tpu.memory_space<vmem>>[vector<16xi32>], vector<16xi32>,
        %mul3A_1366 = arith.constant 128 : i32
        %mul3A_1367 = vector.broadcast %mul3A_1366 : i32 to vector<16xi32>
        %mul3A_1368 = arith.muli %gather3A_1365, %mul3A_1367 : vector<16xi32>
        %mul3A_1369 = arith.constant 16 : i32
        %mul3A_1370 = arith.muli %select_n3A_1277, %mul3A_1369 : i32
        %add3A_1371 = vector.broadcast %mul3A_1370 : i32 to vector<16xi32>
        %add3A_1372 = arith.addi %mul3A_1368, %add3A_1371 : vector<16xi32>
        %add3A_1373 = arith.addi %add3A_1372, %iota3A : vector<16xi32>
        %masked_sort3A_1374 = arith.constant dense<true> : vector<16xi1>
        %masked_sort3A_1375, %masked_sort3A_1376, %masked_sort3A_1377 = tpu.sort %gather3A_1283, %add3A_1373 masked %masked_sort3A_1374 : (vector<16xf32>, vector<16xi32>, vector<16xi1>) -> (vector<16xi1>, vector<16xf32>, vector<16xi32>)
        %rev3A_1378 = arith.constant 15 : i32
        %rev3A_1379 = vector.broadcast %rev3A_1378 : i32 to vector<16xi32>
        %rev3A_1380 = tpu.iota {dimensions = array<i32: 0>} : vector<16xi32>
        %rev3A_1381 = arith.subi %rev3A_1379, %rev3A_1380 : vector<16xi32>
        %rev3A_1382 = tpu.dynamic_gather %masked_sort3A_1376[%rev3A_1381] in [0] : vector<16xf32>, vector<16xi32> -> vector<16xf32>
        %rev3A_1383 = arith.constant 15 : i32
        %rev3A_1384 = vector.broadcast %rev3A_1383 : i32 to vector<16xi32>
        %rev3A_1385 = tpu.iota {dimensions = array<i32: 0>} : vector<16xi32>
        %rev3A_1386 = arith.subi %rev3A_1384, %rev3A_1385 : vector<16xi32>
        %rev3A_1387 = tpu.dynamic_gather %masked_sort3A_1377[%rev3A_1386] in [0] : vector<16xi32>, vector<16xi32> -> vector<16xi32>
        %max3A_1388 = arith.maximumf %rev3A_1382, %cond3A_1235#0 : vector<16xf32>
        %ge3A_1389 = arith.cmpf oge, %rev3A_1382, %cond3A_1235#0 : vector<16xf32>
        %select_n3A_1390 = arith.select %ge3A_1389, %rev3A_1387, %cond3A_1235#1 : vector<16xi1>, vector<16xi32>
        %masked_sort3A_1391 = arith.constant dense<true> : vector<16xi1>
        %masked_sort3A_1392, %masked_sort3A_1393, %masked_sort3A_1394 = tpu.sort %max3A_1388, %select_n3A_1390 masked %masked_sort3A_1391 : (vector<16xf32>, vector<16xi32>, vector<16xi1>) -> (vector<16xi1>, vector<16xf32>, vector<16xi32>)
        scf.yield %masked_sort3A_1393, %masked_sort3A_1394 : vector<16xf32>, vector<16xi32>
      } else {
        scf.yield %cond3A_1235#0, %cond3A_1235#1 : vector<16xf32>, vector<16xi32>
      }
      %scan3A_1300 = arith.constant 3 : i32
      %scan3A_1301 = arith.addi %scan3A_1120, %scan3A_1300 : i32
      %jit3A_1302 = arith.constant 8 : i32
      %div3A_1303 = arith.divsi %scan3A_1301, %jit3A_1302 : i32
      %sign3A_1304 = arith.constant 0 : i32
      %sign3A_1305 = arith.cmpi sgt, %scan3A_1301, %sign3A_1304 : i32
      %sign3A_1306 = arith.extui %sign3A_1305 : i1 to i32
      %sign3A_1307 = arith.constant 0 : i32
      %sign3A_1308 = arith.cmpi slt, %scan3A_1301, %sign3A_1307 : i32
      %sign3A_1309 = arith.extui %sign3A_1308 : i1 to i32
      %sign3A_1310 = arith.subi %sign3A_1306, %sign3A_1309 : i32
      %sign3A_1311 = arith.constant 0 : i32
      %sign3A_1312 = arith.cmpi sgt, %jit3A_1302, %sign3A_1311 : i32
      %sign3A_1313 = arith.extui %sign3A_1312 : i1 to i32
      %sign3A_1314 = arith.constant 0 : i32
      %sign3A_1315 = arith.cmpi slt, %jit3A_1302, %sign3A_1314 : i32
      %sign3A_1316 = arith.extui %sign3A_1315 : i1 to i32
      %sign3A_1317 = arith.subi %sign3A_1313, %sign3A_1316 : i32
      %ne3A_1318 = arith.cmpi ne, %sign3A_1310, %sign3A_1317 : i32
      %rem3A_1319 = arith.remsi %scan3A_1301, %jit3A_1302 : i32
      %ne3A_1320 = arith.constant 0 : i32
      %ne3A_1321 = arith.cmpi ne, %rem3A_1319, %ne3A_1320 : i32
      %and3A_1322 = arith.andi %ne3A_1318, %ne3A_1321 : i1
      %sub3A_1323 = arith.constant 1 : i32
      %sub3A_1324 = arith.subi %div3A_1303, %sub3A_1323 : i32
      %select_n3A_1325 = arith.select %and3A_1322, %sub3A_1324, %div3A_1303 : i32
      %jit3A_1326 = arith.constant 8 : i32
      %eq3A_1327 = arith.constant 0 : i32
      %eq3A_1328 = arith.cmpi eq, %jit3A_1326, %eq3A_1327 : i32
      %jit3A_1329 = arith.constant 1 : i32
      %select_n3A_1330 = arith.select %eq3A_1328, %jit3A_1329, %jit3A_1326 : i32
      %rem3A_1331 = arith.remsi %scan3A_1301, %select_n3A_1330 : i32
      %ne3A_1332 = arith.constant 0 : i32
      %ne3A_1333 = arith.cmpi ne, %rem3A_1331, %ne3A_1332 : i32
      %lt3A_1334 = arith.constant 0 : i32
      %lt3A_1335 = arith.cmpi slt, %rem3A_1331, %lt3A_1334 : i32
      %lt3A_1336 = arith.constant 0 : i32
      %lt3A_1337 = arith.cmpi slt, %select_n3A_1330, %lt3A_1336 : i32
      %ne3A_1338 = arith.xori %lt3A_1335, %lt3A_1337 : i1
      %and3A_1339 = arith.andi %ne3A_1338, %ne3A_1333 : i1
      %add3A_1340 = arith.addi %rem3A_1331, %select_n3A_1330 : i32
      %select_n3A_1341 = arith.select %and3A_1339, %add3A_1340, %rem3A_1331 : i32
      %broadcast_in_dim3A_1342 = vector.broadcast %select_n3A_1325 : i32 to vector<16xi32>
      %mul3A_1343 = arith.constant 16 : i32
      %mul3A_1344 = arith.muli %select_n3A_1341, %mul3A_1343 : i32
      %add3A_1345 = vector.broadcast %mul3A_1344 : i32 to vector<16xi32>
      %add3A_1346 = arith.addi %add3A_1345, %iota3A : vector<16xi32>
      %gather3A_1347 = tpu.vector_load_idx %arg15[%broadcast_in_dim3A_1342, %add3A_1346] : memref<16x128xf32, #tpu.memory_space<vmem>>[vector<16xi32>, vector<16xi32>], vector<16xf32>,
      %ge3A_1348 = arith.cmpf oge, %gather3A_1347, %neg3A_974 : vector<16xf32>
      %reduce_or3A_1349 = arith.constant 1.000000e+00 : f32
      %reduce_or3A_1350 = arith.constant 0.000000e+00 : f32
      %reduce_or3A_1351 = vector.broadcast %reduce_or3A_1349 : f32 to vector<16xf32>
      %reduce_or3A_1352 = vector.broadcast %reduce_or3A_1350 : f32 to vector<16xf32>
      %reduce_or3A_1353 = arith.select %ge3A_1348, %reduce_or3A_1351, %reduce_or3A_1352 : vector<16xi1>, vector<16xf32>
      %reduce_or3A_1354 = arith.constant true
      %reduce_or3A_1355 = vector.broadcast %reduce_or3A_1354 : i1 to vector<16xi1>
      %reduce_or3A_1356 = tpu.scan <max>, %reduce_or3A_1353 masked %reduce_or3A_1355 : vector<16xf32>, vector<16xi1> -> vector<16xf32>
      %reduce_or3A_1357 = vector.extract %reduce_or3A_1356[15] : f32 from vector<16xf32>
      %reduce_or3A_1358 = arith.constant 0.000000e+00 : f32
      %reduce_or3A_1359 = arith.cmpf ogt, %reduce_or3A_1357, %reduce_or3A_1358 : f32
      %convert_element_type3A_1360 = arith.extui %reduce_or3A_1359 : i1 to i32
      %cond3A_1361 = arith.constant 0 : i32
      %cond3A_1362 = arith.cmpi ne, %convert_element_type3A_1360, %cond3A_1361 : i32
      %cond3A_1363:2 = scf.if %cond3A_1362 -> (vector<16xf32>, vector<16xi32>) {
        %broadcast_in_dim3A_1364 = vector.broadcast %select_n3A_1325 : i32 to vector<16xi32>
        %gather3A_1365 = tpu.vector_load_idx %arg11[%broadcast_in_dim3A_1364] : memref<16xi32, #tpu.memory_space<vmem>>[vector<16xi32>], vector<16xi32>,
        %mul3A_1366 = arith.constant 128 : i32
        %mul3A_1367 = vector.broadcast %mul3A_1366 : i32 to vector<16xi32>
        %mul3A_1368 = arith.muli %gather3A_1365, %mul3A_1367 : vector<16xi32>
        %mul3A_1369 = arith.constant 16 : i32
        %mul3A_1370 = arith.muli %select_n3A_1341, %mul3A_1369 : i32
        %add3A_1371 = vector.broadcast %mul3A_1370 : i32 to vector<16xi32>
        %add3A_1372 = arith.addi %mul3A_1368, %add3A_1371 : vector<16xi32>
        %add3A_1373 = arith.addi %add3A_1372, %iota3A : vector<16xi32>
        %masked_sort3A_1374 = arith.constant dense<true> : vector<16xi1>
        %masked_sort3A_1375, %masked_sort3A_1376, %masked_sort3A_1377 = tpu.sort %gather3A_1347, %add3A_1373 masked %masked_sort3A_1374 : (vector<16xf32>, vector<16xi32>, vector<16xi1>) -> (vector<16xi1>, vector<16xf32>, vector<16xi32>)
        %rev3A_1378 = arith.constant 15 : i32
        %rev3A_1379 = vector.broadcast %rev3A_1378 : i32 to vector<16xi32>
        %rev3A_1380 = tpu.iota {dimensions = array<i32: 0>} : vector<16xi32>
        %rev3A_1381 = arith.subi %rev3A_1379, %rev3A_1380 : vector<16xi32>
        %rev3A_1382 = tpu.dynamic_gather %masked_sort3A_1376[%rev3A_1381] in [0] : vector<16xf32>, vector<16xi32> -> vector<16xf32>
        %rev3A_1383 = arith.constant 15 : i32
        %rev3A_1384 = vector.broadcast %rev3A_1383 : i32 to vector<16xi32>
        %rev3A_1385 = tpu.iota {dimensions = array<i32: 0>} : vector<16xi32>
        %rev3A_1386 = arith.subi %rev3A_1384, %rev3A_1385 : vector<16xi32>
        %rev3A_1387 = tpu.dynamic_gather %masked_sort3A_1377[%rev3A_1386] in [0] : vector<16xi32>, vector<16xi32> -> vector<16xi32>
        %max3A_1388 = arith.maximumf %rev3A_1382, %cond3A_1299#0 : vector<16xf32>
        %ge3A_1389 = arith.cmpf oge, %rev3A_1382, %cond3A_1299#0 : vector<16xf32>
        %select_n3A_1390 = arith.select %ge3A_1389, %rev3A_1387, %cond3A_1299#1 : vector<16xi1>, vector<16xi32>
        %masked_sort3A_1391 = arith.constant dense<true> : vector<16xi1>
        %masked_sort3A_1392, %masked_sort3A_1393, %masked_sort3A_1394 = tpu.sort %max3A_1388, %select_n3A_1390 masked %masked_sort3A_1391 : (vector<16xf32>, vector<16xi32>, vector<16xi1>) -> (vector<16xi1>, vector<16xf32>, vector<16xi32>)
        scf.yield %masked_sort3A_1393, %masked_sort3A_1394 : vector<16xf32>, vector<16xi32>
      } else {
        scf.yield %cond3A_1299#0, %cond3A_1299#1 : vector<16xf32>, vector<16xi32>
      }
      scf.yield %cond3A_1363#0, %cond3A_1363#1 : vector<16xf32>, vector<16xi32>
    }
    %scan3A_1031 = arith.constant 128 : i32
    %swap3A_1032 = arith.constant 0 : index
    %swap3A_1033 = tpu.vector_load %arg17[%swap3A_1032] {strides = array<i32>} : memref<16xi32, #tpu.memory_space<vmem>>, vector<16xi32>,
    tpu.vector_store %arg17[%swap3A_1032], %scan3A_1030#1 {strides = array<i32>} : memref<16xi32, #tpu.memory_space<vmem>>, vector<16xi32>,
    %swap3A_1034 = arith.constant 0 : index
    %swap3A_1035 = tpu.vector_load %arg19[%swap3A_1034] {strides = array<i32>} : memref<16xf32, #tpu.memory_space<vmem>>, vector<16xf32>,
    tpu.vector_store %arg19[%swap3A_1034], %scan3A_1030#0 {strides = array<i32>} : memref<16xf32, #tpu.memory_space<vmem>>, vector<16xf32>,
    %dma_start3A_1036 = arith.constant 0 : i32
    %dma_start3A_1037 = arith.constant 0 : i32
    %dma_start3A_1038 = tpu.memref_slice %arg4[%dma_start3A_1036, %dma_start3A_1037] : memref<32768x128xf32, #tpu.memory_space<hbm>> -> memref<32768x128xf32, #tpu.memory_space<hbm>>
    tpu.enqueue_indirect_dma source(%dma_start3A_1038 : memref<32768x128xf32, #tpu.memory_space<hbm>>) target(%arg21 : memref<16x128xf32, #tpu.memory_space<vmem>>) offsets(%arg17 : memref<16xi32, #tpu.memory_space<vmem>>) semaphore(%arg26 : memref<!tpu.dma_semaphore, #tpu.memory_space<semaphore_mem>>)
    %dma_start3A_1039 = arith.constant 0 : i32
    %dma_start3A_1040 = arith.constant 0 : i32
    %dma_start3A_1041 = tpu.memref_slice %arg4[%dma_start3A_1039, %dma_start3A_1040] : memref<32768x128xf32, #tpu.memory_space<hbm>> -> memref<32768x128xf32, #tpu.memory_space<hbm>>
    tpu.enqueue_indirect_dma source(%dma_start3A_1041 : memref<32768x128xf32, #tpu.memory_space<hbm>>) target(%arg21 : memref<16x128xf32, #tpu.memory_space<vmem>>) offsets(%arg17 : memref<16xi32, #tpu.memory_space<vmem>>) semaphore(%arg26 : memref<!tpu.dma_semaphore, #tpu.memory_space<semaphore_mem>>)
    %dma_start3A_1042 = arith.constant 0 : i32
    %dma_start3A_1043 = tpu.memref_slice %arg5[%add3A_1022, %dma_start3A_1042] : memref<64x16xi32, #tpu.memory_space<hbm>> -> memref<1x16xi32, #tpu.memory_space<hbm>>
    %dma_start3A_1044 = tpu.memref_squeeze %dma_start3A_1043 : memref<1x16xi32, #tpu.memory_space<hbm>> -> memref<16xi32, #tpu.memory_space<hbm>>
    %dma_start3A_1045 = arith.constant 0 : i32
    %dma_start3A_1046 = tpu.memref_slice %arg5[%add3A_1022, %dma_start3A_1045] : memref<64x16xi32, #tpu.memory_space<hbm>> -> memref<1x16xi32, #tpu.memory_space<hbm>>
    %dma_start3A_1047 = tpu.memref_squeeze %dma_start3A_1046 : memref<1x16xi32, #tpu.memory_space<hbm>> -> memref<16xi32, #tpu.memory_space<hbm>>
    tpu.enqueue_dma source(%arg17 : memref<16xi32, #tpu.memory_space<vmem>>) target(%dma_start3A_1047 : memref<16xi32, #tpu.memory_space<hbm>>) target_semaphore(%arg27 : memref<!tpu.dma_semaphore, #tpu.memory_space<semaphore_mem>>)
    %dma_start3A_1048 = arith.constant 0 : i32
    %dma_start3A_1049 = tpu.memref_slice %arg6[%add3A_1022, %dma_start3A_1048] : memref<64x16xf32, #tpu.memory_space<hbm>> -> memref<1x16xf32, #tpu.memory_space<hbm>>
    %dma_start3A_1050 = tpu.memref_squeeze %dma_start3A_1049 : memref<1x16xf32, #tpu.memory_space<hbm>> -> memref<16xf32, #tpu.memory_space<hbm>>
    %dma_start3A_1051 = arith.constant 0 : i32
    %dma_start3A_1052 = tpu.memref_slice %arg6[%add3A_1022, %dma_start3A_1051] : memref<64x16xf32, #tpu.memory_space<hbm>> -> memref<1x16xf32, #tpu.memory_space<hbm>>
    %dma_start3A_1053 = tpu.memref_squeeze %dma_start3A_1052 : memref<1x16xf32, #tpu.memory_space<hbm>> -> memref<16xf32, #tpu.memory_space<hbm>>
    tpu.enqueue_dma source(%arg19 : memref<16xf32, #tpu.memory_space<vmem>>) target(%dma_start3A_1053 : memref<16xf32, #tpu.memory_space<hbm>>) target_semaphore(%arg27 : memref<!tpu.dma_semaphore, #tpu.memory_space<semaphore_mem>>)
    %add3A_1054 = arith.constant 0 : i32
    %add3A_1055 = arith.addi %mul3A_5, %add3A_1054 : i32
    %dma_wait3A_1056 = arith.constant 0 : i32
    %dma_wait3A_1057 = arith.constant 0 : i32
    %dma_wait3A_1058 = tpu.memref_slice %arg4[%dma_wait3A_1056, %dma_wait3A_1057] : memref<32768x128xf32, #tpu.memory_space<hbm>> -> memref<32768x128xf32, #tpu.memory_space<hbm>>
    tpu.wait_indirect_dma semaphore(%arg25 : memref<!tpu.dma_semaphore, #tpu.memory_space<semaphore_mem>>) src(%dma_wait3A_1058 : memref<32768x128xf32, #tpu.memory_space<hbm>>) dst(%arg20 : memref<16x128xf32, #tpu.memory_space<vmem>>)
    %dma_start3A_1059 = arith.constant 0 : i32
    %dma_start3A_1060 = arith.constant 0 : i32
    %dma_start3A_1061 = tpu.memref_slice %arg7[%add3A_1055, %dma_start3A_1059, %dma_start3A_1060] : memref<64x16x128xf32, #tpu.memory_space<hbm>> -> memref<1x16x128xf32, #tpu.memory_space<hbm>>
    %dma_start3A_1062 = tpu.memref_squeeze %dma_start3A_1061 : memref<1x16x128xf32, #tpu.memory_space<hbm>> -> memref<16x128xf32, #tpu.memory_space<hbm>>
    %dma_start3A_1063 = arith.constant 0 : i32
    %dma_start3A_1064 = arith.constant 0 : i32
    %dma_start3A_1065 = tpu.memref_slice %arg7[%add3A_1055, %dma_start3A_1063, %dma_start3A_1064] : memref<64x16x128xf32, #tpu.memory_space<hbm>> -> memref<1x16x128xf32, #tpu.memory_space<hbm>>
    %dma_start3A_1066 = tpu.memref_squeeze %dma_start3A_1065 : memref<1x16x128xf32, #tpu.memory_space<hbm>> -> memref<16x128xf32, #tpu.memory_space<hbm>>
    tpu.enqueue_dma source(%arg20 : memref<16x128xf32, #tpu.memory_space<vmem>>) target(%dma_start3A_1066 : memref<16x128xf32, #tpu.memory_space<hbm>>) target_semaphore(%arg27 : memref<!tpu.dma_semaphore, #tpu.memory_space<semaphore_mem>>)
    %add3A_1067 = arith.constant 1 : i32
    %add3A_1068 = arith.addi %mul3A_5, %add3A_1067 : i32
    %dma_wait3A_1069 = arith.constant 0 : i32
    %dma_wait3A_1070 = arith.constant 0 : i32
    %dma_wait3A_1071 = tpu.memref_slice %arg4[%dma_wait3A_1069, %dma_wait3A_1070] : memref<32768x128xf32, #tpu.memory_space<hbm>> -> memref<32768x128xf32, #tpu.memory_space<hbm>>
    tpu.wait_indirect_dma semaphore(%arg26 : memref<!tpu.dma_semaphore, #tpu.memory_space<semaphore_mem>>) src(%dma_wait3A_1071 : memref<32768x128xf32, #tpu.memory_space<hbm>>) dst(%arg21 : memref<16x128xf32, #tpu.memory_space<vmem>>)
    %dma_start3A_1072 = arith.constant 0 : i32
    %dma_start3A_1073 = arith.constant 0 : i32
    %dma_start3A_1074 = tpu.memref_slice %arg7[%add3A_1068, %dma_start3A_1072, %dma_start3A_1073] : memref<64x16x128xf32, #tpu.memory_space<hbm>> -> memref<1x16x128xf32, #tpu.memory_space<hbm>>
    %dma_start3A_1075 = tpu.memref_squeeze %dma_start3A_1074 : memref<1x16x128xf32, #tpu.memory_space<hbm>> -> memref<16x128xf32, #tpu.memory_space<hbm>>
    %dma_start3A_1076 = arith.constant 0 : i32
    %dma_start3A_1077 = arith.constant 0 : i32
    %dma_start3A_1078 = tpu.memref_slice %arg7[%add3A_1068, %dma_start3A_1076, %dma_start3A_1077] : memref<64x16x128xf32, #tpu.memory_space<hbm>> -> memref<1x16x128xf32, #tpu.memory_space<hbm>>
    %dma_start3A_1079 = tpu.memref_squeeze %dma_start3A_1078 : memref<1x16x128xf32, #tpu.memory_space<hbm>> -> memref<16x128xf32, #tpu.memory_space<hbm>>
    tpu.enqueue_dma source(%arg21 : memref<16x128xf32, #tpu.memory_space<vmem>>) target(%dma_start3A_1079 : memref<16x128xf32, #tpu.memory_space<hbm>>) target_semaphore(%arg27 : memref<!tpu.dma_semaphore, #tpu.memory_space<semaphore_mem>>)
    %dma_wait3A_1080 = arith.constant 0 : i32
    %dma_wait3A_1081 = tpu.memref_slice %arg5[%add3A_990, %dma_wait3A_1080] : memref<64x16xi32, #tpu.memory_space<hbm>> -> memref<1x16xi32, #tpu.memory_space<hbm>>
    %dma_wait3A_1082 = tpu.memref_squeeze %dma_wait3A_1081 : memref<1x16xi32, #tpu.memory_space<hbm>> -> memref<16xi32, #tpu.memory_space<hbm>>
    %dma_wait3A_1083 = arith.constant 0 : i32
    %dma_wait3A_1084 = tpu.memref_slice %arg5[%add3A_990, %dma_wait3A_1083] : memref<64x16xi32, #tpu.memory_space<hbm>> -> memref<1x16xi32, #tpu.memory_space<hbm>>
    %dma_wait3A_1085 = tpu.memref_squeeze %dma_wait3A_1084 : memref<1x16xi32, #tpu.memory_space<hbm>> -> memref<16xi32, #tpu.memory_space<hbm>>
    tpu.wait_dma2 semaphore(%arg27 : memref<!tpu.dma_semaphore, #tpu.memory_space<semaphore_mem>>) src(%arg16 : memref<16xi32, #tpu.memory_space<vmem>>) dst(%dma_wait3A_1085 : memref<16xi32, #tpu.memory_space<hbm>>)
    %dma_wait3A_1086 = arith.constant 0 : i32
    %dma_wait3A_1087 = tpu.memref_slice %arg6[%add3A_990, %dma_wait3A_1086] : memref<64x16xf32, #tpu.memory_space<hbm>> -> memref<1x16xf32, #tpu.memory_space<hbm>>
    %dma_wait3A_1088 = tpu.memref_squeeze %dma_wait3A_1087 : memref<1x16xf32, #tpu.memory_space<hbm>> -> memref<16xf32, #tpu.memory_space<hbm>>
    %dma_wait3A_1089 = arith.constant 0 : i32
    %dma_wait3A_1090 = tpu.memref_slice %arg6[%add3A_990, %dma_wait3A_1089] : memref<64x16xf32, #tpu.memory_space<hbm>> -> memref<1x16xf32, #tpu.memory_space<hbm>>
    %dma_wait3A_1091 = tpu.memref_squeeze %dma_wait3A_1090 : memref<1x16xf32, #tpu.memory_space<hbm>> -> memref<16xf32, #tpu.memory_space<hbm>>
    tpu.wait_dma2 semaphore(%arg27 : memref<!tpu.dma_semaphore, #tpu.memory_space<semaphore_mem>>) src(%arg18 : memref<16xf32, #tpu.memory_space<vmem>>) dst(%dma_wait3A_1091 : memref<16xf32, #tpu.memory_space<hbm>>)
    %dma_wait3A_1092 = arith.constant 0 : i32
    %dma_wait3A_1093 = tpu.memref_slice %arg5[%add3A_1022, %dma_wait3A_1092] : memref<64x16xi32, #tpu.memory_space<hbm>> -> memref<1x16xi32, #tpu.memory_space<hbm>>
    %dma_wait3A_1094 = tpu.memref_squeeze %dma_wait3A_1093 : memref<1x16xi32, #tpu.memory_space<hbm>> -> memref<16xi32, #tpu.memory_space<hbm>>
    %dma_wait3A_1095 = arith.constant 0 : i32
    %dma_wait3A_1096 = tpu.memref_slice %arg5[%add3A_1022, %dma_wait3A_1095] : memref<64x16xi32, #tpu.memory_space<hbm>> -> memref<1x16xi32, #tpu.memory_space<hbm>>
    %dma_wait3A_1097 = tpu.memref_squeeze %dma_wait3A_1096 : memref<1x16xi32, #tpu.memory_space<hbm>> -> memref<16xi32, #tpu.memory_space<hbm>>
    tpu.wait_dma2 semaphore(%arg27 : memref<!tpu.dma_semaphore, #tpu.memory_space<semaphore_mem>>) src(%arg17 : memref<16xi32, #tpu.memory_space<vmem>>) dst(%dma_wait3A_1097 : memref<16xi32, #tpu.memory_space<hbm>>)
    %dma_wait3A_1098 = arith.constant 0 : i32
    %dma_wait3A_1099 = tpu.memref_slice %arg6[%add3A_1022, %dma_wait3A_1098] : memref<64x16xf32, #tpu.memory_space<hbm>> -> memref<1x16xf32, #tpu.memory_space<hbm>>
    %dma_wait3A_1100 = tpu.memref_squeeze %dma_wait3A_1099 : memref<1x16xf32, #tpu.memory_space<hbm>> -> memref<16xf32, #tpu.memory_space<hbm>>
    %dma_wait3A_1101 = arith.constant 0 : i32
    %dma_wait3A_1102 = tpu.memref_slice %arg6[%add3A_1022, %dma_wait3A_1101] : memref<64x16xf32, #tpu.memory_space<hbm>> -> memref<1x16xf32, #tpu.memory_space<hbm>>
    %dma_wait3A_1103 = tpu.memref_squeeze %dma_wait3A_1102 : memref<1x16xf32, #tpu.memory_space<hbm>> -> memref<16xf32, #tpu.memory_space<hbm>>
    tpu.wait_dma2 semaphore(%arg27 : memref<!tpu.dma_semaphore, #tpu.memory_space<semaphore_mem>>) src(%arg19 : memref<16xf32, #tpu.memory_space<vmem>>) dst(%dma_wait3A_1103 : memref<16xf32, #tpu.memory_space<hbm>>)
    %dma_wait3A_1104 = arith.constant 0 : i32
    %dma_wait3A_1105 = arith.constant 0 : i32
    %dma_wait3A_1106 = tpu.memref_slice %arg7[%add3A_1055, %dma_wait3A_1104, %dma_wait3A_1105] : memref<64x16x128xf32, #tpu.memory_space<hbm>> -> memref<1x16x128xf32, #tpu.memory_space<hbm>>
    %dma_wait3A_1107 = tpu.memref_squeeze %dma_wait3A_1106 : memref<1x16x128xf32, #tpu.memory_space<hbm>> -> memref<16x128xf32, #tpu.memory_space<hbm>>
    %dma_wait3A_1108 = arith.constant 0 : i32
    %dma_wait3A_1109 = arith.constant 0 : i32
    %dma_wait3A_1110 = tpu.memref_slice %arg7[%add3A_1055, %dma_wait3A_1108, %dma_wait3A_1109] : memref<64x16x128xf32, #tpu.memory_space<hbm>> -> memref<1x16x128xf32, #tpu.memory_space<hbm>>
    %dma_wait3A_1111 = tpu.memref_squeeze %dma_wait3A_1110 : memref<1x16x128xf32, #tpu.memory_space<hbm>> -> memref<16x128xf32, #tpu.memory_space<hbm>>
    tpu.wait_dma2 semaphore(%arg27 : memref<!tpu.dma_semaphore, #tpu.memory_space<semaphore_mem>>) src(%arg20 : memref<16x128xf32, #tpu.memory_space<vmem>>) dst(%dma_wait3A_1111 : memref<16x128xf32, #tpu.memory_space<hbm>>)
    %dma_wait3A_1112 = arith.constant 0 : i32
    %dma_wait3A_1113 = arith.constant 0 : i32
    %dma_wait3A_1114 = tpu.memref_slice %arg7[%add3A_1068, %dma_wait3A_1112, %dma_wait3A_1113] : memref<64x16x128xf32, #tpu.memory_space<hbm>> -> memref<1x16x128xf32, #tpu.memory_space<hbm>>
    %dma_wait3A_1115 = tpu.memref_squeeze %dma_wait3A_1114 : memref<1x16x128xf32, #tpu.memory_space<hbm>> -> memref<16x128xf32, #tpu.memory_space<hbm>>
    %dma_wait3A_1116 = arith.constant 0 : i32
    %dma_wait3A_1117 = arith.constant 0 : i32
    %dma_wait3A_1118 = tpu.memref_slice %arg7[%add3A_1068, %dma_wait3A_1116, %dma_wait3A_1117] : memref<64x16x128xf32, #tpu.memory_space<hbm>> -> memref<1x16x128xf32, #tpu.memory_space<hbm>>
    %dma_wait3A_1119 = tpu.memref_squeeze %dma_wait3A_1118 : memref<1x16x128xf32, #tpu.memory_space<hbm>> -> memref<16x128xf32, #tpu.memory_space<hbm>>
    tpu.wait_dma2 semaphore(%arg27 : memref<!tpu.dma_semaphore, #tpu.memory_space<semaphore_mem>>) src(%arg21 : memref<16x128xf32, #tpu.memory_space<vmem>>) dst(%dma_wait3A_1119 : memref<16x128xf32, #tpu.memory_space<hbm>>)
    return
  }
}

module attributes {stable_mosaic.version = 14 : i64} {
  func.func @_final_body(%arg0: memref<64x16x128xf32, #tpu.memory_space<vmem>>, %arg1: memref<64x16xf32, #tpu.memory_space<vmem>>, %arg2: memref<64x32xf32, #tpu.memory_space<vmem>>, %arg3: memref<128x128xf32, #tpu.memory_space<vmem>>, %arg4: memref<64x160xf32, #tpu.memory_space<vmem>>, %arg5: memref<1x64xf32, #tpu.memory_space<vmem>>, %arg6: memref<128x64xf32, #tpu.memory_space<vmem>>, %arg7: memref<1x128xf32, #tpu.memory_space<vmem>>, %arg8: memref<1x128xf32, #tpu.memory_space<vmem>>, %arg9: memref<1x128xf32, #tpu.memory_space<vmem>>, %arg10: memref<64x128xf32, #tpu.memory_space<vmem>>) attributes {dimension_semantics = [], scalar_prefetch = 0 : i64, scratch_operands = 0 : i64, tpu.core_type = #tpu.core_type<tc>} {
    %get3A = arith.constant 0 : index
    %get3A_0 = arith.constant 0 : index
    %get3A_1 = arith.constant 0 : index
    %get3A_2 = vector.load %arg0[%get3A, %get3A_0, %get3A_1] : memref<64x16x128xf32, #tpu.memory_space<vmem>>, vector<64x16x128xf32>
    %reshape3A = vector.shape_cast %get3A_2 : vector<64x16x128xf32> to vector<1024x128xf32>
    %get3A_3 = arith.constant 0 : index
    %get3A_4 = arith.constant 0 : index
    %get3A_5 = vector.load %arg3[%get3A_3, %get3A_4] : memref<128x128xf32, #tpu.memory_space<vmem>>, vector<128x128xf32>
    %dot_general3A = arith.constant dense<0.000000e+00> : vector<1024x128xf32>
    %dot_general3A_6 = tpu.matmul %reshape3A, %get3A_5, %dot_general3A {dimension_numbers = #tpu.dot_dimension_numbers<[1], [1], [0], [0], [0, 0, 1, 0], [], []>, precision = #tpu.contract_precision<fp32>, transpose_lhs_hint = false} : vector<1024x128xf32>, vector<128x128xf32>, vector<1024x128xf32> -> vector<1024x128xf32>
    %get3A_7 = arith.constant 0 : index
    %get3A_8 = arith.constant 0 : index
    %get3A_9 = vector.load %arg4[%get3A_7, %get3A_8] : memref<64x160xf32, #tpu.memory_space<vmem>>, vector<64x160xf32>
    %slice3A = vector.extract_strided_slice %get3A_9 {offsets = [0, 0], sizes = [64, 128], strides = [1, 1]} : vector<64x160xf32> to vector<64x128xf32>
    %dot_general3A_10 = arith.constant dense<0.000000e+00> : vector<1024x64xf32>
    %dot_general3A_11 = tpu.matmul %dot_general3A_6, %slice3A, %dot_general3A_10 {dimension_numbers = #tpu.dot_dimension_numbers<[1], [1], [0], [0], [0, 0, 1, 0], [], []>, precision = #tpu.contract_precision<fp32>, transpose_lhs_hint = false} : vector<1024x128xf32>, vector<64x128xf32>, vector<1024x64xf32> -> vector<1024x64xf32>
    %get3A_12 = arith.constant 0 : index
    %get3A_13 = arith.constant 0 : index
    %get3A_14 = vector.load %arg2[%get3A_12, %get3A_13] : memref<64x32xf32, #tpu.memory_space<vmem>>, vector<64x32xf32>
    %slice3A_15 = vector.extract_strided_slice %get3A_9 {offsets = [0, 128], sizes = [64, 32], strides = [1, 1]} : vector<64x160xf32> to vector<64x32xf32>
    %dot_general3A_16 = arith.constant dense<0.000000e+00> : vector<64x64xf32>
    %dot_general3A_17 = tpu.matmul %get3A_14, %slice3A_15, %dot_general3A_16 {dimension_numbers = #tpu.dot_dimension_numbers<[1], [1], [0], [0], [0, 0, 1, 0], [], []>, precision = #tpu.contract_precision<fp32>, transpose_lhs_hint = false} : vector<64x32xf32>, vector<64x32xf32>, vector<64x64xf32> -> vector<64x64xf32>
    %broadcast_in_dim3A = vector.shape_cast %dot_general3A_17 : vector<64x64xf32> to vector<64x1x64xf32>
    %broadcast_in_dim3A_18 = vector.shape_cast %broadcast_in_dim3A : vector<64x1x64xf32> to vector<64x1x64xf32>
    %broadcast_in_dim3A_19 = vector.broadcast %broadcast_in_dim3A_18 : vector<64x1x64xf32> to vector<64x16x64xf32>
    %reshape3A_20 = vector.shape_cast %broadcast_in_dim3A_19 : vector<64x16x64xf32> to vector<1024x64xf32>
    %add3A = arith.addf %dot_general3A_11, %reshape3A_20 : vector<1024x64xf32>
    %get3A_21 = arith.constant 0 : index
    %get3A_22 = arith.constant 0 : index
    %get3A_23 = vector.load %arg5[%get3A_21, %get3A_22] : memref<1x64xf32, #tpu.memory_space<vmem>>, vector<1x64xf32>
    %add3A_24 = vector.broadcast %get3A_23 : vector<1x64xf32> to vector<1024x64xf32>
    %add3A_25 = arith.addf %add3A, %add3A_24 : vector<1024x64xf32>
    %max3A = arith.constant 0.000000e+00 : f32
    %max3A_26 = vector.broadcast %max3A : f32 to vector<1024x64xf32>
    %max3A_27 = arith.maximumf %add3A_25, %max3A_26 : vector<1024x64xf32>
    %get3A_28 = arith.constant 0 : index
    %get3A_29 = arith.constant 0 : index
    %get3A_30 = vector.load %arg6[%get3A_28, %get3A_29] : memref<128x64xf32, #tpu.memory_space<vmem>>, vector<128x64xf32>
    %dot_general3A_31 = arith.constant dense<0.000000e+00> : vector<1024x128xf32>
    %dot_general3A_32 = tpu.matmul %max3A_27, %get3A_30, %dot_general3A_31 {dimension_numbers = #tpu.dot_dimension_numbers<[1], [1], [0], [0], [0, 0, 1, 0], [], []>, precision = #tpu.contract_precision<fp32>, transpose_lhs_hint = false} : vector<1024x64xf32>, vector<128x64xf32>, vector<1024x128xf32> -> vector<1024x128xf32>
    %get3A_33 = arith.constant 0 : index
    %get3A_34 = arith.constant 0 : index
    %get3A_35 = vector.load %arg7[%get3A_33, %get3A_34] : memref<1x128xf32, #tpu.memory_space<vmem>>, vector<1x128xf32>
    %add3A_36 = vector.broadcast %get3A_35 : vector<1x128xf32> to vector<1024x128xf32>
    %add3A_37 = arith.addf %dot_general3A_32, %add3A_36 : vector<1024x128xf32>
    %reduce_sum3A = arith.constant dense<0.000000e+00> : vector<1024xf32>
    %reduce_sum3A_38 = vector.multi_reduction <add>, %add3A_37, %reduce_sum3A [1] : vector<1024x128xf32> to vector<1024xf32>
    %broadcast_in_dim3A_39 = vector.shape_cast %reduce_sum3A_38 : vector<1024xf32> to vector<1024x1xf32>
    %div3A = arith.constant 1.280000e+02 : f32
    %div3A_40 = vector.broadcast %div3A : f32 to vector<1024x1xf32>
    %div3A_41 = arith.divf %broadcast_in_dim3A_39, %div3A_40 : vector<1024x1xf32>
    %sub3A = vector.broadcast %div3A_41 : vector<1024x1xf32> to vector<1024x128xf32>
    %sub3A_42 = arith.subf %add3A_37, %sub3A : vector<1024x128xf32>
    %sub3A_43 = vector.broadcast %div3A_41 : vector<1024x1xf32> to vector<1024x128xf32>
    %sub3A_44 = arith.subf %add3A_37, %sub3A_43 : vector<1024x128xf32>
    %mul3A = arith.mulf %sub3A_42, %sub3A_44 : vector<1024x128xf32>
    %reduce_sum3A_45 = arith.constant dense<0.000000e+00> : vector<1024xf32>
    %reduce_sum3A_46 = vector.multi_reduction <add>, %mul3A, %reduce_sum3A_45 [1] : vector<1024x128xf32> to vector<1024xf32>
    %broadcast_in_dim3A_47 = vector.shape_cast %reduce_sum3A_46 : vector<1024xf32> to vector<1024x1xf32>
    %div3A_48 = arith.constant 1.280000e+02 : f32
    %div3A_49 = vector.broadcast %div3A_48 : f32 to vector<1024x1xf32>
    %div3A_50 = arith.divf %broadcast_in_dim3A_47, %div3A_49 : vector<1024x1xf32>
    %sub3A_51 = vector.broadcast %div3A_41 : vector<1024x1xf32> to vector<1024x128xf32>
    %sub3A_52 = arith.subf %add3A_37, %sub3A_51 : vector<1024x128xf32>
    %add3A_53 = arith.constant 9.99999974E-6 : f32
    %add3A_54 = vector.broadcast %add3A_53 : f32 to vector<1024x1xf32>
    %add3A_55 = arith.addf %div3A_50, %add3A_54 : vector<1024x1xf32>
    %rsqrt3A = math.rsqrt %add3A_55 : vector<1024x1xf32>
    %mul3A_56 = vector.broadcast %rsqrt3A : vector<1024x1xf32> to vector<1024x128xf32>
    %mul3A_57 = arith.mulf %sub3A_52, %mul3A_56 : vector<1024x128xf32>
    %get3A_58 = arith.constant 0 : index
    %get3A_59 = arith.constant 0 : index
    %get3A_60 = vector.load %arg8[%get3A_58, %get3A_59] : memref<1x128xf32, #tpu.memory_space<vmem>>, vector<1x128xf32>
    %mul3A_61 = vector.broadcast %get3A_60 : vector<1x128xf32> to vector<1024x128xf32>
    %mul3A_62 = arith.mulf %mul3A_57, %mul3A_61 : vector<1024x128xf32>
    %get3A_63 = arith.constant 0 : index
    %get3A_64 = arith.constant 0 : index
    %get3A_65 = vector.load %arg9[%get3A_63, %get3A_64] : memref<1x128xf32, #tpu.memory_space<vmem>>, vector<1x128xf32>
    %add3A_66 = vector.broadcast %get3A_65 : vector<1x128xf32> to vector<1024x128xf32>
    %add3A_67 = arith.addf %mul3A_62, %add3A_66 : vector<1024x128xf32>
    %add3A_68 = arith.addf %dot_general3A_6, %add3A_67 : vector<1024x128xf32>
    %reshape3A_69 = vector.shape_cast %add3A_68 : vector<1024x128xf32> to vector<64x16x128xf32>
    %get3A_70 = arith.constant 0 : index
    %get3A_71 = arith.constant 0 : index
    %get3A_72 = vector.load %arg1[%get3A_70, %get3A_71] : memref<64x16xf32, #tpu.memory_space<vmem>>, vector<64x16xf32>
    %mul3A_73 = arith.constant 0.0883883461 : f32
    %mul3A_74 = vector.broadcast %mul3A_73 : f32 to vector<64x16xf32>
    %mul3A_75 = arith.mulf %get3A_72, %mul3A_74 : vector<64x16xf32>
    %reduce_max3A = arith.constant dense<0xFF800000> : vector<64xf32>
    %reduce_max3A_76 = vector.multi_reduction <maximumf>, %mul3A_75, %reduce_max3A [1] : vector<64x16xf32> to vector<64xf32>
    %broadcast_in_dim3A_77 = vector.shape_cast %reduce_max3A_76 : vector<64xf32> to vector<64x1xf32>
    %sub3A_78 = vector.broadcast %broadcast_in_dim3A_77 : vector<64x1xf32> to vector<64x16xf32>
    %sub3A_79 = arith.subf %mul3A_75, %sub3A_78 : vector<64x16xf32>
    %exp3A = math.exp %sub3A_79 : vector<64x16xf32>
    %reduce_sum3A_80 = arith.constant dense<0.000000e+00> : vector<64xf32>
    %reduce_sum3A_81 = vector.multi_reduction <add>, %exp3A, %reduce_sum3A_80 [1] : vector<64x16xf32> to vector<64xf32>
    %broadcast_in_dim3A_82 = vector.shape_cast %reduce_sum3A_81 : vector<64xf32> to vector<64x1xf32>
    %div3A_83 = vector.broadcast %broadcast_in_dim3A_82 : vector<64x1xf32> to vector<64x16xf32>
    %div3A_84 = arith.divf %exp3A, %div3A_83 : vector<64x16xf32>
    %broadcast_in_dim3A_85 = vector.shape_cast %div3A_84 : vector<64x16xf32> to vector<64x16x1xf32>
    %mul3A_86 = vector.broadcast %broadcast_in_dim3A_85 : vector<64x16x1xf32> to vector<64x16x128xf32>
    %mul3A_87 = arith.mulf %reshape3A_69, %mul3A_86 : vector<64x16x128xf32>
    %reduce_sum3A_88 = arith.constant dense<0.000000e+00> : vector<64x128xf32>
    %reduce_sum3A_89 = vector.multi_reduction <add>, %mul3A_87, %reduce_sum3A_88 [1] : vector<64x16x128xf32> to vector<64x128xf32>
    %swap3A = arith.constant 0 : index
    %swap3A_90 = arith.constant 0 : index
    %swap3A_91 = vector.load %arg10[%swap3A, %swap3A_90] : memref<64x128xf32, #tpu.memory_space<vmem>>, vector<64x128xf32>
    tpu.vector_store %arg10[%swap3A, %swap3A_90], %reduce_sum3A_89 {strides = array<i32>} : memref<64x128xf32, #tpu.memory_space<vmem>>, vector<64x128xf32>,
    return
  }
}

module attributes {stable_mosaic.version = 14 : i64} {
  func.func @_scores_body(%arg0: i32, %arg1: memref<64x128xf32, #tpu.memory_space<vmem>>, %arg2: memref<128x128xf32, #tpu.memory_space<vmem>>, %arg3: memref<128x128xf32, #tpu.memory_space<vmem>>, %arg4: memref<16384x128xf32, #tpu.memory_space<vmem>>, %arg5: memref<64x128x128xf32, #tpu.memory_space<vmem>>, %arg6: memref<1x64x128xf32, #tpu.memory_space<vmem>>) attributes {dimension_semantics = [#tpu.dimension_semantics<arbitrary>], iteration_bounds = array<i64: 2>, scalar_prefetch = 0 : i64, scratch_operands = 0 : i64, tpu.core_type = #tpu.core_type<tc>, window_params = [{pipeline_mode = #tpu.pipeline_mode<synchronous>, transform_indices = @transform_0, window_bounds = array<i64: 64, 128>}, {pipeline_mode = #tpu.pipeline_mode<synchronous>, transform_indices = @transform_1, window_bounds = array<i64: 128, 128>}, {pipeline_mode = #tpu.pipeline_mode<synchronous>, transform_indices = @transform_2, window_bounds = array<i64: 128, 128>}, {transform_indices = @transform_3, window_bounds = array<i64: 16384, 128>}, {transform_indices = @transform_4, window_bounds = array<i64: 64, 128, 128>}, {transform_indices = @transform_5, window_bounds = array<i64: 1, 64, 128>}]} {
    %get3A = arith.constant 0 : index
    %get3A_0 = arith.constant 0 : index
    %get3A_1 = vector.load %arg1[%get3A, %get3A_0] : memref<64x128xf32, #tpu.memory_space<vmem>>, vector<64x128xf32>
    %get3A_2 = arith.constant 0 : index
    %get3A_3 = arith.constant 0 : index
    %get3A_4 = vector.load %arg2[%get3A_2, %get3A_3] : memref<128x128xf32, #tpu.memory_space<vmem>>, vector<128x128xf32>
    %dot_general3A = arith.constant dense<0.000000e+00> : vector<64x128xf32>
    %dot_general3A_5 = tpu.matmul %get3A_1, %get3A_4, %dot_general3A {dimension_numbers = #tpu.dot_dimension_numbers<[1], [1], [0], [0], [0, 0, 1, 0], [], []>, transpose_lhs_hint = false} : vector<64x128xf32>, vector<128x128xf32>, vector<64x128xf32> -> vector<64x128xf32>
    %get3A_6 = arith.constant 0 : index
    %get3A_7 = arith.constant 0 : index
    %get3A_8 = vector.load %arg4[%get3A_6, %get3A_7] : memref<16384x128xf32, #tpu.memory_space<vmem>>, vector<16384x128xf32>
    %get3A_9 = arith.constant 0 : index
    %get3A_10 = arith.constant 0 : index
    %get3A_11 = vector.load %arg3[%get3A_9, %get3A_10] : memref<128x128xf32, #tpu.memory_space<vmem>>, vector<128x128xf32>
    %dot_general3A_12 = arith.constant dense<0.000000e+00> : vector<16384x128xf32>
    %dot_general3A_13 = tpu.matmul %get3A_8, %get3A_11, %dot_general3A_12 {dimension_numbers = #tpu.dot_dimension_numbers<[1], [1], [0], [0], [0, 0, 1, 0], [], []>, transpose_lhs_hint = false} : vector<16384x128xf32>, vector<128x128xf32>, vector<16384x128xf32> -> vector<16384x128xf32>
    %dot_general3A_14 = arith.constant dense<0.000000e+00> : vector<64x16384xf32>
    %dot_general3A_15 = tpu.matmul %dot_general3A_5, %dot_general3A_13, %dot_general3A_14 {dimension_numbers = #tpu.dot_dimension_numbers<[1], [1], [0], [0], [0, 0, 1, 0], [], []>, transpose_lhs_hint = false} : vector<64x128xf32>, vector<16384x128xf32>, vector<64x16384xf32> -> vector<64x16384xf32>
    %reshape3A = vector.shape_cast %dot_general3A_15 : vector<64x16384xf32> to vector<64x128x128xf32>
    %swap3A = arith.constant 0 : index
    %swap3A_16 = arith.constant 0 : index
    %swap3A_17 = arith.constant 0 : index
    %swap3A_18 = vector.load %arg5[%swap3A, %swap3A_16, %swap3A_17] : memref<64x128x128xf32, #tpu.memory_space<vmem>>, vector<64x128x128xf32>
    tpu.vector_store %arg5[%swap3A, %swap3A_16, %swap3A_17], %reshape3A {strides = array<i32>} : memref<64x128x128xf32, #tpu.memory_space<vmem>>, vector<64x128x128xf32>,
    %reduce_max3A = arith.constant dense<0xFF800000> : vector<64x128xf32>
    %reduce_max3A_19 = vector.multi_reduction <maximumf>, %reshape3A, %reduce_max3A [2] : vector<64x128x128xf32> to vector<64x128xf32>
    %reshape3A_20 = vector.shape_cast %reduce_max3A_19 : vector<64x128xf32> to vector<1x64x128xf32>
    %swap3A_21 = arith.constant 0 : index
    %swap3A_22 = arith.constant 0 : index
    %swap3A_23 = arith.constant 0 : index
    %swap3A_24 = vector.load %arg6[%swap3A_21, %swap3A_22, %swap3A_23] : memref<1x64x128xf32, #tpu.memory_space<vmem>>, vector<1x64x128xf32>
    tpu.vector_store %arg6[%swap3A_21, %swap3A_22, %swap3A_23], %reshape3A_20 {strides = array<i32>} : memref<1x64x128xf32, #tpu.memory_space<vmem>>, vector<1x64x128xf32>,
    return
  }
  func.func @transform_0(%arg0: i32) -> (i32, i32) {
    %c0_i32 = arith.constant 0 : i32
    %c0_i32_0 = arith.constant 0 : i32
    %c0_i32_1 = arith.constant 0 : i32
    return %c0_i32, %c0_i32_0 : i32, i32
  }
  func.func @transform_1(%arg0: i32) -> (i32, i32) {
    %c0_i32 = arith.constant 0 : i32
    %c0_i32_0 = arith.constant 0 : i32
    %c0_i32_1 = arith.constant 0 : i32
    return %c0_i32, %c0_i32_0 : i32, i32
  }
  func.func @transform_2(%arg0: i32) -> (i32, i32) {
    %c0_i32 = arith.constant 0 : i32
    %c0_i32_0 = arith.constant 0 : i32
    %c0_i32_1 = arith.constant 0 : i32
    return %c0_i32, %c0_i32_0 : i32, i32
  }
  func.func @transform_3(%arg0: i32) -> (i32, i32) {
    %c0_i32 = arith.constant 0 : i32
    %c0_i32_0 = arith.constant 0 : i32
    return %arg0, %c0_i32 : i32, i32
  }
  func.func @transform_4(%arg0: i32) -> (i32, i32, i32) {
    %c0_i32 = arith.constant 0 : i32
    %c0_i32_0 = arith.constant 0 : i32
    %c0_i32_1 = arith.constant 0 : i32
    return %c0_i32, %arg0, %c0_i32_0 : i32, i32, i32
  }
  func.func @transform_5(%arg0: i32) -> (i32, i32, i32) {
    %c0_i32 = arith.constant 0 : i32
    %c0_i32_0 = arith.constant 0 : i32
    %c0_i32_1 = arith.constant 0 : i32
    return %arg0, %c0_i32, %c0_i32_0 : i32, i32, i32
  }
}

</mosaic_0001>

<sc_bundles>
// kernel: kernel.5.cloned.1.call-start
scs
__scs_entry_jumppad:
0x0: {  	(pc) =	sbr.rel $0x88, $3  }
0x1: {  	(tag) =	ssettag $0x0;
	lr =	simm.s32 $0x1  }
0x2: {  	[smem:$0x3F94] =	sst lr;
	_ =	strace $0xD0000000  }
0x3: {  	_ = 	snop  }
0x4: {  	_ = 	snop  }
0x5: {  	_ = 	snop  }
0x6: {  	_ = 	snop  }
0x7: {  	_ = 	snop  }
__scs_overlays_trampoline_lowered:
0x8: {  	[smem:$0x3FA3] =	sst s0  }
0x9: {  	[smem:$0x3FA4] =	sst s1  }
0xa: {  	[smem:$0x3FA5] =	sst s2  }
0xb: {  	[smem:$0x3FA6] =	sst s3  }
0xc: {  	[smem:$0x3FA7] =	sst s4  }
0xd: {  	[smem:$0x3FA8] =	sst s5  }
0xe: {  	[smem:$0x3FA9] =	sst s6  }
0xf: {  	[smem:$0x3FAA] =	sst s7  }
0x10: {  	[smem:$0x3FAB] =	sst s8  }
0x11: {  	[smem:$0x3FAC] =	sst s9;
	s0 =	simm.s32 @!p0 $0x0  }
0x12: {  	s1 =	sld [smem:$0x3F92];
	s0 =	simm.s32 @p0 $0x1  }
0x13: {  	[smem:$0x3FAD] =	sst s0;
	s0 =	simm.s32 @!p1 $0x0  }
0x14: {  	s2 =	sld [smem:$0x3F91];
	s0 =	simm.s32 @p1 $0x1  }
0x15: {  	[smem:$0x3FAE] =	sst s0;
	s0 =	simm.s32 @!p2 $0x0  }
0x16: {  	s3 =	sld [smem:$0x3FDB];
	s0 =	simm.s32 @p2 $0x1  }
0x17: {  	s4 =	simm.s32 $0x1BF5;
	[smem:$0x3FB0] =	sst s0  }
0x18: {  	s0 =	sld [smem:$0x3F93];
	_ =	swait.ge [sflag:s4], $0x0  }
0x19: {  	s7 =	sld [smem:$0x3F94]  }
0x1a: {  	s8 =	sadd.s32 $0xFFFFE003, lr  }
0x1b: {  	s9 =	sadd.s32 $0xFFFFFEF7, lr;
	s5 =	simm.s32 $0xFFFFFFFF;
	p2 =	slt.u32 s8, $0xFFFFF086  }
0x1c: {  	p1 =	slt.u32 s9, $0xF7A;
	s5 =	simm.s32 @!p2 $0x0  }
0x1d: {  	s5 =	simm.s32 @p1 $0x1;
	p0 =	seq.s32 s7, s2  }
0x1e: {  	s7 =	smul.u32 @!p0 $0xF7A, s2;
	p2 =	seq.s32 @!p0 s5, $0x0  }
0x1f: {  	s9 =	smul.u32 $0xF7A, s1;
	s8 =	simm.s32 @!p0 $0x1BF5;
	p2 =	por !p2, p0  }
0x20: {  	[sflag:s8] =	ssyncset.s32 @!p0 $0xFFFFF086;
	s6 =	sadd.s32 @!p0 s3, s7;
	s7 =	simm.s32 @!p0 $0x108  }
0x21: {  	s3 =	sadd.s32 s3, s9;
	s6 =	sadd.s32 @!p0 $0x88, s6;
	s7 =	simm.s32 @p2 $0x1082  }
0x22: {  	[simem:s7], [sflag:s8] =	dma.local @!p0 [hbm:s6], $0xF7A  }
0x23: {  	s9 =	sor.u32 $0xD0000000, s2;
	s6 =	simm.s32 $0x108;
	_ =	swait.ge @!p0 [sflag:s8], $0x0  }
0x24: {  	s3 =	sadd.s32 $0x88, s3;
	s6 =	simm.s32 @!p1 $0x1082;
	[sflag:s4] =	ssyncset.s32 $0xFFFFF086  }
0x25: {  	[simem:s6], [sflag:s4] =	dma.local [hbm:s3], $0xF7A  }
0x26: {  	[smem:$0x3F94] =	sst s1;
	(tag) =	ssettag s2;
	_ =	strace s9  }
0x27: {  	s1 =	sld [smem:$0x3FA4]  }
0x28: {  	s2 =	sld [smem:$0x3FA5]  }
0x29: {  	s4 =	sld [smem:$0x3FA7]  }
0x2a: {  	p0 =	seq.s32 s5, $0x0;
	s5 =	sld [smem:$0x3FA8]  }
0x2b: {  	s6 =	sld [smem:$0x3FA9]  }
0x2c: {  	s7 =	sld [smem:$0x3FAA]  }
0x2d: {  	s3 =	simm.s32 $0x108;
	s8 =	sld [smem:$0x3FAB]  }
0x2e: {  	s3 =	simm.s32 @!p0 $0x1082;
	s9 =	sld [smem:$0x3FAC]  }
0x2f: {  	lr =	sadd.s32 s0, s3;
	s0 =	sld [smem:$0x3FA3]  }
0x30: {  	s3 =	sld [smem:$0x3FA6]  }
0x31: {  	[smem:$0x3FAF] =	sst s10  }
0x32: {  	s10 =	sld [smem:$0x3FAD];
	_ =	sdelay $0x3  }
0x33: {  	p0 =	seq.s32 s10, $0x1;
	s10 =	sld [smem:$0x3FAF];
	_ =	sdelay $0x3  }
0x34: {  	[smem:$0x3FAF] =	sst s10  }
0x35: {  	s10 =	sld [smem:$0x3FAE];
	_ =	sdelay $0x3  }
0x36: {  	p1 =	seq.s32 s10, $0x1;
	s10 =	sld [smem:$0x3FAF];
	_ =	sdelay $0x3  }
0x37: {  	[smem:$0x3FAF] =	sst s10  }
0x38: {  	s10 =	sld [smem:$0x3FB0]  }
0x39: {  	_ = 	snop;
	(pc) =	sbr.ind lr, $3  }
0x3a: {  	_ = 	snop  }
0x3b: {  	_ = 	snop  }
0x3c: {  	p2 =	seq.s32 s10, $0x1;
	s10 =	sld [smem:$0x3FAF]  }
0x3d: {  	_ =	shalt  }
0x3e: {  	_ =	shalt  }
0x3f: {  	_ =	shalt  }
0x40: {  	_ =	shalt  }
0x41: {  	_ =	shalt  }
0x42: {  	_ =	shalt  }
0x43: {  	_ =	shalt  }
0x44: {  	_ =	shalt  }
0x45: {  	_ =	shalt  }
0x46: {  	_ =	shalt  }
0x47: {  	_ =	shalt  }
0x48: {  	_ =	shalt  }
0x49: {  	_ =	shalt  }
0x4a: {  	_ =	shalt  }
0x4b: {  	_ =	shalt  }
0x4c: {  	_ =	shalt  }
0x4d: {  	_ =	shalt  }
0x4e: {  	_ =	shalt  }
0x4f: {  	_ =	shalt  }
0x50: {  	_ =	shalt  }
0x51: {  	_ =	shalt  }
0x52: {  	_ =	shalt  }
0x53: {  	_ =	shalt  }
0x54: {  	_ =	shalt  }
0x55: {  	_ =	shalt  }
0x56: {  	_ =	shalt  }
0x57: {  	_ =	shalt  }
0x58: {  	_ =	shalt  }
0x59: {  	_ =	shalt  }
0x5a: {  	_ =	shalt  }
0x5b: {  	_ =	shalt  }
0x5c: {  	_ =	shalt  }
0x5d: {  	_ =	shalt  }
0x5e: {  	_ =	shalt  }
0x5f: {  	_ =	shalt  }
0x60: {  	_ =	shalt  }
0x61: {  	_ =	shalt  }
0x62: {  	_ =	shalt  }
0x63: {  	_ =	shalt  }
0x64: {  	_ =	shalt  }
0x65: {  	_ =	shalt  }
0x66: {  	_ =	shalt  }
0x67: {  	_ =	shalt  }
0x68: {  	_ =	shalt  }
0x69: {  	_ =	shalt  }
0x6a: {  	_ =	shalt  }
0x6b: {  	_ =	shalt  }
0x6c: {  	_ =	shalt  }
0x6d: {  	_ =	shalt  }
0x6e: {  	_ =	shalt  }
0x6f: {  	_ =	shalt  }
0x70: {  	_ =	shalt  }
0x71: {  	_ =	shalt  }
0x72: {  	_ =	shalt  }
0x73: {  	_ =	shalt  }
0x74: {  	_ =	shalt  }
0x75: {  	_ =	shalt  }
0x76: {  	_ =	shalt  }
0x77: {  	_ =	shalt  }
0x78: {  	_ =	shalt  }
0x79: {  	_ =	shalt  }
0x7a: {  	_ =	shalt  }
0x7b: {  	_ =	shalt  }
0x7c: {  	_ =	shalt  }
0x7d: {  	_ =	shalt  }
0x7e: {  	_ =	shalt  }
0x7f: {  	_ =	shalt  }
0x80: {  	_ =	shalt  }
0x81: {  	_ =	shalt  }
0x82: {  	_ =	shalt  }
0x83: {  	_ =	shalt  }
0x84: {  	_ =	shalt  }
0x85: {  	_ =	shalt  }
0x86: {  	_ =	shalt  }
0x87: {  	_ =	shalt  }
.Lfunc_end0:
.L_simem_size_0:
called_computation_lowered:
.L_overlay_start_0:
0x88: {  	s2 =	sld [smem:$0x3FD9]  }
0x89: {  	s3 =	sld [smem:$0x3FFE];
	_ =	sdelay $0x1  }
0x8a: {  	s1 =	srdreg.scid  }
0x8b: {  	s0 =	sand.u32 $0x1, s1  }
0x8c: {  	s17 =	sshll.u32 s0, $0xA;
	s2 =	sadd.s32 s3, s2  }
0x8d: {  	s2 =	sadd.s32 s2, s17  }
0x8e: {  	[smem:$0x3FBB] =	sst s2  }
0x8f: {  	_ = 	snop  }
0x90: {  	s2 =	sld [smem:$0x3FC7]  }
0x91: {  	s18 =	sld [smem:$0x3FD0];
	(tm) =	ssettm $0x1  }
0x92: {  	s4 =	sld [smem:$0x3FFB];
	_ =	sdelay $0x3  }
0x93: {  	_ =	strace s4  }
0x94: {  	s4 =	sld [smem:$0x3FFC];
	_ =	sdelay $0x3  }
0x95: {  	_ =	strace s4  }
0x96: {  	s4 =	sld [smem:$0x3FFD];
	_ =	sdelay $0x3  }
0x97: {  	_ =	strace s4  }
0x98: {  	_ =	strace $0x8FFFFFFF  }
0x99: {  	s19 =	sld [smem:$0x3FDB];
	_ =	sdelay $0x1  }
0x9a: {  	s5 =	simm.s32 $_scs_section_size  }
0x9b: {  	s6 =	simm.s32 $_size__tile_overlayer_lowered;
	s7 =	simm.s32 $_tile_overlayer_lowered  }
0x9c: {  	s22 =	simm.s32 $0x1BFF;
	s21 =	sshll.u32 s7, $0x1;
	s4 =	sadd.s32 s5, s19  }
0x9d: {  	s8 =	simm.s32 $0x0;
	s20 =	sshll.u32 s6, $0x1;
	s6 =	sadd.s32 s21, s4  }
0x9e: {  	[timem:s8], [sflag:s22] =	dma.local [hbm:s6], s20  }
0x9f: {  	_ =	swait.ge [sflag:s22], s20  }
0xa0: {  	s5 =	ssub.s32 $0x0, s20;
	[sflag:s22] =	ssyncset.done $0x0  }
0xa1: {  	[sflag:s22] =	ssyncadd.s32 s5;
	_ =	sdelay $0x1  }
0xa2: {  	s23 =	simm.s32 $0x1B8B  }
0xa3: {  	_ =	swait.ge [sflag:s23], $0x1  }
0xa4: {  	[sflag:s23] =	ssyncset.done $0x0  }
0xa5: {  	s25 =	simm.s32 $0x1B8E;
	s24 =	sld [smem:$0x3FFE];
	[sflag:s23] =	ssyncadd.s32 $0xFFFFFFFF  }
0xa6: {  	s26 =	simm.s32 $execute0_lowered;
	[smem:$0x3FD2] =	sst s25  }
0xa7: {  	s6 =	sshll.u32 s26, $0x1;
	_ =	strace $0x80000046;
	[dreg:$0x1] =	wrdreg $0xFFFFFFFF  }
0xa8: {  	s28 =	simm.s32 $_size_execute0_lowered;
	s4 =	sadd.s32 s4, s6;
	[dreg:$0x0] =	wrdreg $0x0  }
0xa9: {  	s6 =	sshll.u32 s28, $0x1;
	[dreg:$0x2] =	wrdreg s4  }
0xaa: {  	[dreg:$0x3] =	wrdreg s6  }
0xab: {  	[dreg:$0x4] =	wrdreg $0xC0  }
0xac: {  	_ =	task [dreg:s8], $0x5FFFF  }
0xad: {  	[dreg:$0x1] =	wrdreg $0xFFFFFFFF  }
0xae: {  	[dreg:$0x0] =	wrdreg $0x60  }
0xaf: {  	[dreg:$0x2] =	wrdreg s24  }
0xb0: {  	[dreg:$0x3] =	wrdreg s2  }
0xb1: {  	[dreg:$0x4] =	wrdreg s18  }
0xb2: {  	[dreg:$0x5] =	wrdreg $0x9  }
0xb3: {  	_ =	task.clear_ibuf [dreg:s8], $0x6FFFF;
	_ =	strace $0x90000046  }
0xb4: {  	s29 =	simm.s32 $0x9;
	_ =	strace $0x80000048  }
0xb5: {  	_ =	swait.ge [sflag:s29], $0x1  }
0xb6: {  	[sflag:s29] =	ssyncadd.s32 $0xFFFFFFFF  }
0xb7: {  	_ =	strace $0x90000048  }
0xb8: {  	_ =	sfence  }
0xb9: {  	s30 =	sld [smem:$0x0];
	_ =	sdelay $0x2  }
0xba: {  	s31 =	sshll.u32 s1, $0xD;
	s1 =	sshrl.u32 s1, $0x2  }
0xbb: {  	s3 =	sand.u32 $0x4000, s31;
	s1 =	sadd.s32 s1, s30  }
0xbc: {  	s0 =	sor.u32 s3, s0;
	s1 =	sshll.u32 s1, $0x11  }
0xbd: {  	s0 =	sor.u32 s1, s0  }
0xbe: {  	s0 =	sadd.s32 $0x8F2B, s0  }
0xbf: {  	[sflag:s0] =	ssyncadd.remote.s32 $0x1  }
0xc0: {  	_ =	sfence.sel $0xFFFF  }
0xc1: {  	[dreg:$0x0] =	wrdreg $0xFFFFFFFF;
	(pc) =	sbr.abs _section_cstart, $3  }
0xc2: {  	[dreg:$0x1] =	wrdreg $0xFFFFFFFF  }
0xc3: {  	_ =	task.clear_ibuf [dreg:s8], $0x2FFFF;
	_ =	strace $0x9FFFFFFF  }
0xc4: {  	(tm) =	ssettm $0x7FFFFFFF  }
0xc5: {  	_ =	shalt  }
tec
execute0_lowered:
.L_overlay_start_1:
0x0: {  	(tag) =	ssettag $0x1  }
0x1: {  	s0 =	rddreg [dreg:$0x0]  }
0x2: {  	s1 =	rddreg [dreg:$0x1]  }
0x3: {  	s3 =	rddreg [dreg:$0x2];
	s2 =	simm.s32 $0x0;
	s4 =	srdreg.scid  }
0x4: {  	s8 =	stileid.u32;
	s19 =	simm.s32 $0x1;
	s20 =	simm.s32 $0x10  }
0x5: {  	s28 =	simm.s32 $0x1280;
	s30 =	simm.s32 $0x3;
	s31 =	simm.s32 $0x1250  }
0x6: {  	s16 =	simm.s32 $0x4;
	s17 =	simm.s32 $0x5;
	s18 =	simm.s32 $0x6  }
0x7: {  	s29 =	simm.s32 $0x0;
	[smem:$0x7FF] =	sst s2;
	s5 =	sadd.s32 $0x42600, s0  }
0x8: {  	s6 =	sand.u32 $0x1, s4;
	s4 =	sadd.s32 $0x2600, s0;
	s8 =	sshll.u32 s8, $0x1  }
0x9: {  	s12 =	sadd.s32 $0x42E00, s0;
	s21 =	sadd.s32 $0x43000, s0;
	s0 =	sadd.s32 $0x42A00, s0  }
0xa: {  	_ =	strace $0x80000047;
	s7 =	ssub.s32 $0x2, s6;
	s6 =	sor.u32 s6, s8  }
0xb: {  	s9 =	sshrl.u32 s7, $0x1;
	s10 =	sshllo.u32 s6, $0x1;
	s22 =	sshll.u32 s6, $0x5  }
0xc: {  	s23 =	sshll.u32 s6, $0x9;
	s24 =	sshll.u32 s6, $0x2;
	s7 =	ssub.s32 s7, s9  }
0xd: {  	v0 =	vlaneseq.u32;
	s11 =	sshll.u32 s10, $0x4;
	s13 =	sadd.s32 s5, s22;
	s9 =	sadd.s32 s22, s0  }
0xe: {  	vm0 =	vmmov $0xffff;
	v19 =	vimm.f32 $0.0e+00;
	v3 =	vmul.u32 $0xFFFFFFFF, v0;
	s25 =	sshll.u32 s10, $0x8;
	s26 =	sshll.u32 s10, $0x1;
	[dreg:$0x4] =	wrdreg s13  }
0xf: {  	v4 =	vor.u32 $0x10, v0;
	v5 =	vor.u32 $0x20, v0;
	v6 =	vor.u32 $0x30, v0;
	s10 =	sadd.s32 s12, s24;
	s22 =	simm.s32 $0x240;
	[dreg:$0x5] =	wrdreg s9  }
0x10: {  	v7 =	vor.u32 $0x40, v0;
	v8 =	vor.u32 $0x50, v0;
	v9 =	vor.u32 $0x60, v0;
	s5 =	sadd.s32 s5, s11;
	s0 =	sadd.s32 s11, s0;
	s9 =	sadd.s32 s3, s24  }
0x11: {  	v10 =	vor.u32 $0x70, v0;
	v11 =	vor.u32 $0x80, v0;
	v12 =	vor.u32 $0x90, v0;
	s11 =	sadd.s32 s3, s26;
	s12 =	sadd.s32 s12, s26;
	s13 =	sadd.s32 s21, s23  }
0x12: {  	v13 =	vor.u32 $0xA0, v0;
	v14 =	vor.u32 $0xB0, v0;
	v1 =	vmov s23;
	s14 =	sadd.s32 s21, s25;
	s15 =	smax.u32 s7, $0x1;
	s23 =	simm.s32 $0x230  }
0x13: {  	v15 =	vor.u32 $0xC0, v0;
	v16 =	vor.u32 $0xD0, v0;
	v2 =	vmov s25;
	s24 =	simm.s32 $0xA40;
	s25 =	simm.s32 $0x2;
	[dreg:$0x6] =	wrdreg s5  }
0x14: {  	v17 =	vor.u32 $0xE0, v0;
	v18 =	vor.u32 $0xF0, v0;
	v3 =	vadd.s32 $0xF, v3;
	s26 =	simm.s32 $0x1240;
	[dreg:$0x7] =	wrdreg s0;
	s0 =	simm.s32 $0x1A80  }
.LBB2_1:
0x15: {  	s3 =	rddreg [dreg:$0x4]  }
0x16: {  	[tilespmem:s2], [sflag:$0x1] =	stream.linear.gather [hbm4b:s3+s2], $0x80, $0x38;
	[tilespmem:$0x2280] =	vst v63  }
0x17: {  	s21 =	rddreg [dreg:$0x5];
	s5 =	simm.s32 $0x80  }
0x18: {  	[tilespmem:s5], [sflag:$0x1] =	stream.linear.gather [hbm4b:s21+s2], $0x80, $0x38;
	[tilespmem:$0x2280] =	vst v63  }
0x19: {  	s6 =	rddreg [dreg:$0x6];
	s7 =	simm.s32 $0x100  }
0x1a: {  	[tilespmem:s7], [sflag:$0x1] =	stream.linear.gather [hbm4b:s6+s2], $0x80, $0x38;
	[tilespmem:$0x2280] =	vst v63  }
0x1b: {  	s8 =	rddreg [dreg:$0x7];
	s21 =	simm.s32 $0x180  }
0x1c: {  	[tilespmem:s21], [sflag:$0x1] =	stream.linear.gather [hbm4b:s8+s2], $0x80, $0x38;
	[tilespmem:$0x2280] =	vst v63  }
0x1d: {  	_ =	swait.ge [sflag:s19], $0x80  }
0x1e: {  	[sflag:s19] =	ssyncset.done $0x0  }
0x1f: {  	[sflag:s19] =	ssyncadd.s32 $0xFFFFFF80  }
0x20: {  	_ =	swait.ge [sflag:s19], $0x80  }
0x21: {  	[sflag:s19] =	ssyncset.done $0x0  }
0x22: {  	[sflag:s19] =	ssyncadd.s32 $0xFFFFFF80  }
0x23: {  	_ =	swait.ge [sflag:s19], $0x80  }
0x24: {  	[sflag:s19] =	ssyncset.done $0x0  }
0x25: {  	[sflag:s19] =	ssyncadd.s32 $0xFFFFFF80  }
0x26: {  	_ =	swait.ge [sflag:s19], $0x80  }
0x27: {  	[sflag:s19] =	ssyncset.done $0x0  }
0x28: {  	[sflag:s19] =	ssyncadd.s32 $0xFFFFFF80  }
0x29: {  	v20 =	vld [tilespmem:$0x0];
	_ =	sdelay $0x4  }
0x2a: {  	(xrf1) =	vsort.ascd.msk.f32 $0xffff, v20, v0;
	_ =	sdelay $0xd  }
0x2b: {  	v20, v21, _ =	vpop (xrf1)  }
0x2c: {  	v20 =	vperm.xlane v20, v3  }
0x2d: {  	v22 =	vld [tilespmem:$0x10]  }
0x2e: {  	v21 =	vperm.xlane v21, v3;
	vm1 =	veq.f32 v20, v20  }
0x2f: {  	vm1 =	vmand vm1, vm0  }
0x30: {  	v21 =	vnsel vm1, $0x0, v21  }
0x31: {  	(xrf1) =	vsort.ascd.msk.f32 $0xffff, v20, v21  }
0x32: {  	(xrf1) =	vsort.ascd.msk.f32 $0xffff, v22, v4;
	_ =	sdelay $0xc  }
0x33: {  	v20, v21, _ =	vpop (xrf1)  }
0x34: {  	v22, v23, _ =	vpop (xrf1)  }
0x35: {  	v24 =	vld [tilespmem:$0x20];
	v22 =	vperm.xlane v22, v3  }
0x36: {  	v23 =	vperm.xlane v23, v3  }
0x37: {  	vm1 =	vge.f32 v22, v20  }
0x38: {  	v20 =	vmax.f32 v22, v20;
	v21 =	vsel vm1, v23, v21  }
0x39: {  	(xrf1) =	vsort.ascd.msk.f32 $0xffff, v20, v21  }
0x3a: {  	(xrf1) =	vsort.ascd.msk.f32 $0xffff, v24, v5;
	_ =	sdelay $0xc  }
0x3b: {  	v20, v21, _ =	vpop (xrf1)  }
0x3c: {  	v22, v23, _ =	vpop (xrf1)  }
0x3d: {  	v24 =	vld [tilespmem:$0x30];
	v22 =	vperm.xlane v22, v3  }
0x3e: {  	v23 =	vperm.xlane v23, v3  }
0x3f: {  	vm1 =	vge.f32 v22, v20  }
0x40: {  	v20 =	vmax.f32 v22, v20;
	v21 =	vsel vm1, v23, v21  }
0x41: {  	(xrf1) =	vsort.ascd.msk.f32 $0xffff, v20, v21  }
0x42: {  	(xrf1) =	vsort.ascd.msk.f32 $0xffff, v24, v6;
	_ =	sdelay $0xc  }
0x43: {  	v20, v21, _ =	vpop (xrf1)  }
0x44: {  	v22, v23, _ =	vpop (xrf1)  }
0x45: {  	v24 =	vld [tilespmem:$0x40];
	v22 =	vperm.xlane v22, v3  }
0x46: {  	v23 =	vperm.xlane v23, v3  }
0x47: {  	vm1 =	vge.f32 v22, v20  }
0x48: {  	v20 =	vmax.f32 v22, v20;
	v21 =	vsel vm1, v23, v21  }
0x49: {  	(xrf1) =	vsort.ascd.msk.f32 $0xffff, v20, v21  }
0x4a: {  	(xrf1) =	vsort.ascd.msk.f32 $0xffff, v24, v7;
	_ =	sdelay $0xc  }
0x4b: {  	v20, v21, _ =	vpop (xrf1)  }
0x4c: {  	v22, v23, _ =	vpop (xrf1)  }
0x4d: {  	v24 =	vld [tilespmem:$0x50];
	v22 =	vperm.xlane v22, v3  }
0x4e: {  	v23 =	vperm.xlane v23, v3  }
0x4f: {  	vm1 =	vge.f32 v22, v20  }
0x50: {  	v20 =	vmax.f32 v22, v20;
	v21 =	vsel vm1, v23, v21  }
0x51: {  	(xrf1) =	vsort.ascd.msk.f32 $0xffff, v20, v21  }
0x52: {  	(xrf1) =	vsort.ascd.msk.f32 $0xffff, v24, v8;
	_ =	sdelay $0xc  }
0x53: {  	v20, v21, _ =	vpop (xrf1)  }
0x54: {  	v22, v23, _ =	vpop (xrf1)  }
0x55: {  	v24 =	vld [tilespmem:$0x60];
	v22 =	vperm.xlane v22, v3  }
0x56: {  	v23 =	vperm.xlane v23, v3  }
0x57: {  	vm1 =	vge.f32 v22, v20  }
0x58: {  	v20 =	vmax.f32 v22, v20;
	v21 =	vsel vm1, v23, v21  }
0x59: {  	(xrf1) =	vsort.ascd.msk.f32 $0xffff, v20, v21  }
0x5a: {  	(xrf1) =	vsort.ascd.msk.f32 $0xffff, v24, v9;
	_ =	sdelay $0xc  }
0x5b: {  	v20, v21, _ =	vpop (xrf1)  }
0x5c: {  	v22, v23, _ =	vpop (xrf1)  }
0x5d: {  	v24 =	vld [tilespmem:$0x70];
	v22 =	vperm.xlane v22, v3  }
0x5e: {  	v23 =	vperm.xlane v23, v3  }
0x5f: {  	vm1 =	vge.f32 v22, v20  }
0x60: {  	v20 =	vmax.f32 v22, v20;
	v21 =	vsel vm1, v23, v21  }
0x61: {  	(xrf1) =	vsort.ascd.msk.f32 $0xffff, v20, v21  }
0x62: {  	(xrf1) =	vsort.ascd.msk.f32 $0xffff, v24, v10;
	_ =	sdelay $0xc  }
0x63: {  	v20, v21, _ =	vpop (xrf1)  }
0x64: {  	v22, v23, _ =	vpop (xrf1)  }
0x65: {  	v24 =	vld [tilespmem:$0x80];
	v22 =	vperm.xlane v22, v3  }
0x66: {  	v23 =	vperm.xlane v23, v3  }
0x67: {  	vm1 =	vge.f32 v22, v20  }
0x68: {  	v20 =	vmax.f32 v22, v20;
	v21 =	vsel vm1, v23, v21  }
0x69: {  	(xrf1) =	vsort.ascd.msk.f32 $0xffff, v20, v21  }
0x6a: {  	(xrf1) =	vsort.ascd.msk.f32 $0xffff, v24, v11;
	_ =	sdelay $0xc  }
0x6b: {  	v20, v21, _ =	vpop (xrf1)  }
0x6c: {  	v22, v23, _ =	vpop (xrf1)  }
0x6d: {  	v24 =	vld [tilespmem:$0x90];
	v22 =	vperm.xlane v22, v3  }
0x6e: {  	v23 =	vperm.xlane v23, v3  }
0x6f: {  	vm1 =	vge.f32 v22, v20  }
0x70: {  	v20 =	vmax.f32 v22, v20;
	v21 =	vsel vm1, v23, v21  }
0x71: {  	(xrf1) =	vsort.ascd.msk.f32 $0xffff, v20, v21  }
0x72: {  	(xrf1) =	vsort.ascd.msk.f32 $0xffff, v24, v12;
	_ =	sdelay $0xc  }
0x73: {  	v20, v21, _ =	vpop (xrf1)  }
0x74: {  	v22, v23, _ =	vpop (xrf1)  }
0x75: {  	v24 =	vld [tilespmem:$0xA0];
	v22 =	vperm.xlane v22, v3  }
0x76: {  	v23 =	vperm.xlane v23, v3  }
0x77: {  	vm1 =	vge.f32 v22, v20  }
0x78: {  	v20 =	vmax.f32 v22, v20;
	v21 =	vsel vm1, v23, v21  }
0x79: {  	(xrf1) =	vsort.ascd.msk.f32 $0xffff, v20, v21  }
0x7a: {  	(xrf1) =	vsort.ascd.msk.f32 $0xffff, v24, v13;
	_ =	sdelay $0xc  }
0x7b: {  	v20, v21, _ =	vpop (xrf1)  }
0x7c: {  	v22, v23, _ =	vpop (xrf1)  }
0x7d: {  	v24 =	vld [tilespmem:$0xB0];
	v22 =	vperm.xlane v22, v3  }
0x7e: {  	v23 =	vperm.xlane v23, v3  }
0x7f: {  	vm1 =	vge.f32 v22, v20  }
0x80: {  	v20 =	vmax.f32 v22, v20;
	v21 =	vsel vm1, v23, v21  }
0x81: {  	(xrf1) =	vsort.ascd.msk.f32 $0xffff, v20, v21  }
0x82: {  	(xrf1) =	vsort.ascd.msk.f32 $0xffff, v24, v14;
	_ =	sdelay $0xc  }
0x83: {  	v20, v21, _ =	vpop (xrf1)  }
0x84: {  	v22, v23, _ =	vpop (xrf1)  }
0x85: {  	v24 =	vld [tilespmem:$0xC0];
	v22 =	vperm.xlane v22, v3  }
0x86: {  	v23 =	vperm.xlane v23, v3  }
0x87: {  	vm1 =	vge.f32 v22, v20  }
0x88: {  	v20 =	vmax.f32 v22, v20;
	v21 =	vsel vm1, v23, v21  }
0x89: {  	(xrf1) =	vsort.ascd.msk.f32 $0xffff, v20, v21  }
0x8a: {  	(xrf1) =	vsort.ascd.msk.f32 $0xffff, v24, v15;
	_ =	sdelay $0xc  }
0x8b: {  	v20, v21, _ =	vpop (xrf1)  }
0x8c: {  	v22, v23, _ =	vpop (xrf1)  }
0x8d: {  	v24 =	vld [tilespmem:$0xD0];
	v22 =	vperm.xlane v22, v3  }
0x8e: {  	v23 =	vperm.xlane v23, v3  }
0x8f: {  	vm1 =	vge.f32 v22, v20  }
0x90: {  	v20 =	vmax.f32 v22, v20;
	v21 =	vsel vm1, v23, v21  }
0x91: {  	(xrf1) =	vsort.ascd.msk.f32 $0xffff, v20, v21  }
0x92: {  	(xrf1) =	vsort.ascd.msk.f32 $0xffff, v24, v16;
	_ =	sdelay $0xc  }
0x93: {  	v20, v21, _ =	vpop (xrf1)  }
0x94: {  	v22, v23, _ =	vpop (xrf1)  }
0x95: {  	v24 =	vld [tilespmem:$0xE0];
	v22 =	vperm.xlane v22, v3  }
0x96: {  	v23 =	vperm.xlane v23, v3  }
0x97: {  	vm1 =	vge.f32 v22, v20  }
0x98: {  	v20 =	vmax.f32 v22, v20;
	v21 =	vsel vm1, v23, v21  }
0x99: {  	(xrf1) =	vsort.ascd.msk.f32 $0xffff, v20, v21  }
0x9a: {  	(xrf1) =	vsort.ascd.msk.f32 $0xffff, v24, v17;
	_ =	sdelay $0xc  }
0x9b: {  	v20, v21, _ =	vpop (xrf1)  }
0x9c: {  	v22, v23, _ =	vpop (xrf1)  }
0x9d: {  	v24 =	vld [tilespmem:$0xF0];
	v22 =	vperm.xlane v22, v3  }
0x9e: {  	v23 =	vperm.xlane v23, v3  }
0x9f: {  	vm1 =	vge.f32 v22, v20  }
0xa0: {  	v20 =	vmax.f32 v22, v20;
	v21 =	vsel vm1, v23, v21  }
0xa1: {  	(xrf1) =	vsort.ascd.msk.f32 $0xffff, v20, v21  }
0xa2: {  	(xrf1) =	vsort.ascd.msk.f32 $0xffff, v24, v18;
	_ =	sdelay $0xc  }
0xa3: {  	v20, v21, _ =	vpop (xrf1)  }
0xa4: {  	v22, v23, _ =	vpop (xrf1)  }
0xa5: {  	v22 =	vperm.xlane v22, v3  }
0xa6: {  	v23 =	vperm.xlane v23, v3  }
0xa7: {  	vm1 =	vge.f32 v22, v20  }
0xa8: {  	v20 =	vmax.f32 v22, v20;
	v21 =	vsel vm1, v23, v21  }
0xa9: {  	(xrf1) =	vsort.ascd.msk.f32 $0xffff, v20, v21;
	_ =	sdelay $0xd  }
0xaa: {  	v20, v21, _ =	vpop (xrf1)  }
0xab: {  	[tilespmem:$0x200] =	vst v21;
	v21 =	vadd.s32 v1, v21  }
0xac: {  	s5 =	simm.s32 $0x220;
	[tilespmem:$0x220] =	vst v21  }
0xad: {  	[tilespmem:s22], [sflag:$0x2] =	stream.indirect.gather [hbm4b:s4+s20], $0x80, s5, s20, $0xb8;
	[tilespmem:$0x2280] =	vst v63  }
0xae: {  	_ = 	snop  }
0xaf: {  	[tilespmem:s22], [sflag:$0x2] =	stream.indirect.gather [hbm4b:s4+s20], $0x80, s5, s20, $0xb8;
	[tilespmem:$0x2280] =	vst v63  }
0xb0: {  	v21 =	vld [tilespmem:$0x100];
	_ =	sdelay $0x4  }
0xb1: {  	(xrf1) =	vsort.ascd.msk.f32 $0xffff, v21, v0;
	_ =	sdelay $0xd  }
0xb2: {  	v21, v22, _ =	vpop (xrf1)  }
0xb3: {  	v21 =	vperm.xlane v21, v3  }
0xb4: {  	v23 =	vld [tilespmem:$0x110]  }
0xb5: {  	v22 =	vperm.xlane v22, v3;
	vm1 =	veq.f32 v21, v21  }
0xb6: {  	vm1 =	vmand vm1, vm0  }
0xb7: {  	v22 =	vnsel vm1, $0x0, v22  }
0xb8: {  	(xrf1) =	vsort.ascd.msk.f32 $0xffff, v21, v22  }
0xb9: {  	(xrf1) =	vsort.ascd.msk.f32 $0xffff, v23, v4;
	_ =	sdelay $0xc  }
0xba: {  	v21, v22, _ =	vpop (xrf1)  }
0xbb: {  	v23, v24, _ =	vpop (xrf1)  }
0xbc: {  	v25 =	vld [tilespmem:$0x120];
	v23 =	vperm.xlane v23, v3  }
0xbd: {  	v24 =	vperm.xlane v24, v3  }
0xbe: {  	vm1 =	vge.f32 v23, v21  }
0xbf: {  	v21 =	vmax.f32 v23, v21;
	v22 =	vsel vm1, v24, v22  }
0xc0: {  	(xrf1) =	vsort.ascd.msk.f32 $0xffff, v21, v22  }
0xc1: {  	(xrf1) =	vsort.ascd.msk.f32 $0xffff, v25, v5;
	_ =	sdelay $0xc  }
0xc2: {  	v21, v22, _ =	vpop (xrf1)  }
0xc3: {  	v23, v24, _ =	vpop (xrf1)  }
0xc4: {  	v25 =	vld [tilespmem:$0x130];
	v23 =	vperm.xlane v23, v3  }
0xc5: {  	v24 =	vperm.xlane v24, v3  }
0xc6: {  	vm1 =	vge.f32 v23, v21  }
0xc7: {  	v21 =	vmax.f32 v23, v21;
	v22 =	vsel vm1, v24, v22  }
0xc8: {  	(xrf1) =	vsort.ascd.msk.f32 $0xffff, v21, v22  }
0xc9: {  	(xrf1) =	vsort.ascd.msk.f32 $0xffff, v25, v6;
	_ =	sdelay $0xc  }
0xca: {  	v21, v22, _ =	vpop (xrf1)  }
0xcb: {  	v23, v24, _ =	vpop (xrf1)  }
0xcc: {  	v25 =	vld [tilespmem:$0x140];
	v23 =	vperm.xlane v23, v3  }
0xcd: {  	v24 =	vperm.xlane v24, v3  }
0xce: {  	vm1 =	vge.f32 v23, v21  }
0xcf: {  	v21 =	vmax.f32 v23, v21;
	v22 =	vsel vm1, v24, v22  }
0xd0: {  	(xrf1) =	vsort.ascd.msk.f32 $0xffff, v21, v22  }
0xd1: {  	(xrf1) =	vsort.ascd.msk.f32 $0xffff, v25, v7;
	_ =	sdelay $0xc  }
0xd2: {  	v21, v22, _ =	vpop (xrf1)  }
0xd3: {  	v23, v24, _ =	vpop (xrf1)  }
0xd4: {  	v25 =	vld [tilespmem:$0x150];
	v23 =	vperm.xlane v23, v3  }
0xd5: {  	v24 =	vperm.xlane v24, v3  }
0xd6: {  	vm1 =	vge.f32 v23, v21  }
0xd7: {  	v21 =	vmax.f32 v23, v21;
	v22 =	vsel vm1, v24, v22  }
0xd8: {  	(xrf1) =	vsort.ascd.msk.f32 $0xffff, v21, v22  }
0xd9: {  	(xrf1) =	vsort.ascd.msk.f32 $0xffff, v25, v8;
	_ =	sdelay $0xc  }
0xda: {  	v21, v22, _ =	vpop (xrf1)  }
0xdb: {  	v23, v24, _ =	vpop (xrf1)  }
0xdc: {  	v25 =	vld [tilespmem:$0x160];
	v23 =	vperm.xlane v23, v3  }
0xdd: {  	v24 =	vperm.xlane v24, v3  }
0xde: {  	vm1 =	vge.f32 v23, v21  }
0xdf: {  	v21 =	vmax.f32 v23, v21;
	v22 =	vsel vm1, v24, v22  }
0xe0: {  	(xrf1) =	vsort.ascd.msk.f32 $0xffff, v21, v22  }
0xe1: {  	(xrf1) =	vsort.ascd.msk.f32 $0xffff, v25, v9;
	_ =	sdelay $0xc  }
0xe2: {  	v21, v22, _ =	vpop (xrf1)  }
0xe3: {  	v23, v24, _ =	vpop (xrf1)  }
0xe4: {  	v25 =	vld [tilespmem:$0x170];
	v23 =	vperm.xlane v23, v3  }
0xe5: {  	v24 =	vperm.xlane v24, v3  }
0xe6: {  	vm1 =	vge.f32 v23, v21  }
0xe7: {  	v21 =	vmax.f32 v23, v21;
	v22 =	vsel vm1, v24, v22  }
0xe8: {  	(xrf1) =	vsort.ascd.msk.f32 $0xffff, v21, v22  }
0xe9: {  	(xrf1) =	vsort.ascd.msk.f32 $0xffff, v25, v10;
	_ =	sdelay $0xc  }
0xea: {  	v21, v22, _ =	vpop (xrf1)  }
0xeb: {  	v23, v24, _ =	vpop (xrf1)  }
0xec: {  	v25 =	vld [tilespmem:$0x180];
	v23 =	vperm.xlane v23, v3  }
0xed: {  	v24 =	vperm.xlane v24, v3  }
0xee: {  	vm1 =	vge.f32 v23, v21  }
0xef: {  	v21 =	vmax.f32 v23, v21;
	v22 =	vsel vm1, v24, v22  }
0xf0: {  	(xrf1) =	vsort.ascd.msk.f32 $0xffff, v21, v22  }
0xf1: {  	(xrf1) =	vsort.ascd.msk.f32 $0xffff, v25, v11;
	_ =	sdelay $0xc  }
0xf2: {  	v21, v22, _ =	vpop (xrf1)  }
0xf3: {  	v23, v24, _ =	vpop (xrf1)  }
0xf4: {  	v25 =	vld [tilespmem:$0x190];
	v23 =	vperm.xlane v23, v3  }
0xf5: {  	v24 =	vperm.xlane v24, v3  }
0xf6: {  	vm1 =	vge.f32 v23, v21  }
0xf7: {  	v21 =	vmax.f32 v23, v21;
	v22 =	vsel vm1, v24, v22  }
0xf8: {  	(xrf1) =	vsort.ascd.msk.f32 $0xffff, v21, v22  }
0xf9: {  	(xrf1) =	vsort.ascd.msk.f32 $0xffff, v25, v12;
	_ =	sdelay $0xc  }
0xfa: {  	v21, v22, _ =	vpop (xrf1)  }
0xfb: {  	v23, v24, _ =	vpop (xrf1)  }
0xfc: {  	v25 =	vld [tilespmem:$0x1A0];
	v23 =	vperm.xlane v23, v3  }
0xfd: {  	v24 =	vperm.xlane v24, v3  }
0xfe: {  	vm1 =	vge.f32 v23, v21  }
0xff: {  	v21 =	vmax.f32 v23, v21;
	v22 =	vsel vm1, v24, v22  }
0x100: {  	(xrf1) =	vsort.ascd.msk.f32 $0xffff, v21, v22  }
0x101: {  	(xrf1) =	vsort.ascd.msk.f32 $0xffff, v25, v13;
	_ =	sdelay $0xc  }
0x102: {  	v21, v22, _ =	vpop (xrf1)  }
0x103: {  	v23, v24, _ =	vpop (xrf1)  }
0x104: {  	v25 =	vld [tilespmem:$0x1B0];
	v23 =	vperm.xlane v23, v3  }
0x105: {  	v24 =	vperm.xlane v24, v3  }
0x106: {  	vm1 =	vge.f32 v23, v21  }
0x107: {  	v21 =	vmax.f32 v23, v21;
	v22 =	vsel vm1, v24, v22  }
0x108: {  	(xrf1) =	vsort.ascd.msk.f32 $0xffff, v21, v22  }
0x109: {  	(xrf1) =	vsort.ascd.msk.f32 $0xffff, v25, v14;
	_ =	sdelay $0xc  }
0x10a: {  	v21, v22, _ =	vpop (xrf1)  }
0x10b: {  	v23, v24, _ =	vpop (xrf1)  }
0x10c: {  	v25 =	vld [tilespmem:$0x1C0];
	v23 =	vperm.xlane v23, v3  }
0x10d: {  	v24 =	vperm.xlane v24, v3  }
0x10e: {  	vm1 =	vge.f32 v23, v21  }
0x10f: {  	v21 =	vmax.f32 v23, v21;
	v22 =	vsel vm1, v24, v22  }
0x110: {  	(xrf1) =	vsort.ascd.msk.f32 $0xffff, v21, v22  }
0x111: {  	(xrf1) =	vsort.ascd.msk.f32 $0xffff, v25, v15;
	_ =	sdelay $0xc  }
0x112: {  	v21, v22, _ =	vpop (xrf1)  }
0x113: {  	v23, v24, _ =	vpop (xrf1)  }
0x114: {  	v25 =	vld [tilespmem:$0x1D0];
	v23 =	vperm.xlane v23, v3  }
0x115: {  	v24 =	vperm.xlane v24, v3  }
0x116: {  	vm1 =	vge.f32 v23, v21  }
0x117: {  	v21 =	vmax.f32 v23, v21;
	v22 =	vsel vm1, v24, v22  }
0x118: {  	(xrf1) =	vsort.ascd.msk.f32 $0xffff, v21, v22  }
0x119: {  	(xrf1) =	vsort.ascd.msk.f32 $0xffff, v25, v16;
	_ =	sdelay $0xc  }
0x11a: {  	v21, v22, _ =	vpop (xrf1)  }
0x11b: {  	v23, v24, _ =	vpop (xrf1)  }
0x11c: {  	v25 =	vld [tilespmem:$0x1E0];
	v23 =	vperm.xlane v23, v3  }
0x11d: {  	v24 =	vperm.xlane v24, v3  }
0x11e: {  	vm1 =	vge.f32 v23, v21  }
0x11f: {  	v21 =	vmax.f32 v23, v21;
	v22 =	vsel vm1, v24, v22  }
0x120: {  	(xrf1) =	vsort.ascd.msk.f32 $0xffff, v21, v22  }
0x121: {  	(xrf1) =	vsort.ascd.msk.f32 $0xffff, v25, v17;
	_ =	sdelay $0xc  }
0x122: {  	v21, v22, _ =	vpop (xrf1)  }
0x123: {  	v23, v24, _ =	vpop (xrf1)  }
0x124: {  	v25 =	vld [tilespmem:$0x1F0];
	v23 =	vperm.xlane v23, v3  }
0x125: {  	v24 =	vperm.xlane v24, v3  }
0x126: {  	vm1 =	vge.f32 v23, v21  }
0x127: {  	v21 =	vmax.f32 v23, v21;
	v22 =	vsel vm1, v24, v22  }
0x128: {  	(xrf1) =	vsort.ascd.msk.f32 $0xffff, v21, v22  }
0x129: {  	(xrf1) =	vsort.ascd.msk.f32 $0xffff, v25, v18;
	_ =	sdelay $0xc  }
0x12a: {  	v21, v22, _ =	vpop (xrf1)  }
0x12b: {  	v23, v24, _ =	vpop (xrf1)  }
0x12c: {  	v23 =	vperm.xlane v23, v3  }
0x12d: {  	v24 =	vperm.xlane v24, v3  }
0x12e: {  	vm1 =	vge.f32 v23, v21  }
0x12f: {  	v21 =	vmax.f32 v23, v21;
	v22 =	vsel vm1, v24, v22  }
0x130: {  	(xrf1) =	vsort.ascd.msk.f32 $0xffff, v21, v22;
	_ =	sdelay $0x4  }
0x131: {  	v20 =	vsub.f32 $0.0e+00, v20;
	_ =	sdelay $0x1  }
0x132: {  	(xrf0) =	vmax.scan.msk.f32 $0xffff, v20;
	_ =	sdelay $0x5  }
0x133: {  	v20, _, _ =	vpop (xrf0)  }
0x134: {  	v20 =	vperm.xlane v20, v3;
	v21, v22, _ =	vpop (xrf1)  }
0x135: {  	v21 =	vsub.f32 $0.0e+00, v21  }
0x136: {  	(xrf0) =	vmax.scan.msk.f32 $0xffff, v20  }
0x137: {  	(xrf0) =	vmax.scan.msk.f32 $0xffff, v21  }
0x138: {  	s6 =	simm.s32 $0x0  }
0x139: {  	v24 =	vmov s6;
	[tilespmem:$0x210] =	vst v22;
	v20 =	vadd.s32 v2, v22  }
0x13a: {  	s3 =	sand.u32 $0x40, s2;
	[tilespmem:$0x230] =	vst v20;
	v20 =	vshll.u32 v24, $0x7  }
0x13b: {  	[tilespmem:s24], [sflag:$0x3] =	stream.indirect.gather [hbm4b:s4+s20], $0x80, s23, s20, $0xb8;
	v21 =	vor.u32 s3, v20;
	[tilespmem:$0x2280] =	vst v63  }
0x13c: {  	v23, _, _ =	vpop (xrf0);
	v21 =	vor.u32 v0, v21  }
0x13d: {  	[tilespmem:s24], [sflag:$0x3] =	stream.indirect.gather [hbm4b:s4+s20], $0x80, s23, s20, $0xb8;
	v22, _, _ =	vpop (xrf0);
	[tilespmem:$0x2280] =	vst v63  }
0x13e: {  	_ =	swait.ge [sflag:s25], $0x800  }
0x13f: {  	[sflag:s25] =	ssyncset.done $0x0  }
0x140: {  	[sflag:s25] =	ssyncadd.s32 $0xFFFFF800  }
0x141: {  	v25 =	vld.idx.msk [tilespmem:v21+s22+$0x0], $0xffff;
	_ =	sdelay $0x2  }
0x142: {  	v21 =	vsub.f32 $0.0e+00, v23;
	_ =	sdelay $0x1  }
0x143: {  	vm1 =	vge.f32 v25, v21  }
0x144: {  	v23 =	vsel vm1, $0x3F800000, v19  }
0x145: {  	(xrf0) =	vmax.scan.msk.f32 $0xffff, v23;
	_ =	sdelay $0x3  }
0x146: {  	s6 =	sor.u32 $0x10, s3;
	v20 =	vor.u32 v0, v20  }
0x147: {  	v23 =	vor.u32 s6, v20  }
0x148: {  	v26, _, _ =	vpop (xrf0)  }
0x149: {  	(v2sf) =	vpush v26, $0xF;
	_ =	sdelay $0x2  }
0x14a: {  	v23 =	vld.idx.msk [tilespmem:v23+s22+$0x0], $0xffff;
	_ =	sdelay $0x4  }
0x14b: {  	vm1 =	vge.f32 v23, v21  }
0x14c: {  	v26 =	vsel vm1, $0x3F800000, v19  }
0x14d: {  	(xrf0) =	vmax.scan.msk.f32 $0xffff, v26;
	_ =	sdelay $0x4  }
0x14e: {  	s7 =	spop (v2sf)  }
0x14f: {  	s8 =	sor.u32 $0x20, s3;
	v26, _, _ =	vpop (xrf0);
	p0 =	sgt.f32 s7, $0.0e+00  }
0x150: {  	v27 =	vor.u32 s8, v20;
	(v2sf) =	vpush v26, $0xF  }
0x151: {  	s5 =	simm.s32 @p0 $0x200  }
0x152: {  	v26 =	vld.idx.msk @p0 [tilespmem:v24+s5+$0x0], $0xffff;
	_ =	sdelay $0x2  }
0x153: {  	v27 =	vld.idx.msk [tilespmem:v27+s22+$0x0], $0xffff;
	_ =	sdelay $0x1  }
0x154: {  	v28 =	vmov s3;
	v26 =	vshll.u32 @p0 v26, $0x7  }
0x155: {  	v29 =	vlaneseq.u32 @p0;
	v26 =	vor.u32 @p0 v28, v26  }
0x156: {  	v26 =	vor.u32 @p0 v29, v26  }
0x157: {  	vm1 =	vge.f32 v27, v21;
	(xrf1) =	vsort.ascd.msk.f32 @p0 $0xffff, v25, v26  }
0x158: {  	v25 =	vsel vm1, $0x3F800000, v19  }
0x159: {  	(xrf0) =	vmax.scan.msk.f32 $0xffff, v25;
	_ =	sdelay $0x2  }
0x15a: {  	s21 =	spop (v2sf)  }
0x15b: {  	p1 =	sgt.f32 s21, $0.0e+00  }
0x15c: {  	s7 =	sor.u32 $0x30, s3  }
0x15d: {  	v25 =	vor.u32 s7, v20;
	s3 =	simm.s32 @p1 $0x200;
	v20, _, _ =	vpop (xrf0)  }
0x15e: {  	v26 =	vld.idx.msk @p1 [tilespmem:v24+s3+$0x0], $0xffff;
	(v2sf) =	vpush v20, $0xF  }
0x15f: {  	s5 =	simm.s32 $0x0  }
0x160: {  	s3 =	simm.s32 $0x40;
	v20 =	vmov s5  }
0x161: {  	v28 =	vmul.u32 @p0 $0xFFFFFFFF, v29;
	s5 =	sand.u32 $0x40, s3;
	v29 =	vshll.u32 v20, $0x7  }
0x162: {  	v30 =	vmov s6;
	v25 =	vld.idx.msk [tilespmem:v25+s22+$0x0], $0xffff;
	v31 =	vor.u32 s5, v29  }
0x163: {  	v28 =	vadd.s32 @p0 $0xF, v28;
	v26 =	vshll.u32 @p1 v26, $0x7;
	v31 =	vor.u32 v0, v31;
	v32, v33, _ =	vpop @p0 (xrf1)  }
0x164: {  	v26 =	vor.u32 @p1 v30, v26;
	v30 =	vlaneseq.u32 @p1;
	v32 =	vperm.xlane @p0 v32, v28  }
0x165: {  	v34 =	vimm.f32 $-Inf;
	v26 =	vor.u32 @p1 v30, v26;
	v28 =	vperm.xlane @p0 v33, v28  }
0x166: {  	(xrf1) =	vsort.ascd.msk.f32 @p1 $0xffff, v23, v26;
	v33 =	vimm.s32 $0x0;
	vm1 =	vge.f32 @p0 v32, v34  }
0x167: {  	v26 =	vmax.f32 @p0 v32, v34;
	v23 =	vsel @p0 vm1, v28, v33;
	vm1 =	vge.f32 v25, v21  }
0x168: {  	v28 =	vsel vm1, $0x3F800000, v19;
	(xrf1) =	vsort.ascd.msk.f32 @p0 $0xffff, v26, v23;
	v26 =	vld.idx.msk [tilespmem:v31+s22+$0x0], $0xffff  }
0x169: {  	(xrf0) =	vmax.scan.msk.f32 $0xffff, v28;
	_ =	sdelay $0x3  }
0x16a: {  	s21 =	spop (v2sf);
	vm1 =	vge.f32 v26, v21  }
0x16b: {  	p3 =	sgt.f32 s21, $0.0e+00;
	v23 =	vsel vm1, $0x3F800000, v19  }
0x16c: {  	v28, _, _ =	vpop (xrf0);
	(xrf0) =	vmax.scan.msk.f32 $0xffff, v23  }
0x16d: {  	s6 =	simm.s32 @p3 $0x200;
	(v2sf) =	vpush v28, $0xF  }
0x16e: {  	v23 =	vld.idx.msk @p3 [tilespmem:v24+s6+$0x0], $0xffff;
	_ =	sdelay $0x1  }
0x16f: {  	v29 =	vor.u32 v0, v29;
	v28 =	vmul.u32 @p1 $0xFFFFFFFF, v30;
	s6 =	sor.u32 $0x10, s5  }
0x170: {  	v30, v31, _ =	vpop @p1 (xrf1);
	v63 =	vor.u32 s6, v29  }
0x171: {  	v35 =	vmov s8;
	v37 =	vlaneseq.u32 @p3;
	v28 =	vadd.s32 @p1 $0xF, v28;
	v36, _, _ =	vpop (xrf0)  }
0x172: {  	v30 =	vperm.xlane @p1 v30, v28;
	v23 =	vshll.u32 @p3 v23, $0x7;
	(v2sf) =	vpush v36, $0xF;
	v36, v38, _ =	vpop @p0 (xrf1)  }
0x173: {  	v28 =	vperm.xlane @p1 v31, v28;
	v23 =	vor.u32 @p3 v35, v23;
	v34 =	vpsel p0, v36, v34  }
0x174: {  	v31 =	vpsel p0, v38, v33;
	v23 =	vor.u32 @p3 v37, v23;
	vm1 =	vge.f32 @p1 v30, v34  }
0x175: {  	v30 =	vmax.f32 @p1 v30, v34;
	(xrf1) =	vsort.ascd.msk.f32 @p3 $0xffff, v27, v23;
	v23 =	vld.idx.msk [tilespmem:v63+s22+$0x0], $0xffff;
	v28 =	vsel @p1 vm1, v28, v31  }
0x176: {  	(xrf1) =	vsort.ascd.msk.f32 @p1 $0xffff, v30, v28;
	_ =	sdelay $0x3  }
0x177: {  	vm1 =	vge.f32 v23, v21  }
0x178: {  	v27 =	vsel vm1, $0x3F800000, v19;
	s21 =	spop (v2sf)  }
0x179: {  	(xrf0) =	vmax.scan.msk.f32 $0xffff, v27;
	p2 =	sgt.f32 s21, $0.0e+00;
	_ =	sdelay $0x1  }
0x17a: {  	s8 =	simm.s32 @p2 $0x200  }
0x17b: {  	v24 =	vld.idx.msk @p2 [tilespmem:v24+s8+$0x0], $0xffff;
	_ =	sdelay $0x1  }
0x17c: {  	v27 =	vmul.u32 @p3 $0xFFFFFFFF, v37  }
0x17d: {  	s21 =	spop (v2sf);
	v28, _, _ =	vpop (xrf0)  }
0x17e: {  	v30 =	vmov s7;
	v27 =	vadd.s32 @p3 $0xF, v27;
	p0 =	sgt.f32 s21, $0.0e+00;
	v32, v33, _ =	vpop @p3 (xrf1);
	(v2sf) =	vpush v28, $0xF  }
0x17f: {  	v28 =	vperm.xlane @p3 v32, v27;
	v32 =	vlaneseq.u32 @p2;
	v24 =	vshll.u32 @p2 v24, $0x7;
	v35, v36, _ =	vpop @p1 (xrf1)  }
0x180: {  	v27 =	vperm.xlane @p3 v33, v27;
	s7 =	simm.s32 @p0 $0x200;
	v34 =	vpsel p1, v35, v34;
	v24 =	vor.u32 @p2 v30, v24  }
0x181: {  	v30 =	vld.idx.msk @p0 [tilespmem:v20+s7+$0x0], $0xffff;
	v31 =	vpsel p1, v36, v31;
	s7 =	sor.u32 $0x20, s5;
	vm1 =	vge.f32 @p3 v28, v34;
	v24 =	vor.u32 @p2 v32, v24  }
0x182: {  	v28 =	vmax.f32 @p3 v28, v34;
	v27 =	vsel @p3 vm1, v27, v31;
	(xrf1) =	vsort.ascd.msk.f32 @p2 $0xffff, v25, v24;
	v24 =	vor.u32 s7, v29  }
0x183: {  	(xrf1) =	vsort.ascd.msk.f32 @p3 $0xffff, v28, v27;
	_ =	sdelay $0x2  }
0x184: {  	v25 =	vmov s5;
	v27 =	vshll.u32 @p0 v30, $0x7  }
0x185: {  	v27 =	vor.u32 @p0 v25, v27;
	v25 =	vld.idx.msk [tilespmem:v24+s22+$0x0], $0xffff;
	_ =	sdelay $0x3  }
0x186: {  	v30 =	vlaneseq.u32 @p0  }
0x187: {  	v24 =	vor.u32 @p0 v30, v27;
	vm1 =	vge.f32 v25, v21  }
0x188: {  	v27 =	vmul.u32 @p2 $0xFFFFFFFF, v32;
	(xrf1) =	vsort.ascd.msk.f32 @p0 $0xffff, v26, v24;
	v26 =	vsel vm1, $0x3F800000, v19;
	_ =	sdelay $0x1  }
0x189: {  	s5 =	sor.u32 $0x30, s5  }
0x18a: {  	v24 =	vor.u32 s5, v29;
	v29 =	vadd.s32 @p2 $0xF, v27;
	(xrf0) =	vmax.scan.msk.f32 $0xffff, v26;
	v26, v28, _ =	vpop @p2 (xrf1)  }
0x18b: {  	v26 =	vperm.xlane @p2 v26, v29;
	v27, v32, _ =	vpop @p3 (xrf1)  }
0x18c: {  	v29 =	vperm.xlane @p2 v28, v29;
	v27 =	vpsel p3, v27, v34  }
0x18d: {  	v28 =	vpsel p3, v32, v31;
	vm1 =	vge.f32 @p2 v26, v27  }
0x18e: {  	v26 =	vmax.f32 @p2 v26, v27;
	v29 =	vsel @p2 vm1, v29, v28  }
0x18f: {  	(xrf1) =	vsort.ascd.msk.f32 @p2 $0xffff, v26, v29;
	_ =	sdelay $0x3  }
0x190: {  	s21 =	spop (v2sf)  }
0x191: {  	p1 =	sgt.f32 s21, $0.0e+00  }
0x192: {  	v31, _, _ =	vpop (xrf0)  }
0x193: {  	v24 =	vld.idx.msk [tilespmem:v24+s22+$0x0], $0xffff;
	s8 =	simm.s32 @p1 $0x200;
	(v2sf) =	vpush v31, $0xF  }
0x194: {  	v33 =	vld.idx.msk @p1 [tilespmem:v20+s8+$0x0], $0xffff;
	_ =	sdelay $0x2  }
0x195: {  	v32 =	vmul.u32 @p0 $0xFFFFFFFF, v30  }
0x196: {  	v22 =	vperm.xlane v22, v3;
	v30 =	vmov s6;
	vm1 =	vge.f32 v24, v21  }
0x197: {  	s6 =	simm.s32 $0x4;
	v29 =	vadd.s32 @p0 $0xF, v32;
	v32 =	vshll.u32 @p1 v33, $0x7;
	v26 =	vsel vm1, $0x3F800000, v19;
	v33, v31, _ =	vpop @p0 (xrf1)  }
.LBB2_2:
0x198: {  	s6 =	sadd.s32 $0x4, s6;
	v33 =	vperm.xlane @p0 v33, v29;
	v30 =	vor.u32 @p1 v30, v32;
	v32 =	vlaneseq.u32 @p1;
	v34, v35, _ =	vpop @p2 (xrf1)  }
0x199: {  	v29 =	vperm.xlane @p0 v31, v29;
	s8 =	sshrl.u32 s6, $0x3;
	v27 =	vpsel p2, v34, v27;
	v28 =	vpsel p2, v35, v28  }
0x19a: {  	s3 =	sadd.s32 $0x40, s3;
	v30 =	vor.u32 @p1 v32, v30;
	v31 =	vmov s8;
	vm1 =	vge.f32 @p0 v33, v27;
	(xrf0) =	vmax.scan.msk.f32 $0xffff, v26  }
0x19b: {  	s8 =	sand.u32 $0x40, s3;
	v26 =	vmax.f32 @p0 v33, v27;
	v34 =	vshll.u32 v31, $0x7;
	v29 =	vsel @p0 vm1, v29, v28;
	(xrf1) =	vsort.ascd.msk.f32 @p1 $0xffff, v23, v30  }
0x19c: {  	p3 =	slt.u32 s6, $0x7C;
	v23 =	vor.u32 s8, v34;
	(xrf1) =	vsort.ascd.msk.f32 @p0 $0xffff, v26, v29  }
0x19d: {  	v23 =	vor.u32 v0, v23;
	_ =	sdelay $0x2  }
0x19e: {  	s21 =	spop (v2sf);
	v29, _, _ =	vpop (xrf0)  }
0x19f: {  	p4 =	sgt.f32 s21, $0.0e+00  }
0x1a0: {  	v26 =	vld.idx.msk [tilespmem:v23+s22+$0x0], $0xffff  }
0x1a1: {  	s21 =	simm.s32 @p4 $0x200;
	(v2sf) =	vpush v29, $0xF  }
0x1a2: {  	v23 =	vld.idx.msk @p4 [tilespmem:v20+s21+$0x0], $0xffff;
	_ =	sdelay $0x2  }
0x1a3: {  	v29 =	vmul.u32 @p1 $0xFFFFFFFF, v32  }
0x1a4: {  	vm1 =	vge.f32 v26, v21  }
0x1a5: {  	v32 =	vmov s7;
	v29 =	vadd.s32 @p1 $0xF, v29;
	v30 =	vsel vm1, $0x3F800000, v19;
	v33, v35, _ =	vpop @p1 (xrf1)  }
0x1a6: {  	v36 =	vlaneseq.u32 @p4;
	v23 =	vshll.u32 @p4 v23, $0x7;
	v33 =	vperm.xlane @p1 v33, v29;
	v37, v38, _ =	vpop @p0 (xrf1)  }
0x1a7: {  	v29 =	vperm.xlane @p1 v35, v29;
	v23 =	vor.u32 @p4 v32, v23;
	v27 =	vpsel p0, v37, v27  }
0x1a8: {  	v28 =	vpsel p0, v38, v28;
	v23 =	vor.u32 @p4 v36, v23;
	(xrf0) =	vmax.scan.msk.f32 $0xffff, v30;
	vm1 =	vge.f32 @p1 v33, v27  }
0x1a9: {  	v30 =	vmax.f32 @p1 v33, v27;
	v29 =	vsel @p1 vm1, v29, v28;
	(xrf1) =	vsort.ascd.msk.f32 @p4 $0xffff, v25, v23  }
0x1aa: {  	s21 =	sor.u32 $0x10, s8;
	v32 =	vor.u32 v0, v34;
	(xrf1) =	vsort.ascd.msk.f32 @p1 $0xffff, v30, v29  }
0x1ab: {  	v23 =	vor.u32 s21, v32;
	_ =	sdelay $0x2  }
0x1ac: {  	v25, _, _ =	vpop (xrf0);
	s7 =	spop (v2sf)  }
0x1ad: {  	p2 =	sgt.f32 s7, $0.0e+00  }
0x1ae: {  	v23 =	vld.idx.msk [tilespmem:v23+s22+$0x0], $0xffff  }
0x1af: {  	(v2sf) =	vpush v25, $0xF;
	s7 =	simm.s32 @p2 $0x200  }
0x1b0: {  	v25 =	vld.idx.msk @p2 [tilespmem:v20+s7+$0x0], $0xffff;
	v20 =	vmov v31;
	_ =	sdelay $0x2  }
0x1b1: {  	v29 =	vmul.u32 @p4 $0xFFFFFFFF, v36  }
0x1b2: {  	vm1 =	vge.f32 v23, v21  }
0x1b3: {  	v29 =	vadd.s32 @p4 $0xF, v29;
	v31 =	vmov s5;
	v30 =	vsel vm1, $0x3F800000, v19;
	v33, v34, _ =	vpop @p4 (xrf1)  }
0x1b4: {  	v35 =	vlaneseq.u32 @p2;
	v25 =	vshll.u32 @p2 v25, $0x7;
	v33 =	vperm.xlane @p4 v33, v29;
	v36, v37, _ =	vpop @p1 (xrf1)  }
0x1b5: {  	v29 =	vperm.xlane @p4 v34, v29;
	v25 =	vor.u32 @p2 v31, v25;
	v27 =	vpsel p1, v36, v27  }
0x1b6: {  	v28 =	vpsel p1, v37, v28;
	v25 =	vor.u32 @p2 v35, v25;
	(xrf0) =	vmax.scan.msk.f32 $0xffff, v30;
	vm1 =	vge.f32 @p4 v33, v27  }
0x1b7: {  	v30 =	vmax.f32 @p4 v33, v27;
	v29 =	vsel @p4 vm1, v29, v28;
	(xrf1) =	vsort.ascd.msk.f32 @p2 $0xffff, v24, v25  }
0x1b8: {  	s7 =	sor.u32 $0x20, s8;
	(xrf1) =	vsort.ascd.msk.f32 @p4 $0xffff, v30, v29  }
0x1b9: {  	v24 =	vor.u32 s7, v32;
	_ =	sdelay $0x2  }
0x1ba: {  	s5 =	spop (v2sf);
	v29, _, _ =	vpop (xrf0)  }
0x1bb: {  	p0 =	sgt.f32 s5, $0.0e+00  }
0x1bc: {  	v25 =	vld.idx.msk [tilespmem:v24+s22+$0x0], $0xffff;
	(v2sf) =	vpush v29, $0xF  }
0x1bd: {  	s5 =	simm.s32 @p0 $0x200  }
0x1be: {  	v24 =	vld.idx.msk @p0 [tilespmem:v20+s5+$0x0], $0xffff;
	_ =	sdelay $0x2  }
0x1bf: {  	v29 =	vmul.u32 @p2 $0xFFFFFFFF, v35  }
0x1c0: {  	vm1 =	vge.f32 v25, v21  }
0x1c1: {  	v30 =	vmov s8;
	v29 =	vadd.s32 @p2 $0xF, v29;
	v31 =	vsel vm1, $0x3F800000, v19;
	v33, v34, _ =	vpop @p2 (xrf1)  }
0x1c2: {  	v35 =	vlaneseq.u32 @p0;
	v24 =	vshll.u32 @p0 v24, $0x7;
	v33 =	vperm.xlane @p2 v33, v29;
	v36, v37, _ =	vpop @p4 (xrf1)  }
0x1c3: {  	v24 =	vor.u32 @p0 v30, v24;
	v29 =	vperm.xlane @p2 v34, v29;
	v27 =	vpsel p4, v36, v27  }
0x1c4: {  	v24 =	vor.u32 @p0 v35, v24;
	v28 =	vpsel p4, v37, v28;
	(xrf0) =	vmax.scan.msk.f32 $0xffff, v31;
	vm1 =	vge.f32 @p2 v33, v27  }
0x1c5: {  	(xrf1) =	vsort.ascd.msk.f32 @p0 $0xffff, v26, v24;
	v24 =	vmax.f32 @p2 v33, v27;
	v26 =	vsel @p2 vm1, v29, v28  }
0x1c6: {  	s5 =	sor.u32 $0x30, s8;
	(xrf1) =	vsort.ascd.msk.f32 @p2 $0xffff, v24, v26  }
0x1c7: {  	v24 =	vor.u32 s5, v32;
	_ =	sdelay $0x1  }
0x1c8: {  	s8 =	spop (v2sf)  }
0x1c9: {  	p1 =	sgt.f32 s8, $0.0e+00;
	v26, _, _ =	vpop (xrf0);
	_ =	sdelay $0x1  }
0x1ca: {  	s8 =	simm.s32 @p1 $0x200;
	v24 =	vld.idx.msk [tilespmem:v24+s22+$0x0], $0xffff  }
0x1cb: {  	v31 =	vld.idx.msk @p1 [tilespmem:v20+s8+$0x0], $0xffff;
	(v2sf) =	vpush v26, $0xF;
	_ =	sdelay $0x1  }
.Ltmp0:
0x1cc: {  	(pc) =	sbr.rel @p3 .LBB2_2-.Ltmp0, $4  }
0x1cd: {  	_ = 	snop  }
0x1ce: {  	v26 =	vmul.u32 @p0 $0xFFFFFFFF, v35  }
0x1cf: {  	v30 =	vmov s21;
	vm1 =	vge.f32 v24, v21  }
0x1d0: {  	v29 =	vadd.s32 @p0 $0xF, v26;
	v32 =	vshll.u32 @p1 v31, $0x7;
	v26 =	vsel vm1, $0x3F800000, v19;
	v33, v31, _ =	vpop @p0 (xrf1)  }
0x1d1: {  	v21 =	vperm.xlane @p0 v33, v29;
	v30 =	vor.u32 @p1 v30, v32;
	v32, v33, _ =	vpop @p2 (xrf1)  }
0x1d2: {  	v34 =	vlaneseq.u32 @p1;
	v29 =	vperm.xlane @p0 v31, v29;
	v27 =	vpsel p2, v32, v27  }
0x1d3: {  	v28 =	vpsel p2, v33, v28;
	v30 =	vor.u32 @p1 v34, v30;
	vm1 =	vge.f32 @p0 v21, v27  }
0x1d4: {  	v21 =	vmax.f32 @p0 v21, v27;
	(xrf1) =	vsort.ascd.msk.f32 @p1 $0xffff, v23, v30;
	v29 =	vsel @p0 vm1, v29, v28  }
0x1d5: {  	(xrf1) =	vsort.ascd.msk.f32 @p0 $0xffff, v21, v29  }
0x1d6: {  	(xrf0) =	vmax.scan.msk.f32 $0xffff, v26;
	_ =	sdelay $0x3  }
0x1d7: {  	s3 =	spop (v2sf)  }
0x1d8: {  	p2 =	sgt.f32 s3, $0.0e+00  }
0x1d9: {  	v21, _, _ =	vpop (xrf0)  }
0x1da: {  	(v2sf) =	vpush v21, $0xF;
	s3 =	simm.s32 @p2 $0x200  }
0x1db: {  	v21 =	vld.idx.msk @p2 [tilespmem:v20+s3+$0x0], $0xffff;
	_ =	sdelay $0x1  }
0x1dc: {  	v23 =	vmul.u32 @p1 $0xFFFFFFFF, v34;
	_ =	sdelay $0x1  }
0x1dd: {  	v26 =	vmov s7;
	v23 =	vadd.s32 @p1 $0xF, v23;
	v29, v30, _ =	vpop @p1 (xrf1)  }
0x1de: {  	v31 =	vlaneseq.u32 @p2;
	v29 =	vperm.xlane @p1 v29, v23;
	v21 =	vshll.u32 @p2 v21, $0x7;
	v32, v33, _ =	vpop @p0 (xrf1)  }
0x1df: {  	v23 =	vperm.xlane @p1 v30, v23;
	v21 =	vor.u32 @p2 v26, v21;
	v27 =	vpsel p0, v32, v27  }
0x1e0: {  	v26 =	vpsel p0, v33, v28;
	v21 =	vor.u32 @p2 v31, v21;
	vm1 =	vge.f32 @p1 v29, v27  }
0x1e1: {  	v28 =	vmax.f32 @p1 v29, v27;
	(xrf1) =	vsort.ascd.msk.f32 @p2 $0xffff, v25, v21;
	v23 =	vsel @p1 vm1, v23, v26  }
0x1e2: {  	(xrf1) =	vsort.ascd.msk.f32 @p1 $0xffff, v28, v23;
	_ =	sdelay $0x4  }
0x1e3: {  	s7 =	spop (v2sf)  }
0x1e4: {  	p0 =	sgt.f32 s7, $0.0e+00;
	_ =	sdelay $0x1  }
0x1e5: {  	s3 =	simm.s32 @p0 $0x200  }
0x1e6: {  	v20 =	vld.idx.msk @p0 [tilespmem:v20+s3+$0x0], $0xffff;
	_ =	sdelay $0x1  }
0x1e7: {  	v21 =	vmul.u32 @p2 $0xFFFFFFFF, v31;
	_ =	sdelay $0x1  }
0x1e8: {  	v21 =	vadd.s32 @p2 $0xF, v21;
	v23 =	vmov s5;
	v25, v28, _ =	vpop @p2 (xrf1)  }
0x1e9: {  	v29 =	vlaneseq.u32 @p0;
	v20 =	vshll.u32 @p0 v20, $0x7;
	v25 =	vperm.xlane @p2 v25, v21;
	v30, v31, _ =	vpop @p1 (xrf1)  }
0x1ea: {  	v20 =	vor.u32 @p0 v23, v20;
	v21 =	vperm.xlane @p2 v28, v21;
	v27 =	vpsel p1, v30, v27  }
0x1eb: {  	v20 =	vor.u32 @p0 v29, v20;
	v23 =	vpsel p1, v31, v26;
	vm1 =	vge.f32 @p2 v25, v27  }
0x1ec: {  	(xrf1) =	vsort.ascd.msk.f32 @p0 $0xffff, v24, v20;
	v25 =	vmax.f32 @p2 v25, v27;
	v21 =	vsel @p2 vm1, v21, v23  }
0x1ed: {  	(xrf1) =	vsort.ascd.msk.f32 @p2 $0xffff, v25, v21;
	_ =	sdelay $0xa  }
0x1ee: {  	v20 =	vmul.u32 @p0 $0xFFFFFFFF, v29;
	_ =	sdelay $0x1  }
0x1ef: {  	v20 =	vadd.s32 @p0 $0xF, v20;
	v21, v24, _ =	vpop @p0 (xrf1)  }
0x1f0: {  	v21 =	vperm.xlane @p0 v21, v20;
	v25, v26, _ =	vpop @p2 (xrf1)  }
0x1f1: {  	v20 =	vperm.xlane @p0 v24, v20;
	v25 =	vpsel p2, v25, v27  }
0x1f2: {  	v23 =	vpsel p2, v26, v23;
	vm1 =	vge.f32 @p0 v21, v25  }
0x1f3: {  	v21 =	vmax.f32 @p0 v21, v25;
	v20 =	vsel @p0 vm1, v20, v23  }
0x1f4: {  	(xrf1) =	vsort.ascd.msk.f32 @p0 $0xffff, v21, v20;
	_ =	sdelay $0xd  }
0x1f5: {  	v20, v21, _ =	vpop @p0 (xrf1)  }
0x1f6: {  	v21 =	vpsel p0, v21, v23  }
0x1f7: {  	v20 =	vpsel p0, v20, v25;
	[tilespmem:$0x1240] =	vst v21  }
0x1f8: {  	(xrf0) =	vmax.scan.msk.f32 $0xffff, v22;
	[tilespmem:$0x1260] =	vst v20  }
0x1f9: {  	[tilespmem:s28], [sflag:$0x4] =	stream.indirect.gather [hbm4b:s1+s20], $0x80, s26, s20, $0xb8;
	[tilespmem:$0x2280] =	vst v63  }
0x1fa: {  	s8 =	simm.s32 $0x0;
	s21 =	simm.s32 $0x0  }
0x1fb: {  	v23 =	vmov s8;
	[tilespmem:s28], [sflag:$0x4] =	stream.indirect.gather [hbm4b:s1+s20], $0x80, s26, s20, $0xb8;
	[tilespmem:$0x2280] =	vst v63  }
0x1fc: {  	s3 =	sand.u32 $0x40, s21;
	v20 =	vshll.u32 v23, $0x7  }
0x1fd: {  	v21 =	vor.u32 s3, v20;
	[hbm4b:s9+s21] =	stream.linear.scatter [tilespmem:s26], [sflag:$0x6], $0x10, $0x38;
	[tilespmem:$0x2280] =	vst v63  }
0x1fe: {  	s6 =	simm.s32 $0x1260;
	v21 =	vor.u32 v0, v21  }
0x1ff: {  	v22, _, _ =	vpop (xrf0);
	[hbm4b:s10+s21] =	stream.linear.scatter [tilespmem:s6], [sflag:$0x6], $0x10, $0x38;
	[tilespmem:$0x2280] =	vst v63  }
0x200: {  	_ =	swait.ge [sflag:s30], $0x800  }
0x201: {  	[sflag:s30] =	ssyncset.done $0x0  }
0x202: {  	[sflag:s30] =	ssyncadd.s32 $0xFFFFF800  }
0x203: {  	v24 =	vld.idx.msk [tilespmem:v21+s24+$0x0], $0xffff;
	_ =	sdelay $0x2  }
0x204: {  	v21 =	vsub.f32 $0.0e+00, v22;
	_ =	sdelay $0x1  }
0x205: {  	vm1 =	vge.f32 v24, v21  }
0x206: {  	v22 =	vsel vm1, $0x3F800000, v19  }
0x207: {  	(xrf0) =	vmax.scan.msk.f32 $0xffff, v22;
	_ =	sdelay $0x3  }
0x208: {  	v20 =	vor.u32 v0, v20;
	s6 =	sor.u32 $0x10, s3  }
0x209: {  	v22 =	vor.u32 s6, v20  }
0x20a: {  	v25, _, _ =	vpop (xrf0)  }
0x20b: {  	(v2sf) =	vpush v25, $0xF;
	_ =	sdelay $0x2  }
0x20c: {  	v22 =	vld.idx.msk [tilespmem:v22+s24+$0x0], $0xffff;
	_ =	sdelay $0x4  }
0x20d: {  	vm1 =	vge.f32 v22, v21  }
0x20e: {  	v25 =	vsel vm1, $0x3F800000, v19  }
0x20f: {  	(xrf0) =	vmax.scan.msk.f32 $0xffff, v25;
	_ =	sdelay $0x4  }
0x210: {  	s7 =	spop (v2sf)  }
0x211: {  	s8 =	sor.u32 $0x20, s3;
	v25, _, _ =	vpop (xrf0);
	p0 =	sgt.f32 s7, $0.0e+00  }
0x212: {  	v26 =	vor.u32 s8, v20;
	(v2sf) =	vpush v25, $0xF  }
0x213: {  	s5 =	simm.s32 @p0 $0x210  }
0x214: {  	v25 =	vld.idx.msk @p0 [tilespmem:v23+s5+$0x0], $0xffff;
	_ =	sdelay $0x2  }
0x215: {  	v26 =	vld.idx.msk [tilespmem:v26+s24+$0x0], $0xffff;
	_ =	sdelay $0x1  }
0x216: {  	v27 =	vmov s3;
	v25 =	vshll.u32 @p0 v25, $0x7  }
0x217: {  	v28 =	vlaneseq.u32 @p0;
	v25 =	vor.u32 @p0 v27, v25  }
0x218: {  	v25 =	vor.u32 @p0 v28, v25  }
0x219: {  	vm1 =	vge.f32 v26, v21;
	(xrf1) =	vsort.ascd.msk.f32 @p0 $0xffff, v24, v25  }
0x21a: {  	v24 =	vsel vm1, $0x3F800000, v19  }
0x21b: {  	(xrf0) =	vmax.scan.msk.f32 $0xffff, v24;
	_ =	sdelay $0x2  }
0x21c: {  	s21 =	spop (v2sf)  }
0x21d: {  	p1 =	sgt.f32 s21, $0.0e+00  }
0x21e: {  	s7 =	sor.u32 $0x30, s3  }
0x21f: {  	v24 =	vor.u32 s7, v20;
	s3 =	simm.s32 @p1 $0x210;
	v20, _, _ =	vpop (xrf0)  }
0x220: {  	v25 =	vld.idx.msk @p1 [tilespmem:v23+s3+$0x0], $0xffff;
	(v2sf) =	vpush v20, $0xF  }
0x221: {  	s5 =	simm.s32 $0x0  }
0x222: {  	s3 =	simm.s32 $0x40;
	v20 =	vmov s5  }
0x223: {  	v27 =	vmul.u32 @p0 $0xFFFFFFFF, v28;
	s5 =	sand.u32 $0x40, s3;
	v28 =	vshll.u32 v20, $0x7  }
0x224: {  	v29 =	vmov s6;
	v24 =	vld.idx.msk [tilespmem:v24+s24+$0x0], $0xffff;
	v30 =	vor.u32 s5, v28  }
0x225: {  	v27 =	vadd.s32 @p0 $0xF, v27;
	v30 =	vor.u32 v0, v30;
	v25 =	vshll.u32 @p1 v25, $0x7;
	v31, v32, _ =	vpop @p0 (xrf1)  }
0x226: {  	v25 =	vor.u32 @p1 v29, v25;
	v29 =	vlaneseq.u32 @p1;
	v31 =	vperm.xlane @p0 v31, v27  }
0x227: {  	v33 =	vimm.f32 $-Inf;
	v25 =	vor.u32 @p1 v29, v25;
	v27 =	vperm.xlane @p0 v32, v27  }
0x228: {  	v32 =	vimm.s32 $0x0;
	(xrf1) =	vsort.ascd.msk.f32 @p1 $0xffff, v22, v25;
	vm1 =	vge.f32 @p0 v31, v33  }
0x229: {  	v25 =	vmax.f32 @p0 v31, v33;
	v22 =	vsel @p0 vm1, v27, v32;
	vm1 =	vge.f32 v24, v21  }
0x22a: {  	v27 =	vsel vm1, $0x3F800000, v19;
	(xrf1) =	vsort.ascd.msk.f32 @p0 $0xffff, v25, v22;
	v25 =	vld.idx.msk [tilespmem:v30+s24+$0x0], $0xffff  }
0x22b: {  	(xrf0) =	vmax.scan.msk.f32 $0xffff, v27;
	_ =	sdelay $0x3  }
0x22c: {  	s21 =	spop (v2sf);
	vm1 =	vge.f32 v25, v21  }
0x22d: {  	p3 =	sgt.f32 s21, $0.0e+00;
	v22 =	vsel vm1, $0x3F800000, v19  }
0x22e: {  	v27, _, _ =	vpop (xrf0);
	(xrf0) =	vmax.scan.msk.f32 $0xffff, v22  }
0x22f: {  	s6 =	simm.s32 @p3 $0x210;
	(v2sf) =	vpush v27, $0xF  }
0x230: {  	v22 =	vld.idx.msk @p3 [tilespmem:v23+s6+$0x0], $0xffff;
	_ =	sdelay $0x1  }
0x231: {  	v28 =	vor.u32 v0, v28;
	v27 =	vmul.u32 @p1 $0xFFFFFFFF, v29;
	s6 =	sor.u32 $0x10, s5  }
0x232: {  	v31 =	vor.u32 s6, v28;
	v29, v30, _ =	vpop @p1 (xrf1)  }
0x233: {  	v34 =	vmov s8;
	v36 =	vlaneseq.u32 @p3;
	v27 =	vadd.s32 @p1 $0xF, v27;
	v35, _, _ =	vpop (xrf0)  }
0x234: {  	v29 =	vperm.xlane @p1 v29, v27;
	v22 =	vshll.u32 @p3 v22, $0x7;
	(v2sf) =	vpush v35, $0xF;
	v35, v37, _ =	vpop @p0 (xrf1)  }
0x235: {  	v27 =	vperm.xlane @p1 v30, v27;
	v22 =	vor.u32 @p3 v34, v22;
	v33 =	vpsel p0, v35, v33  }
0x236: {  	v30 =	vpsel p0, v37, v32;
	v22 =	vor.u32 @p3 v36, v22;
	vm1 =	vge.f32 @p1 v29, v33  }
0x237: {  	v29 =	vmax.f32 @p1 v29, v33;
	(xrf1) =	vsort.ascd.msk.f32 @p3 $0xffff, v26, v22;
	v22 =	vld.idx.msk [tilespmem:v31+s24+$0x0], $0xffff;
	v27 =	vsel @p1 vm1, v27, v30  }
0x238: {  	(xrf1) =	vsort.ascd.msk.f32 @p1 $0xffff, v29, v27;
	_ =	sdelay $0x3  }
0x239: {  	vm1 =	vge.f32 v22, v21  }
0x23a: {  	v26 =	vsel vm1, $0x3F800000, v19;
	s21 =	spop (v2sf)  }
0x23b: {  	(xrf0) =	vmax.scan.msk.f32 $0xffff, v26;
	p2 =	sgt.f32 s21, $0.0e+00;
	_ =	sdelay $0x1  }
0x23c: {  	s8 =	simm.s32 @p2 $0x210  }
0x23d: {  	v23 =	vld.idx.msk @p2 [tilespmem:v23+s8+$0x0], $0xffff;
	_ =	sdelay $0x1  }
0x23e: {  	v26 =	vmul.u32 @p3 $0xFFFFFFFF, v36  }
0x23f: {  	s21 =	spop (v2sf);
	v27, _, _ =	vpop (xrf0)  }
0x240: {  	v29 =	vmov s7;
	v26 =	vadd.s32 @p3 $0xF, v26;
	p0 =	sgt.f32 s21, $0.0e+00;
	v31, v32, _ =	vpop @p3 (xrf1);
	(v2sf) =	vpush v27, $0xF  }
0x241: {  	v27 =	vperm.xlane @p3 v31, v26;
	v31 =	vlaneseq.u32 @p2;
	v23 =	vshll.u32 @p2 v23, $0x7;
	v34, v35, _ =	vpop @p1 (xrf1)  }
0x242: {  	v26 =	vperm.xlane @p3 v32, v26;
	s7 =	simm.s32 @p0 $0x210;
	v33 =	vpsel p1, v34, v33;
	v23 =	vor.u32 @p2 v29, v23  }
0x243: {  	v29 =	vld.idx.msk @p0 [tilespmem:v20+s7+$0x0], $0xffff;
	v30 =	vpsel p1, v35, v30;
	s7 =	sor.u32 $0x20, s5;
	vm1 =	vge.f32 @p3 v27, v33;
	v23 =	vor.u32 @p2 v31, v23  }
0x244: {  	v27 =	vmax.f32 @p3 v27, v33;
	v26 =	vsel @p3 vm1, v26, v30;
	(xrf1) =	vsort.ascd.msk.f32 @p2 $0xffff, v24, v23;
	v23 =	vor.u32 s7, v28  }
0x245: {  	(xrf1) =	vsort.ascd.msk.f32 @p3 $0xffff, v27, v26;
	_ =	sdelay $0x2  }
0x246: {  	v24 =	vmov s5;
	v26 =	vshll.u32 @p0 v29, $0x7  }
0x247: {  	v26 =	vor.u32 @p0 v24, v26;
	v24 =	vld.idx.msk [tilespmem:v23+s24+$0x0], $0xffff;
	_ =	sdelay $0x3  }
0x248: {  	v29 =	vlaneseq.u32 @p0  }
0x249: {  	v23 =	vor.u32 @p0 v29, v26;
	vm1 =	vge.f32 v24, v21  }
0x24a: {  	v26 =	vmul.u32 @p2 $0xFFFFFFFF, v31;
	(xrf1) =	vsort.ascd.msk.f32 @p0 $0xffff, v25, v23;
	v25 =	vsel vm1, $0x3F800000, v19;
	_ =	sdelay $0x1  }
0x24b: {  	s5 =	sor.u32 $0x30, s5  }
0x24c: {  	v23 =	vor.u32 s5, v28;
	v28 =	vadd.s32 @p2 $0xF, v26;
	(xrf0) =	vmax.scan.msk.f32 $0xffff, v25;
	v25, v27, _ =	vpop @p2 (xrf1)  }
0x24d: {  	v25 =	vperm.xlane @p2 v25, v28;
	v26, v31, _ =	vpop @p3 (xrf1)  }
0x24e: {  	v28 =	vperm.xlane @p2 v27, v28;
	v26 =	vpsel p3, v26, v33  }
0x24f: {  	v27 =	vpsel p3, v31, v30;
	vm1 =	vge.f32 @p2 v25, v26  }
0x250: {  	v25 =	vmax.f32 @p2 v25, v26;
	v28 =	vsel @p2 vm1, v28, v27  }
0x251: {  	(xrf1) =	vsort.ascd.msk.f32 @p2 $0xffff, v25, v28;
	_ =	sdelay $0x3  }
0x252: {  	s21 =	spop (v2sf)  }
0x253: {  	p1 =	sgt.f32 s21, $0.0e+00  }
0x254: {  	v30, _, _ =	vpop (xrf0)  }
0x255: {  	v23 =	vld.idx.msk [tilespmem:v23+s24+$0x0], $0xffff;
	s8 =	simm.s32 @p1 $0x210;
	(v2sf) =	vpush v30, $0xF  }
0x256: {  	v32 =	vld.idx.msk @p1 [tilespmem:v20+s8+$0x0], $0xffff;
	_ =	sdelay $0x2  }
0x257: {  	v31 =	vmul.u32 @p0 $0xFFFFFFFF, v29  }
0x258: {  	v29 =	vmov s6;
	vm1 =	vge.f32 v23, v21  }
0x259: {  	s6 =	simm.s32 $0x4;
	v28 =	vadd.s32 @p0 $0xF, v31;
	v31 =	vshll.u32 @p1 v32, $0x7;
	v25 =	vsel vm1, $0x3F800000, v19;
	v32, v30, _ =	vpop @p0 (xrf1)  }
.LBB2_4:
0x25a: {  	s6 =	sadd.s32 $0x4, s6;
	v32 =	vperm.xlane @p0 v32, v28;
	v29 =	vor.u32 @p1 v29, v31;
	v31 =	vlaneseq.u32 @p1;
	v33, v34, _ =	vpop @p2 (xrf1)  }
0x25b: {  	v28 =	vperm.xlane @p0 v30, v28;
	s8 =	sshrl.u32 s6, $0x3;
	v26 =	vpsel p2, v33, v26;
	v27 =	vpsel p2, v34, v27  }
0x25c: {  	s3 =	sadd.s32 $0x40, s3;
	v29 =	vor.u32 @p1 v31, v29;
	v30 =	vmov s8;
	vm1 =	vge.f32 @p0 v32, v26;
	(xrf0) =	vmax.scan.msk.f32 $0xffff, v25  }
0x25d: {  	s8 =	sand.u32 $0x40, s3;
	v25 =	vmax.f32 @p0 v32, v26;
	v33 =	vshll.u32 v30, $0x7;
	v28 =	vsel @p0 vm1, v28, v27;
	(xrf1) =	vsort.ascd.msk.f32 @p1 $0xffff, v22, v29  }
0x25e: {  	p3 =	slt.u32 s6, $0x7C;
	v22 =	vor.u32 s8, v33;
	(xrf1) =	vsort.ascd.msk.f32 @p0 $0xffff, v25, v28  }
0x25f: {  	v22 =	vor.u32 v0, v22;
	_ =	sdelay $0x2  }
0x260: {  	s21 =	spop (v2sf);
	v28, _, _ =	vpop (xrf0)  }
0x261: {  	p4 =	sgt.f32 s21, $0.0e+00  }
0x262: {  	v25 =	vld.idx.msk [tilespmem:v22+s24+$0x0], $0xffff  }
0x263: {  	s21 =	simm.s32 @p4 $0x210;
	(v2sf) =	vpush v28, $0xF  }
0x264: {  	v22 =	vld.idx.msk @p4 [tilespmem:v20+s21+$0x0], $0xffff;
	_ =	sdelay $0x2  }
0x265: {  	v28 =	vmul.u32 @p1 $0xFFFFFFFF, v31  }
0x266: {  	vm1 =	vge.f32 v25, v21  }
0x267: {  	v31 =	vmov s7;
	v28 =	vadd.s32 @p1 $0xF, v28;
	v29 =	vsel vm1, $0x3F800000, v19;
	v32, v34, _ =	vpop @p1 (xrf1)  }
0x268: {  	v35 =	vlaneseq.u32 @p4;
	v22 =	vshll.u32 @p4 v22, $0x7;
	v32 =	vperm.xlane @p1 v32, v28;
	v36, v37, _ =	vpop @p0 (xrf1)  }
0x269: {  	v28 =	vperm.xlane @p1 v34, v28;
	v22 =	vor.u32 @p4 v31, v22;
	v26 =	vpsel p0, v36, v26  }
0x26a: {  	v27 =	vpsel p0, v37, v27;
	v22 =	vor.u32 @p4 v35, v22;
	(xrf0) =	vmax.scan.msk.f32 $0xffff, v29;
	vm1 =	vge.f32 @p1 v32, v26  }
0x26b: {  	v29 =	vmax.f32 @p1 v32, v26;
	v28 =	vsel @p1 vm1, v28, v27;
	(xrf1) =	vsort.ascd.msk.f32 @p4 $0xffff, v24, v22  }
0x26c: {  	s21 =	sor.u32 $0x10, s8;
	v31 =	vor.u32 v0, v33;
	(xrf1) =	vsort.ascd.msk.f32 @p1 $0xffff, v29, v28  }
0x26d: {  	v22 =	vor.u32 s21, v31;
	_ =	sdelay $0x2  }
0x26e: {  	v24, _, _ =	vpop (xrf0);
	s7 =	spop (v2sf)  }
0x26f: {  	p2 =	sgt.f32 s7, $0.0e+00  }
0x270: {  	v22 =	vld.idx.msk [tilespmem:v22+s24+$0x0], $0xffff  }
0x271: {  	(v2sf) =	vpush v24, $0xF;
	s7 =	simm.s32 @p2 $0x210  }
0x272: {  	v24 =	vld.idx.msk @p2 [tilespmem:v20+s7+$0x0], $0xffff;
	v20 =	vmov v30;
	_ =	sdelay $0x2  }
0x273: {  	v28 =	vmul.u32 @p4 $0xFFFFFFFF, v35  }
0x274: {  	vm1 =	vge.f32 v22, v21  }
0x275: {  	v28 =	vadd.s32 @p4 $0xF, v28;
	v30 =	vmov s5;
	v29 =	vsel vm1, $0x3F800000, v19;
	v32, v33, _ =	vpop @p4 (xrf1)  }
0x276: {  	v34 =	vlaneseq.u32 @p2;
	v24 =	vshll.u32 @p2 v24, $0x7;
	v32 =	vperm.xlane @p4 v32, v28;
	v35, v36, _ =	vpop @p1 (xrf1)  }
0x277: {  	v28 =	vperm.xlane @p4 v33, v28;
	v24 =	vor.u32 @p2 v30, v24;
	v26 =	vpsel p1, v35, v26  }
0x278: {  	v27 =	vpsel p1, v36, v27;
	v24 =	vor.u32 @p2 v34, v24;
	(xrf0) =	vmax.scan.msk.f32 $0xffff, v29;
	vm1 =	vge.f32 @p4 v32, v26  }
0x279: {  	v29 =	vmax.f32 @p4 v32, v26;
	v28 =	vsel @p4 vm1, v28, v27;
	(xrf1) =	vsort.ascd.msk.f32 @p2 $0xffff, v23, v24  }
0x27a: {  	s7 =	sor.u32 $0x20, s8;
	(xrf1) =	vsort.ascd.msk.f32 @p4 $0xffff, v29, v28  }
0x27b: {  	v23 =	vor.u32 s7, v31;
	_ =	sdelay $0x2  }
0x27c: {  	s5 =	spop (v2sf);
	v28, _, _ =	vpop (xrf0)  }
0x27d: {  	p0 =	sgt.f32 s5, $0.0e+00  }
0x27e: {  	v24 =	vld.idx.msk [tilespmem:v23+s24+$0x0], $0xffff;
	(v2sf) =	vpush v28, $0xF  }
0x27f: {  	s5 =	simm.s32 @p0 $0x210  }
0x280: {  	v23 =	vld.idx.msk @p0 [tilespmem:v20+s5+$0x0], $0xffff;
	_ =	sdelay $0x2  }
0x281: {  	v28 =	vmul.u32 @p2 $0xFFFFFFFF, v34  }
0x282: {  	vm1 =	vge.f32 v24, v21  }
0x283: {  	v29 =	vmov s8;
	v28 =	vadd.s32 @p2 $0xF, v28;
	v30 =	vsel vm1, $0x3F800000, v19;
	v32, v33, _ =	vpop @p2 (xrf1)  }
0x284: {  	v34 =	vlaneseq.u32 @p0;
	v23 =	vshll.u32 @p0 v23, $0x7;
	v32 =	vperm.xlane @p2 v32, v28;
	v35, v36, _ =	vpop @p4 (xrf1)  }
0x285: {  	v23 =	vor.u32 @p0 v29, v23;
	v28 =	vperm.xlane @p2 v33, v28;
	v26 =	vpsel p4, v35, v26  }
0x286: {  	v23 =	vor.u32 @p0 v34, v23;
	v27 =	vpsel p4, v36, v27;
	(xrf0) =	vmax.scan.msk.f32 $0xffff, v30;
	vm1 =	vge.f32 @p2 v32, v26  }
0x287: {  	(xrf1) =	vsort.ascd.msk.f32 @p0 $0xffff, v25, v23;
	v23 =	vmax.f32 @p2 v32, v26;
	v25 =	vsel @p2 vm1, v28, v27  }
0x288: {  	s5 =	sor.u32 $0x30, s8;
	(xrf1) =	vsort.ascd.msk.f32 @p2 $0xffff, v23, v25  }
0x289: {  	v23 =	vor.u32 s5, v31;
	_ =	sdelay $0x1  }
0x28a: {  	s8 =	spop (v2sf)  }
0x28b: {  	p1 =	sgt.f32 s8, $0.0e+00;
	v25, _, _ =	vpop (xrf0);
	_ =	sdelay $0x1  }
0x28c: {  	s8 =	simm.s32 @p1 $0x210;
	v23 =	vld.idx.msk [tilespmem:v23+s24+$0x0], $0xffff  }
0x28d: {  	v30 =	vld.idx.msk @p1 [tilespmem:v20+s8+$0x0], $0xffff;
	(v2sf) =	vpush v25, $0xF;
	_ =	sdelay $0x1  }
.Ltmp1:
0x28e: {  	(pc) =	sbr.rel @p3 .LBB2_4-.Ltmp1, $4  }
0x28f: {  	_ = 	snop  }
0x290: {  	v25 =	vmul.u32 @p0 $0xFFFFFFFF, v34  }
0x291: {  	v29 =	vmov s21;
	vm1 =	vge.f32 v23, v21  }
0x292: {  	v28 =	vadd.s32 @p0 $0xF, v25;
	v31 =	vshll.u32 @p1 v30, $0x7;
	v25 =	vsel vm1, $0x3F800000, v19;
	v32, v30, _ =	vpop @p0 (xrf1)  }
0x293: {  	v21 =	vperm.xlane @p0 v32, v28;
	v29 =	vor.u32 @p1 v29, v31;
	v31, v32, _ =	vpop @p2 (xrf1)  }
0x294: {  	v33 =	vlaneseq.u32 @p1;
	v28 =	vperm.xlane @p0 v30, v28;
	v26 =	vpsel p2, v31, v26  }
0x295: {  	v27 =	vpsel p2, v32, v27;
	v29 =	vor.u32 @p1 v33, v29;
	vm1 =	vge.f32 @p0 v21, v26  }
0x296: {  	v21 =	vmax.f32 @p0 v21, v26;
	(xrf1) =	vsort.ascd.msk.f32 @p1 $0xffff, v22, v29;
	v28 =	vsel @p0 vm1, v28, v27  }
0x297: {  	(xrf1) =	vsort.ascd.msk.f32 @p0 $0xffff, v21, v28  }
0x298: {  	(xrf0) =	vmax.scan.msk.f32 $0xffff, v25;
	_ =	sdelay $0x3  }
0x299: {  	s3 =	spop (v2sf)  }
0x29a: {  	p2 =	sgt.f32 s3, $0.0e+00  }
0x29b: {  	v63, _, _ =	vpop (xrf0)  }
0x29c: {  	(v2sf) =	vpush v63, $0xF;
	s3 =	simm.s32 @p2 $0x210  }
0x29d: {  	v21 =	vld.idx.msk @p2 [tilespmem:v20+s3+$0x0], $0xffff;
	_ =	sdelay $0x1  }
0x29e: {  	v22 =	vmul.u32 @p1 $0xFFFFFFFF, v33;
	_ =	sdelay $0x1  }
0x29f: {  	v25 =	vmov s7;
	v22 =	vadd.s32 @p1 $0xF, v22;
	v28, v29, _ =	vpop @p1 (xrf1)  }
0x2a0: {  	v30 =	vlaneseq.u32 @p2;
	v28 =	vperm.xlane @p1 v28, v22;
	v21 =	vshll.u32 @p2 v21, $0x7;
	v31, v32, _ =	vpop @p0 (xrf1)  }
0x2a1: {  	v22 =	vperm.xlane @p1 v29, v22;
	v21 =	vor.u32 @p2 v25, v21;
	v26 =	vpsel p0, v31, v26  }
0x2a2: {  	v25 =	vpsel p0, v32, v27;
	v21 =	vor.u32 @p2 v30, v21;
	vm1 =	vge.f32 @p1 v28, v26  }
0x2a3: {  	v27 =	vmax.f32 @p1 v28, v26;
	(xrf1) =	vsort.ascd.msk.f32 @p2 $0xffff, v24, v21;
	v22 =	vsel @p1 vm1, v22, v25  }
0x2a4: {  	(xrf1) =	vsort.ascd.msk.f32 @p1 $0xffff, v27, v22;
	_ =	sdelay $0x4  }
0x2a5: {  	s8 =	spop (v2sf)  }
0x2a6: {  	p0 =	sgt.f32 s8, $0.0e+00;
	_ =	sdelay $0x1  }
0x2a7: {  	s3 =	simm.s32 @p0 $0x210  }
0x2a8: {  	v20 =	vld.idx.msk @p0 [tilespmem:v20+s3+$0x0], $0xffff;
	_ =	sdelay $0x1  }
0x2a9: {  	v21 =	vmul.u32 @p2 $0xFFFFFFFF, v30;
	_ =	sdelay $0x1  }
0x2aa: {  	v21 =	vadd.s32 @p2 $0xF, v21;
	v22 =	vmov s5;
	v24, v27, _ =	vpop @p2 (xrf1)  }
0x2ab: {  	v28 =	vlaneseq.u32 @p0;
	v20 =	vshll.u32 @p0 v20, $0x7;
	v24 =	vperm.xlane @p2 v24, v21;
	v29, v30, _ =	vpop @p1 (xrf1)  }
0x2ac: {  	v20 =	vor.u32 @p0 v22, v20;
	v21 =	vperm.xlane @p2 v27, v21;
	v26 =	vpsel p1, v29, v26  }
0x2ad: {  	v20 =	vor.u32 @p0 v28, v20;
	v22 =	vpsel p1, v30, v25;
	vm1 =	vge.f32 @p2 v24, v26  }
0x2ae: {  	(xrf1) =	vsort.ascd.msk.f32 @p0 $0xffff, v23, v20;
	v24 =	vmax.f32 @p2 v24, v26;
	v21 =	vsel @p2 vm1, v21, v22  }
0x2af: {  	(xrf1) =	vsort.ascd.msk.f32 @p2 $0xffff, v24, v21;
	_ =	sdelay $0xa  }
0x2b0: {  	v20 =	vmul.u32 @p0 $0xFFFFFFFF, v28;
	_ =	sdelay $0x1  }
0x2b1: {  	v20 =	vadd.s32 @p0 $0xF, v20;
	v21, v23, _ =	vpop @p0 (xrf1)  }
0x2b2: {  	v21 =	vperm.xlane @p0 v21, v20;
	v24, v25, _ =	vpop @p2 (xrf1)  }
0x2b3: {  	v20 =	vperm.xlane @p0 v23, v20;
	v24 =	vpsel p2, v24, v26  }
0x2b4: {  	v22 =	vpsel p2, v25, v22;
	vm1 =	vge.f32 @p0 v21, v24  }
0x2b5: {  	v21 =	vmax.f32 @p0 v21, v24;
	v20 =	vsel @p0 vm1, v20, v22  }
0x2b6: {  	(xrf1) =	vsort.ascd.msk.f32 @p0 $0xffff, v21, v20;
	_ =	sdelay $0xd  }
0x2b7: {  	v20, v21, _ =	vpop @p0 (xrf1)  }
0x2b8: {  	v21 =	vpsel p0, v21, v22  }
0x2b9: {  	v20 =	vpsel p0, v20, v24;
	[tilespmem:$0x1250] =	vst v21  }
0x2ba: {  	[tilespmem:$0x1270] =	vst v20  }
0x2bb: {  	[tilespmem:s0], [sflag:$0x5] =	stream.indirect.gather [hbm4b:s1+s20], $0x80, s31, s20, $0xb8;
	[tilespmem:$0x2280] =	vst v63  }
0x2bc: {  	_ = 	snop  }
0x2bd: {  	[tilespmem:s0], [sflag:$0x5] =	stream.indirect.gather [hbm4b:s1+s20], $0x80, s31, s20, $0xb8;
	[tilespmem:$0x2280] =	vst v63  }
0x2be: {  	_ = 	snop  }
0x2bf: {  	[hbm4b:s11+s2] =	stream.linear.scatter [tilespmem:s31], [sflag:$0x6], $0x10, $0x38;
	[tilespmem:$0x2280] =	vst v63  }
0x2c0: {  	s21 =	simm.s32 $0x1270  }
0x2c1: {  	[hbm4b:s12+s2] =	stream.linear.scatter [tilespmem:s21], [sflag:$0x6], $0x10, $0x38;
	[tilespmem:$0x2280] =	vst v63  }
0x2c2: {  	_ =	swait.ge [sflag:s16], $0x800  }
0x2c3: {  	[sflag:s16] =	ssyncset.done $0x0  }
0x2c4: {  	[sflag:s16] =	ssyncadd.s32 $0xFFFFF800  }
0x2c5: {  	[hbm4b:s13+s2] =	stream.linear.scatter [tilespmem:s28], [sflag:$0x6], $0x800, $0x38;
	[tilespmem:$0x2280] =	vst v63  }
0x2c6: {  	_ =	swait.ge [sflag:s17], $0x800  }
0x2c7: {  	[sflag:s17] =	ssyncset.done $0x0  }
0x2c8: {  	[sflag:s17] =	ssyncadd.s32 $0xFFFFF800  }
0x2c9: {  	[hbm4b:s14+s2] =	stream.linear.scatter [tilespmem:s0], [sflag:$0x6], $0x800, $0x38;
	[tilespmem:$0x2280] =	vst v63  }
0x2ca: {  	_ =	swait.ge [sflag:s18], $0x10  }
0x2cb: {  	[sflag:s18] =	ssyncset.done $0x0  }
0x2cc: {  	[sflag:s18] =	ssyncadd.s32 $0xFFFFFFF0  }
0x2cd: {  	_ =	swait.ge [sflag:s18], $0x10  }
0x2ce: {  	[sflag:s18] =	ssyncset.done $0x0  }
0x2cf: {  	[sflag:s18] =	ssyncadd.s32 $0xFFFFFFF0  }
0x2d0: {  	_ =	swait.ge [sflag:s18], $0x10  }
0x2d1: {  	[sflag:s18] =	ssyncset.done $0x0  }
0x2d2: {  	[sflag:s18] =	ssyncadd.s32 $0xFFFFFFF0  }
0x2d3: {  	_ =	swait.ge [sflag:s18], $0x10  }
0x2d4: {  	[sflag:s18] =	ssyncset.done $0x0  }
0x2d5: {  	s29 =	sadd.s32 $0x1, s29;
	[sflag:s18] =	ssyncadd.s32 $0xFFFFFFF0  }
0x2d6: {  	p0 =	sne.s32 s29, s15;
	_ =	swait.ge [sflag:s18], $0x800  }
.Ltmp2:
0x2d7: {  	[sflag:s18] =	ssyncset.done $0x0;
	(pc) =	sbr.rel @p0 .LBB2_1-.Ltmp2, $4  }
0x2d8: {  	[sflag:s18] =	ssyncadd.s32 $0xFFFFF800  }
0x2d9: {  	_ =	swait.ge [sflag:s18], $0x800  }
0x2da: {  	[sflag:s18] =	ssyncset.done $0x0  }
0x2db: {  	[sflag:s18] =	ssyncadd.s32 $0xFFFFF800  }
0x2dc: {  	_ =	sfence.sel $0x180000  }
0x2dd: {  	[bflag:$0x0] =	sbarrier.arrive $0xFFFF  }
0x2de: {  	_ =	strace $0x90000047  }
0x2df: {  	s0 =	stileid.u32;
	[bflag:$0x2] =	sbarrier.arrive $0xFFFF  }
0x2e0: {  	p0 =	sne.s32 s0, $0x0;
	s0 =	rddreg [dreg:$0x3]  }
0x2e1: {  	s0 =	sadd.s32 @!p0 $0x100000, s0  }
0x2e2: {  	[sflag:s0] =	ssyncadd.tile.s32 @!p0 $0x1;
	_ =	shalt  }
.Lfunc_end2:
_tile_overlayer_lowered:
.L_overlay_start_2:
0x2e3: {  	(tag) =	ssettag $0x2  }
0x2e4: {  	s0 =	rddreg [dreg:$0x0];
	s2 =	stileid.u32  }
0x2e5: {  	s1 =	rddreg [dreg:$0x1];
	p0 =	sne.s32 s2, $0x0  }
0x2e6: {  	s3 =	rddreg [dreg:$0x2];
	[bflag:$0x3] =	sbarrier.arrive $0xFFFF;
	s2 =	simm.s32 @!p0 $0x1C07  }
0x2e7: {  	[timem:s3], [sflag:s2] =	dma.local @!p0 [hbm:s0], s1  }
0x2e8: {  	s0 =	simm.s32 @!p0 $0x7  }
0x2e9: {  	_ =	swait.ge @!p0 [sflag:s0], s1  }
0x2ea: {  	s1 =	ssub.s32 @!p0 $0x0, s1;
	[sflag:s0] =	ssyncset.done @!p0 $0x0  }
0x2eb: {  	[sflag:s0] =	ssyncadd.s32 @!p0 s1  }
0x2ec: {  	[bflag:$0x3] =	sbarrier.arrive $0xFFFF  }
0x2ed: {  	_ =	shalt  }

</sc_bundles>
